<compile_context>
chip_gen: v7x
topology: tpu7x:2x2x1
jax: 0.10.2.dev20260603
libtpu: 0.0.44.dev20260713+nightly
codegen_flags: <defaults>
</compile_context>

<pallas_src>
import functools

import numpy as np

import jax
import jax.numpy as jnp
from jax import lax
from jax.experimental import pallas as pl
from jax.experimental.pallas import tpu as pltpu
from jax.experimental.pallas import tpu_sc as plsc

_N = 10000
_E = 640000
_D = 110
_DP = 128
_IN = 3
_SP = 8

_NT = 32
_K = 80
_EPT = _E // _NT
_NCH = _EPT // _K
_PREC = None
_RPS = 640
_ZR = 80



def _sc_gather_scatter_add(m, src, dst):
    mesh = plsc.VectorSubcoreMesh(core_axis_name="c", subcore_axis_name="s")

    @functools.partial(
        pl.kernel,
        out_type=jax.ShapeDtypeStruct((2, _N, _DP), jnp.float32),
        mesh=mesh,
        scratch_types=[
            pltpu.VMEM((_K,), jnp.int32),
            pltpu.VMEM((_K,), jnp.int32),
            pltpu.VMEM((_K,), jnp.int32),
            pltpu.VMEM((_K,), jnp.int32),
            pltpu.VMEM((_K, _DP), jnp.float32),
            pltpu.VMEM((_K, _DP), jnp.float32),
            pltpu.VMEM((_ZR, _DP), jnp.float32),
            pltpu.VMEM_SHARED((_N, _DP), jnp.float32),
            pltpu.SemaphoreType.DMA,
            pltpu.SemaphoreType.DMA,
        ],
    )
    def k(m_hbm, src_hbm, dst_hbm, out_hbm, sidx_a, didx_a, sidx_b, didx_b,
          rows_a, rows_b, zbuf, agg_sh, sem_a, sem_b):
        cid = lax.axis_index("c")
        sid = lax.axis_index("s")
        wid = cid * 16 + sid

        def zrow(i, carry):
            for g in range(_DP // 16):
                zbuf[i, pl.ds(g * 16, 16)] = jnp.zeros((16,), jnp.float32)
            return carry

        lax.fori_loop(0, _ZR, zrow, 0)
        nz = jnp.where(sid < 15, 8, 5)

        def zcopy(t, carry):
            pltpu.sync_copy(zbuf, agg_sh.at[pl.ds(sid * _RPS + t * _ZR, _ZR)])
            return carry

        lax.fori_loop(0, nz, zcopy, 0)
        plsc.subcore_barrier()

        ebase = wid * _EPT

        def fire(c, sidx, didx, rows, sem):
            pltpu.sync_copy(src_hbm.at[pl.ds(ebase + c * _K, _K)], sidx)
            pltpu.sync_copy(dst_hbm.at[pl.ds(ebase + c * _K, _K)], didx)
            pltpu.async_copy(m_hbm.at[sidx], rows, sem)

        def drain(sidx, rows, sem):
            pltpu.make_async_copy(m_hbm.at[sidx], rows, sem).wait()

        fire(0, sidx_a, didx_a, rows_a, sem_a)

        def pair(p, carry):
            c0 = 2 * p
            fire(c0 + 1, sidx_b, didx_b, rows_b, sem_b)
            drain(sidx_a, rows_a, sem_a)
            pltpu.sync_copy(rows_a, agg_sh.at[didx_a], add=True)

            @pl.when(p < _NCH // 2 - 1)
            def _():
                fire(c0 + 2, sidx_a, didx_a, rows_a, sem_a)

            drain(sidx_b, rows_b, sem_b)
            pltpu.sync_copy(rows_b, agg_sh.at[didx_b], add=True)
            return carry

        lax.fori_loop(0, _NCH // 2, pair, 0)
        plsc.subcore_barrier()

        @pl.when(sid < 15)
        def _():
            pltpu.sync_copy(agg_sh.at[pl.ds(sid * _RPS, _RPS)],
                            out_hbm.at[cid, pl.ds(sid * _RPS, _RPS)])

        @pl.when(sid == 15)
        def _():
            pltpu.sync_copy(agg_sh.at[pl.ds(15 * _RPS, _N - 15 * _RPS)],
                            out_hbm.at[cid, pl.ds(15 * _RPS, _N - 15 * _RPS)])

    return k(m, src, dst)



def _embed_body(x_ref, emb_ref, wp_ref, bp_ref, h_ref, m_ref, s_ref):
    xc = x_ref[...]
    h = jnp.zeros((_N, _DP), jnp.float32)
    for v in range(_IN):
        onehot = (xc == v).astype(jnp.float32)
        h = h + onehot * emb_ref[v:v + 1, :]
    h_ref[...] = h
    m_ref[...] = jnp.maximum(h, 0.0)
    s_ref[...] = (jnp.dot(h, wp_ref[...], precision=_PREC,
                          preferred_element_type=jnp.float32)
                  + bp_ref[...])


def _embed_call(xc, emb, wp, bp):
    return pl.pallas_call(
        _embed_body,
        out_shape=(
            jax.ShapeDtypeStruct((_N, _DP), jnp.float32),
            jax.ShapeDtypeStruct((_N, _DP), jnp.float32),
            jax.ShapeDtypeStruct((_N, _SP), jnp.float32),
        ),
    )(xc, emb, wp, bp)


_INV_N = np.float32(1.0 / _N)


def _colmean(y, mu=None):

    def slab(a):
        if mu is None:
            return a
        d = a - mu
        return d * d

    acc = slab(y[0:128])
    for g in range(1, 78):
        acc = acc + slab(y[g * 128:(g + 1) * 128])
    tail = jnp.concatenate(
        [slab(y[9984:10000]), jnp.zeros((112, y.shape[1]), jnp.float32)],
        axis=0)
    acc = acc + tail
    total = acc[0:8]
    for j in range(1, 16):
        total = total + acc[8 * j:8 * (j + 1)]
    s = total[0:4] + total[4:8]
    s = s[0:2] + s[2:4]
    s = s[0:1] + s[1:2]
    return s * _INV_N


def _bn(y, g, b):
    mu = _colmean(y)
    var = _colmean(y, mu)
    return g * (y - mu) / jnp.sqrt(var + 1e-5) + b


def _dense_body(h_ref, aggp_ref, eps_ref, w1_ref, b1_ref, g1_ref, be1_ref,
                w2_ref, b2_ref, g2_ref, be2_ref, wp_ref, bp_ref, s_in_ref,
                h_out_ref, m_out_ref, s_out_ref):
    h = h_ref[...]
    agg = aggp_ref[0] + aggp_ref[1]
    z = (1.0 + eps_ref[0, 0]) * h + agg
    y1 = jnp.dot(z, w1_ref[...], precision=_PREC,
                 preferred_element_type=jnp.float32) + b1_ref[...]
    z1 = jnp.maximum(_bn(y1, g1_ref[...], be1_ref[...]), 0.0)
    y2 = jnp.dot(z1, w2_ref[...], precision=_PREC,
                 preferred_element_type=jnp.float32) + b2_ref[...]
    hnew = jnp.maximum(_bn(y2, g2_ref[...], be2_ref[...]), 0.0)
    h_out = h + hnew
    h_out_ref[...] = h_out
    m_out_ref[...] = jnp.maximum(h_out, 0.0)
    s_out_ref[...] = (s_in_ref[...]
                      + jnp.dot(h_out, wp_ref[...], precision=_PREC,
                                preferred_element_type=jnp.float32)
                      + bp_ref[...])


def _dense_call(h, aggp, eps, lw, wp, bp, score):
    return pl.pallas_call(
        _dense_body,
        out_shape=(
            jax.ShapeDtypeStruct((_N, _DP), jnp.float32),
            jax.ShapeDtypeStruct((_N, _DP), jnp.float32),
            jax.ShapeDtypeStruct((_N, _SP), jnp.float32),
        ),
        in_specs=[
            pl.BlockSpec((_N, _DP), lambda: (0, 0)),
            pl.BlockSpec((2, _N, _DP), lambda: (0, 0, 0)),
            pl.BlockSpec(memory_space=pltpu.SMEM),
            pl.BlockSpec((_DP, _DP), lambda: (0, 0)),
            pl.BlockSpec((1, _DP), lambda: (0, 0)),
            pl.BlockSpec((1, _DP), lambda: (0, 0)),
            pl.BlockSpec((1, _DP), lambda: (0, 0)),
            pl.BlockSpec((_DP, _DP), lambda: (0, 0)),
            pl.BlockSpec((1, _DP), lambda: (0, 0)),
            pl.BlockSpec((1, _DP), lambda: (0, 0)),
            pl.BlockSpec((1, _DP), lambda: (0, 0)),
            pl.BlockSpec((_DP, _SP), lambda: (0, 0)),
            pl.BlockSpec((1, _SP), lambda: (0, 0)),
            pl.BlockSpec((_N, _SP), lambda: (0, 0)),
        ],
    )(h, aggp, eps, lw['W1'], lw['b1'], lw['bn1_g'], lw['bn1_b'],
      lw['W2'], lw['b2'], lw['bn_g'], lw['bn_b'], wp, bp, score)



def _pad_cols(a, width):
    return jnp.pad(a, ((0, 0), (0, width - a.shape[1])))


def _pad_vec(a, width):
    return jnp.pad(a, (0, width - a.shape[0])).reshape(1, width)


def kernel(x, edge_index, edge_attr, batch, params):
    del edge_attr, batch
    src = edge_index[0]
    dst = edge_index[1]
    xc = x.reshape(_N, 1).astype(jnp.int32)

    emb = jnp.pad(params['emb'], ((0, 8 - _IN), (0, _DP - _D)))
    preds = params['preds']
    wps = [_pad_cols(jnp.pad(p['W'], ((0, _DP - _D), (0, 0))), _SP)
           for p in preds]
    bp0 = _pad_vec(preds[0]['b'], _SP)
    for p in preds[1:]:
        bp0 = bp0 + _pad_vec(p['b'], _SP)
    bp_zero = jnp.zeros((1, _SP), jnp.float32)

    h, m, score = _embed_call(xc, emb, wps[0], bp0)

    for i, lp in enumerate(params['layers']):
        lw = {
            'W1': jnp.pad(lp['W1'], ((0, _DP - _D), (0, _DP - _D))),
            'b1': _pad_vec(lp['b1'], _DP),
            'bn1_g': _pad_vec(lp['bn1_g'], _DP),
            'bn1_b': _pad_vec(lp['bn1_b'], _DP),
            'W2': jnp.pad(lp['W2'], ((0, _DP - _D), (0, _DP - _D))),
            'b2': _pad_vec(lp['b2'], _DP),
            'bn_g': _pad_vec(lp['bn_g'], _DP),
            'bn_b': _pad_vec(lp['bn_b'], _DP),
        }
        eps = lp['eps'].reshape(1, 1)
        aggp = _sc_gather_scatter_add(m, src, dst)
        h, m, score = _dense_call(h, aggp, eps, lw, wps[i + 1], bp_zero, score)

    return score[:, :2]

# --- scband reference (transcript-rebuilt; emitter-appended) ---
"""Pipeline reference for scband-ginnet-74440373175008 (READ-ONLY COPY).

The authoritative reference and input builder live on the scoring server;
editing this copy changes nothing except your own understanding.
"""

import jax, jax.numpy as jnp
import numpy as np

N = 10000
E = 640000
D = 110
NC = 2
NL = 4
IN_DIM = 3


def _bn(h, g, b):
    m = jnp.mean(h, axis=0)
    v = jnp.var(h, axis=0)
    return g * (h - m) / jnp.sqrt(v + 1e-5) + b


def setup_inputs(seed: int = 0) -> dict:
    key = jax.random.key(seed)
    ks = jax.random.split(key, 16)
    x = jax.random.randint(ks[0], (N,), 0, IN_DIM, dtype=jnp.int64 if jax.config.jax_enable_x64 else jnp.int32)
    edge_index = jax.random.randint(ks[1], (2, E), 0, N, dtype=jnp.int64 if jax.config.jax_enable_x64 else jnp.int32)
    batch = jnp.sort(jax.random.randint(ks[2], (N,), 0, 16))
    params = {}
    params['emb'] = jax.random.normal(ks[3], (IN_DIM, D), dtype=jnp.float32) * 0.02
    layers = []
    for i in range(NL):
        lk = jax.random.split(ks[4 + i], 4)
        layers.append({
            'W1': jax.random.normal(lk[0], (D, D), dtype=jnp.float32) / np.sqrt(D),
            'b1': jnp.zeros((D,), jnp.float32),
            'bn1_g': jnp.ones((D,), jnp.float32),
            'bn1_b': jnp.zeros((D,), jnp.float32),
            'W2': jax.random.normal(lk[1], (D, D), dtype=jnp.float32) / np.sqrt(D),
            'b2': jnp.zeros((D,), jnp.float32),
            'eps': jnp.zeros((), jnp.float32),
            'bn_g': jnp.ones((D,), jnp.float32),
            'bn_b': jnp.zeros((D,), jnp.float32),
        })
    params['layers'] = layers
    preds = []
    for i in range(NL + 1):
        pk = jax.random.fold_in(ks[9], i)
        preds.append({
            'W': jax.random.normal(pk, (D, NC), dtype=jnp.float32) / np.sqrt(D),
            'b': jnp.zeros((NC,), jnp.float32),
        })
    params['preds'] = preds
    edge_attr = jax.random.normal(ks[10], (E, 4), dtype=jnp.float32)
    return {'x': x, 'edge_index': edge_index, 'edge_attr': edge_attr, 'batch': batch, 'params': params}


def _forward(x, edge_index, params):
    h = jnp.take(params['emb'], x, axis=0)
    hidden = [h]
    src = edge_index[0]
    dst = edge_index[1]
    for lp in params['layers']:
        # GINLayer called with edge_attr=None -> edge_embedding is zeros, message = relu(x_j + 0)
        msg = jax.nn.relu(jnp.take(h, src, axis=0))
        agg = jnp.zeros_like(h).at[dst].add(msg)
        z = (1.0 + lp['eps']) * h + agg
        z1 = jax.nn.relu(_bn(z @ lp['W1'] + lp['b1'], lp['bn1_g'], lp['bn1_b']))
        out = z1 @ lp['W2'] + lp['b2']
        hnew = jax.nn.relu(_bn(out, lp['bn_g'], lp['bn_b']))
        h = h + hnew
        hidden.append(h)
    score = jnp.zeros((h.shape[0], NC), jnp.float32)
    for hp, pp in zip(hidden, params['preds']):
        score = score + hp @ pp['W'] + pp['b']
    return score


def reference(x, edge_index, edge_attr, batch, params):
    # edge_attr and batch are unpacked by GINNet.forward but unused in compute path
    return _forward(x, edge_index, params)

if __name__ == "__main__":
    import jax
    _d = setup_inputs()
    print(jax.jit(kernel)(*tuple(_d.values())))

</pallas_src>

<mosaic_0001>
#map = affine_map<(d0, d1) -> (0, 0)>
#map1 = affine_map<(d0, d1) -> (0)>
#map2 = affine_map<(d0, d1) -> (0, 0, 0)>
module attributes {stable_mosaic.version = 14 : i64} {
  func.func @k(%arg0: i32, %arg1: i32, %arg2: memref<10000x128xf32, #tpu.memory_space<hbm>>, %arg3: memref<640000xi32, #tpu.memory_space<hbm>>, %arg4: memref<640000xi32, #tpu.memory_space<hbm>>, %arg5: memref<2x10000x128xf32, #tpu.memory_space<hbm>>, %arg6: memref<80xi32, #tpu.memory_space<vmem>>, %arg7: memref<80xi32, #tpu.memory_space<vmem>>, %arg8: memref<80xi32, #tpu.memory_space<vmem>>, %arg9: memref<80xi32, #tpu.memory_space<vmem>>, %arg10: memref<80x128xf32, #tpu.memory_space<vmem>>, %arg11: memref<80x128xf32, #tpu.memory_space<vmem>>, %arg12: memref<80x128xf32, #tpu.memory_space<vmem>>, %arg13: memref<10000x128xf32, #tpu.memory_space<vmem_shared>>, %arg14: memref<!tpu.dma_semaphore, #tpu.memory_space<semaphore_mem>>, %arg15: memref<!tpu.dma_semaphore, #tpu.memory_space<semaphore_mem>>) attributes {dimension_semantics = [#tpu.dimension_semantics<core_parallel>, #tpu.dimension_semantics<subcore_parallel>], iteration_bounds = array<i64: 2, 16>, scalar_prefetch = 0 : i64, scratch_operands = 10 : i64, tpu.core_type = #tpu.core_type<sc_vector_subcore>, window_params = [{transform_indices = #map}, {transform_indices = #map1}, {transform_indices = #map1}, {transform_indices = #map2}]} {
    %mul3A = arith.constant 16 : i32
    %mul3A_0 = arith.muli %arg0, %mul3A : i32
    %add3A = arith.addi %mul3A_0, %arg1 : i32
    %scan3A = arith.constant 0 : i32
    %scan3A_1 = arith.constant 0 : i32
    %scan3A_2 = arith.constant 80 : i32
    %scan3A_3 = arith.addi %scan3A_1, %scan3A_2 : i32
    %scan3A_4 = arith.constant 1 : i32
    scf.for %scan3A_39 = %scan3A_1 to %scan3A_3 step %scan3A_4  : i32 {
      %broadcast_in_dim3A = arith.constant 0.000000e+00 : f32
      %broadcast_in_dim3A_40 = vector.broadcast %broadcast_in_dim3A : f32 to vector<16xf32>
      %swap3A = arith.index_cast %scan3A_39 : i32 to index
      %swap3A_41 = arith.constant 0 : index
      %swap3A_42 = tpu.vector_load %arg12[%swap3A, %swap3A_41] {strides = array<i32>} : memref<80x128xf32, #tpu.memory_space<vmem>>, vector<1x16xf32>,
      %swap3A_43 = vector.shape_cast %swap3A_42 : vector<1x16xf32> to vector<16xf32>
      %swap3A_44 = vector.shape_cast %broadcast_in_dim3A_40 : vector<16xf32> to vector<1x16xf32>
      tpu.vector_store %arg12[%swap3A, %swap3A_41], %swap3A_44 {strides = array<i32>} : memref<80x128xf32, #tpu.memory_space<vmem>>, vector<1x16xf32>,
      %broadcast_in_dim3A_45 = arith.constant 0.000000e+00 : f32
      %broadcast_in_dim3A_46 = vector.broadcast %broadcast_in_dim3A_45 : f32 to vector<16xf32>
      %swap3A_47 = arith.index_cast %scan3A_39 : i32 to index
      %swap3A_48 = arith.constant 16 : index
      %swap3A_49 = tpu.vector_load %arg12[%swap3A_47, %swap3A_48] {strides = array<i32>} : memref<80x128xf32, #tpu.memory_space<vmem>>, vector<1x16xf32>,
      %swap3A_50 = vector.shape_cast %swap3A_49 : vector<1x16xf32> to vector<16xf32>
      %swap3A_51 = vector.shape_cast %broadcast_in_dim3A_46 : vector<16xf32> to vector<1x16xf32>
      tpu.vector_store %arg12[%swap3A_47, %swap3A_48], %swap3A_51 {strides = array<i32>} : memref<80x128xf32, #tpu.memory_space<vmem>>, vector<1x16xf32>,
      %broadcast_in_dim3A_52 = arith.constant 0.000000e+00 : f32
      %broadcast_in_dim3A_53 = vector.broadcast %broadcast_in_dim3A_52 : f32 to vector<16xf32>
      %swap3A_54 = arith.index_cast %scan3A_39 : i32 to index
      %swap3A_55 = arith.constant 32 : index
      %swap3A_56 = tpu.vector_load %arg12[%swap3A_54, %swap3A_55] {strides = array<i32>} : memref<80x128xf32, #tpu.memory_space<vmem>>, vector<1x16xf32>,
      %swap3A_57 = vector.shape_cast %swap3A_56 : vector<1x16xf32> to vector<16xf32>
      %swap3A_58 = vector.shape_cast %broadcast_in_dim3A_53 : vector<16xf32> to vector<1x16xf32>
      tpu.vector_store %arg12[%swap3A_54, %swap3A_55], %swap3A_58 {strides = array<i32>} : memref<80x128xf32, #tpu.memory_space<vmem>>, vector<1x16xf32>,
      %broadcast_in_dim3A_59 = arith.constant 0.000000e+00 : f32
      %broadcast_in_dim3A_60 = vector.broadcast %broadcast_in_dim3A_59 : f32 to vector<16xf32>
      %swap3A_61 = arith.index_cast %scan3A_39 : i32 to index
      %swap3A_62 = arith.constant 48 : index
      %swap3A_63 = tpu.vector_load %arg12[%swap3A_61, %swap3A_62] {strides = array<i32>} : memref<80x128xf32, #tpu.memory_space<vmem>>, vector<1x16xf32>,
      %swap3A_64 = vector.shape_cast %swap3A_63 : vector<1x16xf32> to vector<16xf32>
      %swap3A_65 = vector.shape_cast %broadcast_in_dim3A_60 : vector<16xf32> to vector<1x16xf32>
      tpu.vector_store %arg12[%swap3A_61, %swap3A_62], %swap3A_65 {strides = array<i32>} : memref<80x128xf32, #tpu.memory_space<vmem>>, vector<1x16xf32>,
      %broadcast_in_dim3A_66 = arith.constant 0.000000e+00 : f32
      %broadcast_in_dim3A_67 = vector.broadcast %broadcast_in_dim3A_66 : f32 to vector<16xf32>
      %swap3A_68 = arith.index_cast %scan3A_39 : i32 to index
      %swap3A_69 = arith.constant 64 : index
      %swap3A_70 = tpu.vector_load %arg12[%swap3A_68, %swap3A_69] {strides = array<i32>} : memref<80x128xf32, #tpu.memory_space<vmem>>, vector<1x16xf32>,
      %swap3A_71 = vector.shape_cast %swap3A_70 : vector<1x16xf32> to vector<16xf32>
      %swap3A_72 = vector.shape_cast %broadcast_in_dim3A_67 : vector<16xf32> to vector<1x16xf32>
      tpu.vector_store %arg12[%swap3A_68, %swap3A_69], %swap3A_72 {strides = array<i32>} : memref<80x128xf32, #tpu.memory_space<vmem>>, vector<1x16xf32>,
      %broadcast_in_dim3A_73 = arith.constant 0.000000e+00 : f32
      %broadcast_in_dim3A_74 = vector.broadcast %broadcast_in_dim3A_73 : f32 to vector<16xf32>
      %swap3A_75 = arith.index_cast %scan3A_39 : i32 to index
      %swap3A_76 = arith.constant 80 : index
      %swap3A_77 = tpu.vector_load %arg12[%swap3A_75, %swap3A_76] {strides = array<i32>} : memref<80x128xf32, #tpu.memory_space<vmem>>, vector<1x16xf32>,
      %swap3A_78 = vector.shape_cast %swap3A_77 : vector<1x16xf32> to vector<16xf32>
      %swap3A_79 = vector.shape_cast %broadcast_in_dim3A_74 : vector<16xf32> to vector<1x16xf32>
      tpu.vector_store %arg12[%swap3A_75, %swap3A_76], %swap3A_79 {strides = array<i32>} : memref<80x128xf32, #tpu.memory_space<vmem>>, vector<1x16xf32>,
      %broadcast_in_dim3A_80 = arith.constant 0.000000e+00 : f32
      %broadcast_in_dim3A_81 = vector.broadcast %broadcast_in_dim3A_80 : f32 to vector<16xf32>
      %swap3A_82 = arith.index_cast %scan3A_39 : i32 to index
      %swap3A_83 = arith.constant 96 : index
      %swap3A_84 = tpu.vector_load %arg12[%swap3A_82, %swap3A_83] {strides = array<i32>} : memref<80x128xf32, #tpu.memory_space<vmem>>, vector<1x16xf32>,
      %swap3A_85 = vector.shape_cast %swap3A_84 : vector<1x16xf32> to vector<16xf32>
      %swap3A_86 = vector.shape_cast %broadcast_in_dim3A_81 : vector<16xf32> to vector<1x16xf32>
      tpu.vector_store %arg12[%swap3A_82, %swap3A_83], %swap3A_86 {strides = array<i32>} : memref<80x128xf32, #tpu.memory_space<vmem>>, vector<1x16xf32>,
      %broadcast_in_dim3A_87 = arith.constant 0.000000e+00 : f32
      %broadcast_in_dim3A_88 = vector.broadcast %broadcast_in_dim3A_87 : f32 to vector<16xf32>
      %swap3A_89 = arith.index_cast %scan3A_39 : i32 to index
      %swap3A_90 = arith.constant 112 : index
      %swap3A_91 = tpu.vector_load %arg12[%swap3A_89, %swap3A_90] {strides = array<i32>} : memref<80x128xf32, #tpu.memory_space<vmem>>, vector<1x16xf32>,
      %swap3A_92 = vector.shape_cast %swap3A_91 : vector<1x16xf32> to vector<16xf32>
      %swap3A_93 = vector.shape_cast %broadcast_in_dim3A_88 : vector<16xf32> to vector<1x16xf32>
      tpu.vector_store %arg12[%swap3A_89, %swap3A_90], %swap3A_93 {strides = array<i32>} : memref<80x128xf32, #tpu.memory_space<vmem>>, vector<1x16xf32>,
    }
    %scan3A_5 = arith.constant 80 : i32
    %lt3A = arith.constant 15 : i32
    %lt3A_6 = arith.cmpi slt, %arg1, %lt3A : i32
    %jit3A = arith.constant 8 : i32
    %jit3A_7 = arith.constant 5 : i32
    %select_n3A = arith.select %lt3A_6, %jit3A, %jit3A_7 : i32
    %while3A = arith.constant 0 : i32
    %while3A_8 = arith.constant 0 : i32
    %while3A_9 = arith.subi %select_n3A, %while3A_8 : i32
    %while3A_10 = arith.addi %while3A_8, %while3A_9 : i32
    %while3A_11 = arith.constant 1 : i32
    %while3A_12 = arith.divsi %while3A_9, %while3A_11 : i32
    %while3A_13 = arith.muli %while3A_12, %while3A_11 : i32
    %while3A_14 = arith.addi %while3A_8, %while3A_13 : i32
    %while3A_15 = arith.constant 1 : i32
    scf.for %while3A_39 = %while3A_8 to %while3A_14 step %while3A_15  : i32 {
      %mul3A_40 = arith.constant 640 : i32
      %mul3A_41 = arith.muli %arg1, %mul3A_40 : i32
      %mul3A_42 = arith.constant 80 : i32
      %mul3A_43 = arith.muli %while3A_39, %mul3A_42 : i32
      %add3A_44 = arith.addi %mul3A_41, %mul3A_43 : i32
      "tpu.region"() ({
        %run_scoped3A = tpu.sem_alloc : memref<!tpu.dma_semaphore, #tpu.memory_space<semaphore_mem>>
        %dma_start3A_45 = arith.constant 0 : i32
        %dma_start3A_46 = tpu.memref_slice %arg13[%add3A_44, %dma_start3A_45] : memref<10000x128xf32, #tpu.memory_space<vmem_shared>> -> memref<80x128xf32, #tpu.memory_space<vmem_shared>>
        %dma_start3A_47 = arith.constant 0 : i32
        %dma_start3A_48 = tpu.memref_slice %arg13[%add3A_44, %dma_start3A_47] : memref<10000x128xf32, #tpu.memory_space<vmem_shared>> -> memref<80x128xf32, #tpu.memory_space<vmem_shared>>
        tpu.enqueue_dma source(%arg12 : memref<80x128xf32, #tpu.memory_space<vmem>>) target(%dma_start3A_48 : memref<80x128xf32, #tpu.memory_space<vmem_shared>>) target_semaphore(%run_scoped3A : memref<!tpu.dma_semaphore, #tpu.memory_space<semaphore_mem>>)
        %dma_wait3A = arith.constant 0 : i32
        %dma_wait3A_49 = tpu.memref_slice %arg13[%add3A_44, %dma_wait3A] : memref<10000x128xf32, #tpu.memory_space<vmem_shared>> -> memref<80x128xf32, #tpu.memory_space<vmem_shared>>
        %dma_wait3A_50 = arith.constant 0 : i32
        %dma_wait3A_51 = tpu.memref_slice %arg13[%add3A_44, %dma_wait3A_50] : memref<10000x128xf32, #tpu.memory_space<vmem_shared>> -> memref<80x128xf32, #tpu.memory_space<vmem_shared>>
        tpu.wait_dma2 semaphore(%run_scoped3A : memref<!tpu.dma_semaphore, #tpu.memory_space<semaphore_mem>>) src(%arg12 : memref<80x128xf32, #tpu.memory_space<vmem>>) dst(%dma_wait3A_51 : memref<80x128xf32, #tpu.memory_space<vmem_shared>>)
        tpu.yield
      }) : () -> ()
    }
    %while3A_16 = arith.constant 1 : i32
    scf.for %while3A_39 = %while3A_14 to %while3A_10 step %while3A_16  : i32 {
      %mul3A_40 = arith.constant 640 : i32
      %mul3A_41 = arith.muli %arg1, %mul3A_40 : i32
      %mul3A_42 = arith.constant 80 : i32
      %mul3A_43 = arith.muli %while3A_39, %mul3A_42 : i32
      %add3A_44 = arith.addi %mul3A_41, %mul3A_43 : i32
      "tpu.region"() ({
        %run_scoped3A = tpu.sem_alloc : memref<!tpu.dma_semaphore, #tpu.memory_space<semaphore_mem>>
        %dma_start3A_45 = arith.constant 0 : i32
        %dma_start3A_46 = tpu.memref_slice %arg13[%add3A_44, %dma_start3A_45] : memref<10000x128xf32, #tpu.memory_space<vmem_shared>> -> memref<80x128xf32, #tpu.memory_space<vmem_shared>>
        %dma_start3A_47 = arith.constant 0 : i32
        %dma_start3A_48 = tpu.memref_slice %arg13[%add3A_44, %dma_start3A_47] : memref<10000x128xf32, #tpu.memory_space<vmem_shared>> -> memref<80x128xf32, #tpu.memory_space<vmem_shared>>
        tpu.enqueue_dma source(%arg12 : memref<80x128xf32, #tpu.memory_space<vmem>>) target(%dma_start3A_48 : memref<80x128xf32, #tpu.memory_space<vmem_shared>>) target_semaphore(%run_scoped3A : memref<!tpu.dma_semaphore, #tpu.memory_space<semaphore_mem>>)
        %dma_wait3A = arith.constant 0 : i32
        %dma_wait3A_49 = tpu.memref_slice %arg13[%add3A_44, %dma_wait3A] : memref<10000x128xf32, #tpu.memory_space<vmem_shared>> -> memref<80x128xf32, #tpu.memory_space<vmem_shared>>
        %dma_wait3A_50 = arith.constant 0 : i32
        %dma_wait3A_51 = tpu.memref_slice %arg13[%add3A_44, %dma_wait3A_50] : memref<10000x128xf32, #tpu.memory_space<vmem_shared>> -> memref<80x128xf32, #tpu.memory_space<vmem_shared>>
        tpu.wait_dma2 semaphore(%run_scoped3A : memref<!tpu.dma_semaphore, #tpu.memory_space<semaphore_mem>>) src(%arg12 : memref<80x128xf32, #tpu.memory_space<vmem>>) dst(%dma_wait3A_51 : memref<80x128xf32, #tpu.memory_space<vmem_shared>>)
        tpu.yield
      }) : () -> ()
    }
    %barrier3A = arith.constant 0 : index
    tpu.barrier barrier_id(%barrier3A)
    %mul3A_17 = arith.constant 20000 : i32
    %mul3A_18 = arith.muli %add3A, %mul3A_17 : i32
    %add3A_19 = arith.constant 0 : i32
    %add3A_20 = arith.addi %mul3A_18, %add3A_19 : i32
    "tpu.region"() ({
      %run_scoped3A = tpu.sem_alloc : memref<!tpu.dma_semaphore, #tpu.memory_space<semaphore_mem>>
      %dma_start3A_39 = tpu.memref_slice %arg3[%add3A_20] : memref<640000xi32, #tpu.memory_space<hbm>> -> memref<80xi32, #tpu.memory_space<hbm>>
      %dma_start3A_40 = tpu.memref_slice %arg3[%add3A_20] : memref<640000xi32, #tpu.memory_space<hbm>> -> memref<80xi32, #tpu.memory_space<hbm>>
      tpu.enqueue_dma source(%dma_start3A_40 : memref<80xi32, #tpu.memory_space<hbm>>) target(%arg6 : memref<80xi32, #tpu.memory_space<vmem>>) target_semaphore(%run_scoped3A : memref<!tpu.dma_semaphore, #tpu.memory_space<semaphore_mem>>)
      %dma_wait3A = tpu.memref_slice %arg3[%add3A_20] : memref<640000xi32, #tpu.memory_space<hbm>> -> memref<80xi32, #tpu.memory_space<hbm>>
      %dma_wait3A_41 = tpu.memref_slice %arg3[%add3A_20] : memref<640000xi32, #tpu.memory_space<hbm>> -> memref<80xi32, #tpu.memory_space<hbm>>
      tpu.wait_dma2 semaphore(%run_scoped3A : memref<!tpu.dma_semaphore, #tpu.memory_space<semaphore_mem>>) src(%dma_wait3A_41 : memref<80xi32, #tpu.memory_space<hbm>>) dst(%arg6 : memref<80xi32, #tpu.memory_space<vmem>>)
      tpu.yield
    }) : () -> ()
    %add3A_21 = arith.constant 0 : i32
    %add3A_22 = arith.addi %mul3A_18, %add3A_21 : i32
    "tpu.region"() ({
      %run_scoped3A = tpu.sem_alloc : memref<!tpu.dma_semaphore, #tpu.memory_space<semaphore_mem>>
      %dma_start3A_39 = tpu.memref_slice %arg4[%add3A_22] : memref<640000xi32, #tpu.memory_space<hbm>> -> memref<80xi32, #tpu.memory_space<hbm>>
      %dma_start3A_40 = tpu.memref_slice %arg4[%add3A_22] : memref<640000xi32, #tpu.memory_space<hbm>> -> memref<80xi32, #tpu.memory_space<hbm>>
      tpu.enqueue_dma source(%dma_start3A_40 : memref<80xi32, #tpu.memory_space<hbm>>) target(%arg7 : memref<80xi32, #tpu.memory_space<vmem>>) target_semaphore(%run_scoped3A : memref<!tpu.dma_semaphore, #tpu.memory_space<semaphore_mem>>)
      %dma_wait3A = tpu.memref_slice %arg4[%add3A_22] : memref<640000xi32, #tpu.memory_space<hbm>> -> memref<80xi32, #tpu.memory_space<hbm>>
      %dma_wait3A_41 = tpu.memref_slice %arg4[%add3A_22] : memref<640000xi32, #tpu.memory_space<hbm>> -> memref<80xi32, #tpu.memory_space<hbm>>
      tpu.wait_dma2 semaphore(%run_scoped3A : memref<!tpu.dma_semaphore, #tpu.memory_space<semaphore_mem>>) src(%dma_wait3A_41 : memref<80xi32, #tpu.memory_space<hbm>>) dst(%arg7 : memref<80xi32, #tpu.memory_space<vmem>>)
      tpu.yield
    }) : () -> ()
    %dma_start3A = arith.constant 0 : i32
    %dma_start3A_23 = arith.constant 0 : i32
    %dma_start3A_24 = tpu.memref_slice %arg2[%dma_start3A, %dma_start3A_23] : memref<10000x128xf32, #tpu.memory_space<hbm>> -> memref<10000x128xf32, #tpu.memory_space<hbm>>
    tpu.enqueue_indirect_dma source(%dma_start3A_24 : memref<10000x128xf32, #tpu.memory_space<hbm>>) target(%arg10 : memref<80x128xf32, #tpu.memory_space<vmem>>) offsets(%arg6 : memref<80xi32, #tpu.memory_space<vmem>>) semaphore(%arg14 : memref<!tpu.dma_semaphore, #tpu.memory_space<semaphore_mem>>)
    %scan3A_25 = arith.constant 0 : i32
    %scan3A_26 = arith.constant 0 : i32
    %scan3A_27 = arith.constant 125 : i32
    %scan3A_28 = arith.addi %scan3A_26, %scan3A_27 : i32
    %scan3A_29 = arith.constant 1 : i32
    scf.for %scan3A_39 = %scan3A_26 to %scan3A_28 step %scan3A_29  : i32 {
      %mul3A_40 = arith.constant 2 : i32
      %mul3A_41 = arith.muli %mul3A_40, %scan3A_39 : i32
      %add3A_42 = arith.constant 1 : i32
      %add3A_43 = arith.addi %mul3A_41, %add3A_42 : i32
      %mul3A_44 = arith.constant 80 : i32
      %mul3A_45 = arith.muli %add3A_43, %mul3A_44 : i32
      %add3A_46 = arith.addi %mul3A_18, %mul3A_45 : i32
      "tpu.region"() ({
        %run_scoped3A = tpu.sem_alloc : memref<!tpu.dma_semaphore, #tpu.memory_space<semaphore_mem>>
        %dma_start3A_63 = tpu.memref_slice %arg3[%add3A_46] : memref<640000xi32, #tpu.memory_space<hbm>> -> memref<80xi32, #tpu.memory_space<hbm>>
        %dma_start3A_64 = tpu.memref_slice %arg3[%add3A_46] : memref<640000xi32, #tpu.memory_space<hbm>> -> memref<80xi32, #tpu.memory_space<hbm>>
        tpu.enqueue_dma source(%dma_start3A_64 : memref<80xi32, #tpu.memory_space<hbm>>) target(%arg8 : memref<80xi32, #tpu.memory_space<vmem>>) target_semaphore(%run_scoped3A : memref<!tpu.dma_semaphore, #tpu.memory_space<semaphore_mem>>)
        %dma_wait3A_65 = tpu.memref_slice %arg3[%add3A_46] : memref<640000xi32, #tpu.memory_space<hbm>> -> memref<80xi32, #tpu.memory_space<hbm>>
        %dma_wait3A_66 = tpu.memref_slice %arg3[%add3A_46] : memref<640000xi32, #tpu.memory_space<hbm>> -> memref<80xi32, #tpu.memory_space<hbm>>
        tpu.wait_dma2 semaphore(%run_scoped3A : memref<!tpu.dma_semaphore, #tpu.memory_space<semaphore_mem>>) src(%dma_wait3A_66 : memref<80xi32, #tpu.memory_space<hbm>>) dst(%arg8 : memref<80xi32, #tpu.memory_space<vmem>>)
        tpu.yield
      }) : () -> ()
      %mul3A_47 = arith.constant 80 : i32
      %mul3A_48 = arith.muli %add3A_43, %mul3A_47 : i32
      %add3A_49 = arith.addi %mul3A_18, %mul3A_48 : i32
      "tpu.region"() ({
        %run_scoped3A = tpu.sem_alloc : memref<!tpu.dma_semaphore, #tpu.memory_space<semaphore_mem>>
        %dma_start3A_63 = tpu.memref_slice %arg4[%add3A_49] : memref<640000xi32, #tpu.memory_space<hbm>> -> memref<80xi32, #tpu.memory_space<hbm>>
        %dma_start3A_64 = tpu.memref_slice %arg4[%add3A_49] : memref<640000xi32, #tpu.memory_space<hbm>> -> memref<80xi32, #tpu.memory_space<hbm>>
        tpu.enqueue_dma source(%dma_start3A_64 : memref<80xi32, #tpu.memory_space<hbm>>) target(%arg9 : memref<80xi32, #tpu.memory_space<vmem>>) target_semaphore(%run_scoped3A : memref<!tpu.dma_semaphore, #tpu.memory_space<semaphore_mem>>)
        %dma_wait3A_65 = tpu.memref_slice %arg4[%add3A_49] : memref<640000xi32, #tpu.memory_space<hbm>> -> memref<80xi32, #tpu.memory_space<hbm>>
        %dma_wait3A_66 = tpu.memref_slice %arg4[%add3A_49] : memref<640000xi32, #tpu.memory_space<hbm>> -> memref<80xi32, #tpu.memory_space<hbm>>
        tpu.wait_dma2 semaphore(%run_scoped3A : memref<!tpu.dma_semaphore, #tpu.memory_space<semaphore_mem>>) src(%dma_wait3A_66 : memref<80xi32, #tpu.memory_space<hbm>>) dst(%arg9 : memref<80xi32, #tpu.memory_space<vmem>>)
        tpu.yield
      }) : () -> ()
      %dma_start3A_50 = arith.constant 0 : i32
      %dma_start3A_51 = arith.constant 0 : i32
      %dma_start3A_52 = tpu.memref_slice %arg2[%dma_start3A_50, %dma_start3A_51] : memref<10000x128xf32, #tpu.memory_space<hbm>> -> memref<10000x128xf32, #tpu.memory_space<hbm>>
      tpu.enqueue_indirect_dma source(%dma_start3A_52 : memref<10000x128xf32, #tpu.memory_space<hbm>>) target(%arg11 : memref<80x128xf32, #tpu.memory_space<vmem>>) offsets(%arg8 : memref<80xi32, #tpu.memory_space<vmem>>) semaphore(%arg15 : memref<!tpu.dma_semaphore, #tpu.memory_space<semaphore_mem>>)
      %dma_wait3A = arith.constant 0 : i32
      %dma_wait3A_53 = arith.constant 0 : i32
      %dma_wait3A_54 = tpu.memref_slice %arg2[%dma_wait3A, %dma_wait3A_53] : memref<10000x128xf32, #tpu.memory_space<hbm>> -> memref<10000x128xf32, #tpu.memory_space<hbm>>
      tpu.wait_indirect_dma semaphore(%arg14 : memref<!tpu.dma_semaphore, #tpu.memory_space<semaphore_mem>>) src(%dma_wait3A_54 : memref<10000x128xf32, #tpu.memory_space<hbm>>) dst(%arg10 : memref<80x128xf32, #tpu.memory_space<vmem>>)
      "tpu.region"() ({
        %run_scoped3A = tpu.sem_alloc : memref<!tpu.dma_semaphore, #tpu.memory_space<semaphore_mem>>
        %dma_start3A_63 = arith.constant 0 : i32
        %dma_start3A_64 = arith.constant 0 : i32
        %dma_start3A_65 = tpu.memref_slice %arg13[%dma_start3A_63, %dma_start3A_64] : memref<10000x128xf32, #tpu.memory_space<vmem_shared>> -> memref<10000x128xf32, #tpu.memory_space<vmem_shared>>
        tpu.enqueue_indirect_dma source(%arg10 : memref<80x128xf32, #tpu.memory_space<vmem>>) target(%dma_start3A_65 : memref<10000x128xf32, #tpu.memory_space<vmem_shared>>) offsets(%arg7 : memref<80xi32, #tpu.memory_space<vmem>>) semaphore(%run_scoped3A : memref<!tpu.dma_semaphore, #tpu.memory_space<semaphore_mem>>) {add = true}
        %dma_wait3A_66 = arith.constant 0 : i32
        %dma_wait3A_67 = arith.constant 0 : i32
        %dma_wait3A_68 = tpu.memref_slice %arg13[%dma_wait3A_66, %dma_wait3A_67] : memref<10000x128xf32, #tpu.memory_space<vmem_shared>> -> memref<10000x128xf32, #tpu.memory_space<vmem_shared>>
        tpu.wait_indirect_dma semaphore(%run_scoped3A : memref<!tpu.dma_semaphore, #tpu.memory_space<semaphore_mem>>) src(%arg10 : memref<80x128xf32, #tpu.memory_space<vmem>>) dst(%dma_wait3A_68 : memref<10000x128xf32, #tpu.memory_space<vmem_shared>>)
        tpu.yield
      }) : () -> ()
      %lt3A_55 = arith.constant 124 : i32
      %lt3A_56 = arith.cmpi slt, %scan3A_39, %lt3A_55 : i32
      %convert_element_type3A_57 = arith.extui %lt3A_56 : i1 to i32
      %cond3A_58 = arith.constant 0 : i32
      %cond3A_59 = arith.cmpi ne, %convert_element_type3A_57, %cond3A_58 : i32
      scf.if %cond3A_59 {
        %add3A_63 = arith.constant 2 : i32
        %add3A_64 = arith.addi %mul3A_41, %add3A_63 : i32
        %mul3A_65 = arith.constant 80 : i32
        %mul3A_66 = arith.muli %add3A_64, %mul3A_65 : i32
        %add3A_67 = arith.addi %mul3A_18, %mul3A_66 : i32
        "tpu.region"() ({
          %run_scoped3A = tpu.sem_alloc : memref<!tpu.dma_semaphore, #tpu.memory_space<semaphore_mem>>
          %dma_start3A_74 = tpu.memref_slice %arg3[%add3A_67] : memref<640000xi32, #tpu.memory_space<hbm>> -> memref<80xi32, #tpu.memory_space<hbm>>
          %dma_start3A_75 = tpu.memref_slice %arg3[%add3A_67] : memref<640000xi32, #tpu.memory_space<hbm>> -> memref<80xi32, #tpu.memory_space<hbm>>
          tpu.enqueue_dma source(%dma_start3A_75 : memref<80xi32, #tpu.memory_space<hbm>>) target(%arg6 : memref<80xi32, #tpu.memory_space<vmem>>) target_semaphore(%run_scoped3A : memref<!tpu.dma_semaphore, #tpu.memory_space<semaphore_mem>>)
          %dma_wait3A_76 = tpu.memref_slice %arg3[%add3A_67] : memref<640000xi32, #tpu.memory_space<hbm>> -> memref<80xi32, #tpu.memory_space<hbm>>
          %dma_wait3A_77 = tpu.memref_slice %arg3[%add3A_67] : memref<640000xi32, #tpu.memory_space<hbm>> -> memref<80xi32, #tpu.memory_space<hbm>>
          tpu.wait_dma2 semaphore(%run_scoped3A : memref<!tpu.dma_semaphore, #tpu.memory_space<semaphore_mem>>) src(%dma_wait3A_77 : memref<80xi32, #tpu.memory_space<hbm>>) dst(%arg6 : memref<80xi32, #tpu.memory_space<vmem>>)
          tpu.yield
        }) : () -> ()
        %mul3A_68 = arith.constant 80 : i32
        %mul3A_69 = arith.muli %add3A_64, %mul3A_68 : i32
        %add3A_70 = arith.addi %mul3A_18, %mul3A_69 : i32
        "tpu.region"() ({
          %run_scoped3A = tpu.sem_alloc : memref<!tpu.dma_semaphore, #tpu.memory_space<semaphore_mem>>
          %dma_start3A_74 = tpu.memref_slice %arg4[%add3A_70] : memref<640000xi32, #tpu.memory_space<hbm>> -> memref<80xi32, #tpu.memory_space<hbm>>
          %dma_start3A_75 = tpu.memref_slice %arg4[%add3A_70] : memref<640000xi32, #tpu.memory_space<hbm>> -> memref<80xi32, #tpu.memory_space<hbm>>
          tpu.enqueue_dma source(%dma_start3A_75 : memref<80xi32, #tpu.memory_space<hbm>>) target(%arg7 : memref<80xi32, #tpu.memory_space<vmem>>) target_semaphore(%run_scoped3A : memref<!tpu.dma_semaphore, #tpu.memory_space<semaphore_mem>>)
          %dma_wait3A_76 = tpu.memref_slice %arg4[%add3A_70] : memref<640000xi32, #tpu.memory_space<hbm>> -> memref<80xi32, #tpu.memory_space<hbm>>
          %dma_wait3A_77 = tpu.memref_slice %arg4[%add3A_70] : memref<640000xi32, #tpu.memory_space<hbm>> -> memref<80xi32, #tpu.memory_space<hbm>>
          tpu.wait_dma2 semaphore(%run_scoped3A : memref<!tpu.dma_semaphore, #tpu.memory_space<semaphore_mem>>) src(%dma_wait3A_77 : memref<80xi32, #tpu.memory_space<hbm>>) dst(%arg7 : memref<80xi32, #tpu.memory_space<vmem>>)
          tpu.yield
        }) : () -> ()
        %dma_start3A_71 = arith.constant 0 : i32
        %dma_start3A_72 = arith.constant 0 : i32
        %dma_start3A_73 = tpu.memref_slice %arg2[%dma_start3A_71, %dma_start3A_72] : memref<10000x128xf32, #tpu.memory_space<hbm>> -> memref<10000x128xf32, #tpu.memory_space<hbm>>
        tpu.enqueue_indirect_dma source(%dma_start3A_73 : memref<10000x128xf32, #tpu.memory_space<hbm>>) target(%arg10 : memref<80x128xf32, #tpu.memory_space<vmem>>) offsets(%arg6 : memref<80xi32, #tpu.memory_space<vmem>>) semaphore(%arg14 : memref<!tpu.dma_semaphore, #tpu.memory_space<semaphore_mem>>)
      } else {
      }
      %dma_wait3A_60 = arith.constant 0 : i32
      %dma_wait3A_61 = arith.constant 0 : i32
      %dma_wait3A_62 = tpu.memref_slice %arg2[%dma_wait3A_60, %dma_wait3A_61] : memref<10000x128xf32, #tpu.memory_space<hbm>> -> memref<10000x128xf32, #tpu.memory_space<hbm>>
      tpu.wait_indirect_dma semaphore(%arg15 : memref<!tpu.dma_semaphore, #tpu.memory_space<semaphore_mem>>) src(%dma_wait3A_62 : memref<10000x128xf32, #tpu.memory_space<hbm>>) dst(%arg11 : memref<80x128xf32, #tpu.memory_space<vmem>>)
      "tpu.region"() ({
        %run_scoped3A = tpu.sem_alloc : memref<!tpu.dma_semaphore, #tpu.memory_space<semaphore_mem>>
        %dma_start3A_63 = arith.constant 0 : i32
        %dma_start3A_64 = arith.constant 0 : i32
        %dma_start3A_65 = tpu.memref_slice %arg13[%dma_start3A_63, %dma_start3A_64] : memref<10000x128xf32, #tpu.memory_space<vmem_shared>> -> memref<10000x128xf32, #tpu.memory_space<vmem_shared>>
        tpu.enqueue_indirect_dma source(%arg11 : memref<80x128xf32, #tpu.memory_space<vmem>>) target(%dma_start3A_65 : memref<10000x128xf32, #tpu.memory_space<vmem_shared>>) offsets(%arg9 : memref<80xi32, #tpu.memory_space<vmem>>) semaphore(%run_scoped3A : memref<!tpu.dma_semaphore, #tpu.memory_space<semaphore_mem>>) {add = true}
        %dma_wait3A_66 = arith.constant 0 : i32
        %dma_wait3A_67 = arith.constant 0 : i32
        %dma_wait3A_68 = tpu.memref_slice %arg13[%dma_wait3A_66, %dma_wait3A_67] : memref<10000x128xf32, #tpu.memory_space<vmem_shared>> -> memref<10000x128xf32, #tpu.memory_space<vmem_shared>>
        tpu.wait_indirect_dma semaphore(%run_scoped3A : memref<!tpu.dma_semaphore, #tpu.memory_space<semaphore_mem>>) src(%arg11 : memref<80x128xf32, #tpu.memory_space<vmem>>) dst(%dma_wait3A_68 : memref<10000x128xf32, #tpu.memory_space<vmem_shared>>)
        tpu.yield
      }) : () -> ()
    }
    %scan3A_30 = arith.constant 125 : i32
    %barrier3A_31 = arith.constant 0 : index
    tpu.barrier barrier_id(%barrier3A_31)
    %lt3A_32 = arith.constant 15 : i32
    %lt3A_33 = arith.cmpi slt, %arg1, %lt3A_32 : i32
    %convert_element_type3A = arith.extui %lt3A_33 : i1 to i32
    %cond3A = arith.constant 0 : i32
    %cond3A_34 = arith.cmpi ne, %convert_element_type3A, %cond3A : i32
    scf.if %cond3A_34 {
      %mul3A_39 = arith.constant 640 : i32
      %mul3A_40 = arith.muli %arg1, %mul3A_39 : i32
      %mul3A_41 = arith.constant 640 : i32
      %mul3A_42 = arith.muli %arg1, %mul3A_41 : i32
      "tpu.region"() ({
        %run_scoped3A = tpu.sem_alloc : memref<!tpu.dma_semaphore, #tpu.memory_space<semaphore_mem>>
        %dma_start3A_43 = arith.constant 0 : i32
        %dma_start3A_44 = tpu.memref_slice %arg5[%arg0, %mul3A_42, %dma_start3A_43] : memref<2x10000x128xf32, #tpu.memory_space<hbm>> -> memref<1x640x128xf32, #tpu.memory_space<hbm>>
        %dma_start3A_45 = tpu.memref_squeeze %dma_start3A_44 : memref<1x640x128xf32, #tpu.memory_space<hbm>> -> memref<640x128xf32, #tpu.memory_space<hbm>>
        %dma_start3A_46 = arith.constant 0 : i32
        %dma_start3A_47 = tpu.memref_slice %arg13[%mul3A_40, %dma_start3A_46] : memref<10000x128xf32, #tpu.memory_space<vmem_shared>> -> memref<640x128xf32, #tpu.memory_space<vmem_shared>>
        tpu.enqueue_dma source(%dma_start3A_47 : memref<640x128xf32, #tpu.memory_space<vmem_shared>>) target(%dma_start3A_45 : memref<640x128xf32, #tpu.memory_space<hbm>>) target_semaphore(%run_scoped3A : memref<!tpu.dma_semaphore, #tpu.memory_space<semaphore_mem>>)
        %dma_wait3A = arith.constant 0 : i32
        %dma_wait3A_48 = tpu.memref_slice %arg5[%arg0, %mul3A_42, %dma_wait3A] : memref<2x10000x128xf32, #tpu.memory_space<hbm>> -> memref<1x640x128xf32, #tpu.memory_space<hbm>>
        %dma_wait3A_49 = tpu.memref_squeeze %dma_wait3A_48 : memref<1x640x128xf32, #tpu.memory_space<hbm>> -> memref<640x128xf32, #tpu.memory_space<hbm>>
        %dma_wait3A_50 = arith.constant 0 : i32
        %dma_wait3A_51 = tpu.memref_slice %arg13[%mul3A_40, %dma_wait3A_50] : memref<10000x128xf32, #tpu.memory_space<vmem_shared>> -> memref<640x128xf32, #tpu.memory_space<vmem_shared>>
        tpu.wait_dma2 semaphore(%run_scoped3A : memref<!tpu.dma_semaphore, #tpu.memory_space<semaphore_mem>>) src(%dma_wait3A_51 : memref<640x128xf32, #tpu.memory_space<vmem_shared>>) dst(%dma_wait3A_49 : memref<640x128xf32, #tpu.memory_space<hbm>>)
        tpu.yield
      }) : () -> ()
    } else {
    }
    %eq3A = arith.constant 15 : i32
    %eq3A_35 = arith.cmpi eq, %arg1, %eq3A : i32
    %convert_element_type3A_36 = arith.extui %eq3A_35 : i1 to i32
    %cond3A_37 = arith.constant 0 : i32
    %cond3A_38 = arith.cmpi ne, %convert_element_type3A_36, %cond3A_37 : i32
    scf.if %cond3A_38 {
      "tpu.region"() ({
        %run_scoped3A = tpu.sem_alloc : memref<!tpu.dma_semaphore, #tpu.memory_space<semaphore_mem>>
        %dma_start3A_39 = arith.constant 9600 : i32
        %dma_start3A_40 = arith.constant 0 : i32
        %dma_start3A_41 = tpu.memref_slice %arg5[%arg0, %dma_start3A_39, %dma_start3A_40] : memref<2x10000x128xf32, #tpu.memory_space<hbm>> -> memref<1x400x128xf32, #tpu.memory_space<hbm>>
        %dma_start3A_42 = tpu.memref_squeeze %dma_start3A_41 : memref<1x400x128xf32, #tpu.memory_space<hbm>> -> memref<400x128xf32, #tpu.memory_space<hbm>>
        %dma_start3A_43 = arith.constant 9600 : i32
        %dma_start3A_44 = arith.constant 0 : i32
        %dma_start3A_45 = tpu.memref_slice %arg13[%dma_start3A_43, %dma_start3A_44] : memref<10000x128xf32, #tpu.memory_space<vmem_shared>> -> memref<400x128xf32, #tpu.memory_space<vmem_shared>>
        tpu.enqueue_dma source(%dma_start3A_45 : memref<400x128xf32, #tpu.memory_space<vmem_shared>>) target(%dma_start3A_42 : memref<400x128xf32, #tpu.memory_space<hbm>>) target_semaphore(%run_scoped3A : memref<!tpu.dma_semaphore, #tpu.memory_space<semaphore_mem>>)
        %dma_wait3A = arith.constant 9600 : i32
        %dma_wait3A_46 = arith.constant 0 : i32
        %dma_wait3A_47 = tpu.memref_slice %arg5[%arg0, %dma_wait3A, %dma_wait3A_46] : memref<2x10000x128xf32, #tpu.memory_space<hbm>> -> memref<1x400x128xf32, #tpu.memory_space<hbm>>
        %dma_wait3A_48 = tpu.memref_squeeze %dma_wait3A_47 : memref<1x400x128xf32, #tpu.memory_space<hbm>> -> memref<400x128xf32, #tpu.memory_space<hbm>>
        %dma_wait3A_49 = arith.constant 9600 : i32
        %dma_wait3A_50 = arith.constant 0 : i32
        %dma_wait3A_51 = tpu.memref_slice %arg13[%dma_wait3A_49, %dma_wait3A_50] : memref<10000x128xf32, #tpu.memory_space<vmem_shared>> -> memref<400x128xf32, #tpu.memory_space<vmem_shared>>
        tpu.wait_dma2 semaphore(%run_scoped3A : memref<!tpu.dma_semaphore, #tpu.memory_space<semaphore_mem>>) src(%dma_wait3A_51 : memref<400x128xf32, #tpu.memory_space<vmem_shared>>) dst(%dma_wait3A_48 : memref<400x128xf32, #tpu.memory_space<hbm>>)
        tpu.yield
      }) : () -> ()
    } else {
    }
    return
  }
}

#map = affine_map<(d0, d1) -> (0, 0)>
#map1 = affine_map<(d0, d1) -> (0)>
#map2 = affine_map<(d0, d1) -> (0, 0, 0)>
module attributes {stable_mosaic.version = 14 : i64} {
  func.func @k(%arg0: i32, %arg1: i32, %arg2: memref<10000x128xf32, #tpu.memory_space<hbm>>, %arg3: memref<640000xi32, #tpu.memory_space<hbm>>, %arg4: memref<640000xi32, #tpu.memory_space<hbm>>, %arg5: memref<2x10000x128xf32, #tpu.memory_space<hbm>>, %arg6: memref<80xi32, #tpu.memory_space<vmem>>, %arg7: memref<80xi32, #tpu.memory_space<vmem>>, %arg8: memref<80xi32, #tpu.memory_space<vmem>>, %arg9: memref<80xi32, #tpu.memory_space<vmem>>, %arg10: memref<80x128xf32, #tpu.memory_space<vmem>>, %arg11: memref<80x128xf32, #tpu.memory_space<vmem>>, %arg12: memref<80x128xf32, #tpu.memory_space<vmem>>, %arg13: memref<10000x128xf32, #tpu.memory_space<vmem_shared>>, %arg14: memref<!tpu.dma_semaphore, #tpu.memory_space<semaphore_mem>>, %arg15: memref<!tpu.dma_semaphore, #tpu.memory_space<semaphore_mem>>) attributes {dimension_semantics = [#tpu.dimension_semantics<core_parallel>, #tpu.dimension_semantics<subcore_parallel>], iteration_bounds = array<i64: 2, 16>, scalar_prefetch = 0 : i64, scratch_operands = 10 : i64, tpu.core_type = #tpu.core_type<sc_vector_subcore>, window_params = [{transform_indices = #map}, {transform_indices = #map1}, {transform_indices = #map1}, {transform_indices = #map2}]} {
    %mul3A = arith.constant 16 : i32
    %mul3A_0 = arith.muli %arg0, %mul3A : i32
    %add3A = arith.addi %mul3A_0, %arg1 : i32
    %scan3A = arith.constant 0 : i32
    %scan3A_1 = arith.constant 0 : i32
    %scan3A_2 = arith.constant 80 : i32
    %scan3A_3 = arith.addi %scan3A_1, %scan3A_2 : i32
    %scan3A_4 = arith.constant 1 : i32
    scf.for %scan3A_39 = %scan3A_1 to %scan3A_3 step %scan3A_4  : i32 {
      %broadcast_in_dim3A = arith.constant 0.000000e+00 : f32
      %broadcast_in_dim3A_40 = vector.broadcast %broadcast_in_dim3A : f32 to vector<16xf32>
      %swap3A = arith.index_cast %scan3A_39 : i32 to index
      %swap3A_41 = arith.constant 0 : index
      %swap3A_42 = tpu.vector_load %arg12[%swap3A, %swap3A_41] {strides = array<i32>} : memref<80x128xf32, #tpu.memory_space<vmem>>, vector<1x16xf32>,
      %swap3A_43 = vector.shape_cast %swap3A_42 : vector<1x16xf32> to vector<16xf32>
      %swap3A_44 = vector.shape_cast %broadcast_in_dim3A_40 : vector<16xf32> to vector<1x16xf32>
      tpu.vector_store %arg12[%swap3A, %swap3A_41], %swap3A_44 {strides = array<i32>} : memref<80x128xf32, #tpu.memory_space<vmem>>, vector<1x16xf32>,
      %broadcast_in_dim3A_45 = arith.constant 0.000000e+00 : f32
      %broadcast_in_dim3A_46 = vector.broadcast %broadcast_in_dim3A_45 : f32 to vector<16xf32>
      %swap3A_47 = arith.index_cast %scan3A_39 : i32 to index
      %swap3A_48 = arith.constant 16 : index
      %swap3A_49 = tpu.vector_load %arg12[%swap3A_47, %swap3A_48] {strides = array<i32>} : memref<80x128xf32, #tpu.memory_space<vmem>>, vector<1x16xf32>,
      %swap3A_50 = vector.shape_cast %swap3A_49 : vector<1x16xf32> to vector<16xf32>
      %swap3A_51 = vector.shape_cast %broadcast_in_dim3A_46 : vector<16xf32> to vector<1x16xf32>
      tpu.vector_store %arg12[%swap3A_47, %swap3A_48], %swap3A_51 {strides = array<i32>} : memref<80x128xf32, #tpu.memory_space<vmem>>, vector<1x16xf32>,
      %broadcast_in_dim3A_52 = arith.constant 0.000000e+00 : f32
      %broadcast_in_dim3A_53 = vector.broadcast %broadcast_in_dim3A_52 : f32 to vector<16xf32>
      %swap3A_54 = arith.index_cast %scan3A_39 : i32 to index
      %swap3A_55 = arith.constant 32 : index
      %swap3A_56 = tpu.vector_load %arg12[%swap3A_54, %swap3A_55] {strides = array<i32>} : memref<80x128xf32, #tpu.memory_space<vmem>>, vector<1x16xf32>,
      %swap3A_57 = vector.shape_cast %swap3A_56 : vector<1x16xf32> to vector<16xf32>
      %swap3A_58 = vector.shape_cast %broadcast_in_dim3A_53 : vector<16xf32> to vector<1x16xf32>
      tpu.vector_store %arg12[%swap3A_54, %swap3A_55], %swap3A_58 {strides = array<i32>} : memref<80x128xf32, #tpu.memory_space<vmem>>, vector<1x16xf32>,
      %broadcast_in_dim3A_59 = arith.constant 0.000000e+00 : f32
      %broadcast_in_dim3A_60 = vector.broadcast %broadcast_in_dim3A_59 : f32 to vector<16xf32>
      %swap3A_61 = arith.index_cast %scan3A_39 : i32 to index
      %swap3A_62 = arith.constant 48 : index
      %swap3A_63 = tpu.vector_load %arg12[%swap3A_61, %swap3A_62] {strides = array<i32>} : memref<80x128xf32, #tpu.memory_space<vmem>>, vector<1x16xf32>,
      %swap3A_64 = vector.shape_cast %swap3A_63 : vector<1x16xf32> to vector<16xf32>
      %swap3A_65 = vector.shape_cast %broadcast_in_dim3A_60 : vector<16xf32> to vector<1x16xf32>
      tpu.vector_store %arg12[%swap3A_61, %swap3A_62], %swap3A_65 {strides = array<i32>} : memref<80x128xf32, #tpu.memory_space<vmem>>, vector<1x16xf32>,
      %broadcast_in_dim3A_66 = arith.constant 0.000000e+00 : f32
      %broadcast_in_dim3A_67 = vector.broadcast %broadcast_in_dim3A_66 : f32 to vector<16xf32>
      %swap3A_68 = arith.index_cast %scan3A_39 : i32 to index
      %swap3A_69 = arith.constant 64 : index
      %swap3A_70 = tpu.vector_load %arg12[%swap3A_68, %swap3A_69] {strides = array<i32>} : memref<80x128xf32, #tpu.memory_space<vmem>>, vector<1x16xf32>,
      %swap3A_71 = vector.shape_cast %swap3A_70 : vector<1x16xf32> to vector<16xf32>
      %swap3A_72 = vector.shape_cast %broadcast_in_dim3A_67 : vector<16xf32> to vector<1x16xf32>
      tpu.vector_store %arg12[%swap3A_68, %swap3A_69], %swap3A_72 {strides = array<i32>} : memref<80x128xf32, #tpu.memory_space<vmem>>, vector<1x16xf32>,
      %broadcast_in_dim3A_73 = arith.constant 0.000000e+00 : f32
      %broadcast_in_dim3A_74 = vector.broadcast %broadcast_in_dim3A_73 : f32 to vector<16xf32>
      %swap3A_75 = arith.index_cast %scan3A_39 : i32 to index
      %swap3A_76 = arith.constant 80 : index
      %swap3A_77 = tpu.vector_load %arg12[%swap3A_75, %swap3A_76] {strides = array<i32>} : memref<80x128xf32, #tpu.memory_space<vmem>>, vector<1x16xf32>,
      %swap3A_78 = vector.shape_cast %swap3A_77 : vector<1x16xf32> to vector<16xf32>
      %swap3A_79 = vector.shape_cast %broadcast_in_dim3A_74 : vector<16xf32> to vector<1x16xf32>
      tpu.vector_store %arg12[%swap3A_75, %swap3A_76], %swap3A_79 {strides = array<i32>} : memref<80x128xf32, #tpu.memory_space<vmem>>, vector<1x16xf32>,
      %broadcast_in_dim3A_80 = arith.constant 0.000000e+00 : f32
      %broadcast_in_dim3A_81 = vector.broadcast %broadcast_in_dim3A_80 : f32 to vector<16xf32>
      %swap3A_82 = arith.index_cast %scan3A_39 : i32 to index
      %swap3A_83 = arith.constant 96 : index
      %swap3A_84 = tpu.vector_load %arg12[%swap3A_82, %swap3A_83] {strides = array<i32>} : memref<80x128xf32, #tpu.memory_space<vmem>>, vector<1x16xf32>,
      %swap3A_85 = vector.shape_cast %swap3A_84 : vector<1x16xf32> to vector<16xf32>
      %swap3A_86 = vector.shape_cast %broadcast_in_dim3A_81 : vector<16xf32> to vector<1x16xf32>
      tpu.vector_store %arg12[%swap3A_82, %swap3A_83], %swap3A_86 {strides = array<i32>} : memref<80x128xf32, #tpu.memory_space<vmem>>, vector<1x16xf32>,
      %broadcast_in_dim3A_87 = arith.constant 0.000000e+00 : f32
      %broadcast_in_dim3A_88 = vector.broadcast %broadcast_in_dim3A_87 : f32 to vector<16xf32>
      %swap3A_89 = arith.index_cast %scan3A_39 : i32 to index
      %swap3A_90 = arith.constant 112 : index
      %swap3A_91 = tpu.vector_load %arg12[%swap3A_89, %swap3A_90] {strides = array<i32>} : memref<80x128xf32, #tpu.memory_space<vmem>>, vector<1x16xf32>,
      %swap3A_92 = vector.shape_cast %swap3A_91 : vector<1x16xf32> to vector<16xf32>
      %swap3A_93 = vector.shape_cast %broadcast_in_dim3A_88 : vector<16xf32> to vector<1x16xf32>
      tpu.vector_store %arg12[%swap3A_89, %swap3A_90], %swap3A_93 {strides = array<i32>} : memref<80x128xf32, #tpu.memory_space<vmem>>, vector<1x16xf32>,
    }
    %scan3A_5 = arith.constant 80 : i32
    %lt3A = arith.constant 15 : i32
    %lt3A_6 = arith.cmpi slt, %arg1, %lt3A : i32
    %jit3A = arith.constant 8 : i32
    %jit3A_7 = arith.constant 5 : i32
    %select_n3A = arith.select %lt3A_6, %jit3A, %jit3A_7 : i32
    %while3A = arith.constant 0 : i32
    %while3A_8 = arith.constant 0 : i32
    %while3A_9 = arith.subi %select_n3A, %while3A_8 : i32
    %while3A_10 = arith.addi %while3A_8, %while3A_9 : i32
    %while3A_11 = arith.constant 1 : i32
    %while3A_12 = arith.divsi %while3A_9, %while3A_11 : i32
    %while3A_13 = arith.muli %while3A_12, %while3A_11 : i32
    %while3A_14 = arith.addi %while3A_8, %while3A_13 : i32
    %while3A_15 = arith.constant 1 : i32
    scf.for %while3A_39 = %while3A_8 to %while3A_14 step %while3A_15  : i32 {
      %mul3A_40 = arith.constant 640 : i32
      %mul3A_41 = arith.muli %arg1, %mul3A_40 : i32
      %mul3A_42 = arith.constant 80 : i32
      %mul3A_43 = arith.muli %while3A_39, %mul3A_42 : i32
      %add3A_44 = arith.addi %mul3A_41, %mul3A_43 : i32
      "tpu.region"() ({
        %run_scoped3A = tpu.sem_alloc : memref<!tpu.dma_semaphore, #tpu.memory_space<semaphore_mem>>
        %dma_start3A_45 = arith.constant 0 : i32
        %dma_start3A_46 = tpu.memref_slice %arg13[%add3A_44, %dma_start3A_45] : memref<10000x128xf32, #tpu.memory_space<vmem_shared>> -> memref<80x128xf32, #tpu.memory_space<vmem_shared>>
        %dma_start3A_47 = arith.constant 0 : i32
        %dma_start3A_48 = tpu.memref_slice %arg13[%add3A_44, %dma_start3A_47] : memref<10000x128xf32, #tpu.memory_space<vmem_shared>> -> memref<80x128xf32, #tpu.memory_space<vmem_shared>>
        tpu.enqueue_dma source(%arg12 : memref<80x128xf32, #tpu.memory_space<vmem>>) target(%dma_start3A_48 : memref<80x128xf32, #tpu.memory_space<vmem_shared>>) target_semaphore(%run_scoped3A : memref<!tpu.dma_semaphore, #tpu.memory_space<semaphore_mem>>)
        %dma_wait3A = arith.constant 0 : i32
        %dma_wait3A_49 = tpu.memref_slice %arg13[%add3A_44, %dma_wait3A] : memref<10000x128xf32, #tpu.memory_space<vmem_shared>> -> memref<80x128xf32, #tpu.memory_space<vmem_shared>>
        %dma_wait3A_50 = arith.constant 0 : i32
        %dma_wait3A_51 = tpu.memref_slice %arg13[%add3A_44, %dma_wait3A_50] : memref<10000x128xf32, #tpu.memory_space<vmem_shared>> -> memref<80x128xf32, #tpu.memory_space<vmem_shared>>
        tpu.wait_dma2 semaphore(%run_scoped3A : memref<!tpu.dma_semaphore, #tpu.memory_space<semaphore_mem>>) src(%arg12 : memref<80x128xf32, #tpu.memory_space<vmem>>) dst(%dma_wait3A_51 : memref<80x128xf32, #tpu.memory_space<vmem_shared>>)
        tpu.yield
      }) : () -> ()
    }
    %while3A_16 = arith.constant 1 : i32
    scf.for %while3A_39 = %while3A_14 to %while3A_10 step %while3A_16  : i32 {
      %mul3A_40 = arith.constant 640 : i32
      %mul3A_41 = arith.muli %arg1, %mul3A_40 : i32
      %mul3A_42 = arith.constant 80 : i32
      %mul3A_43 = arith.muli %while3A_39, %mul3A_42 : i32
      %add3A_44 = arith.addi %mul3A_41, %mul3A_43 : i32
      "tpu.region"() ({
        %run_scoped3A = tpu.sem_alloc : memref<!tpu.dma_semaphore, #tpu.memory_space<semaphore_mem>>
        %dma_start3A_45 = arith.constant 0 : i32
        %dma_start3A_46 = tpu.memref_slice %arg13[%add3A_44, %dma_start3A_45] : memref<10000x128xf32, #tpu.memory_space<vmem_shared>> -> memref<80x128xf32, #tpu.memory_space<vmem_shared>>
        %dma_start3A_47 = arith.constant 0 : i32
        %dma_start3A_48 = tpu.memref_slice %arg13[%add3A_44, %dma_start3A_47] : memref<10000x128xf32, #tpu.memory_space<vmem_shared>> -> memref<80x128xf32, #tpu.memory_space<vmem_shared>>
        tpu.enqueue_dma source(%arg12 : memref<80x128xf32, #tpu.memory_space<vmem>>) target(%dma_start3A_48 : memref<80x128xf32, #tpu.memory_space<vmem_shared>>) target_semaphore(%run_scoped3A : memref<!tpu.dma_semaphore, #tpu.memory_space<semaphore_mem>>)
        %dma_wait3A = arith.constant 0 : i32
        %dma_wait3A_49 = tpu.memref_slice %arg13[%add3A_44, %dma_wait3A] : memref<10000x128xf32, #tpu.memory_space<vmem_shared>> -> memref<80x128xf32, #tpu.memory_space<vmem_shared>>
        %dma_wait3A_50 = arith.constant 0 : i32
        %dma_wait3A_51 = tpu.memref_slice %arg13[%add3A_44, %dma_wait3A_50] : memref<10000x128xf32, #tpu.memory_space<vmem_shared>> -> memref<80x128xf32, #tpu.memory_space<vmem_shared>>
        tpu.wait_dma2 semaphore(%run_scoped3A : memref<!tpu.dma_semaphore, #tpu.memory_space<semaphore_mem>>) src(%arg12 : memref<80x128xf32, #tpu.memory_space<vmem>>) dst(%dma_wait3A_51 : memref<80x128xf32, #tpu.memory_space<vmem_shared>>)
        tpu.yield
      }) : () -> ()
    }
    %barrier3A = arith.constant 0 : index
    tpu.barrier barrier_id(%barrier3A)
    %mul3A_17 = arith.constant 20000 : i32
    %mul3A_18 = arith.muli %add3A, %mul3A_17 : i32
    %add3A_19 = arith.constant 0 : i32
    %add3A_20 = arith.addi %mul3A_18, %add3A_19 : i32
    "tpu.region"() ({
      %run_scoped3A = tpu.sem_alloc : memref<!tpu.dma_semaphore, #tpu.memory_space<semaphore_mem>>
      %dma_start3A_39 = tpu.memref_slice %arg3[%add3A_20] : memref<640000xi32, #tpu.memory_space<hbm>> -> memref<80xi32, #tpu.memory_space<hbm>>
      %dma_start3A_40 = tpu.memref_slice %arg3[%add3A_20] : memref<640000xi32, #tpu.memory_space<hbm>> -> memref<80xi32, #tpu.memory_space<hbm>>
      tpu.enqueue_dma source(%dma_start3A_40 : memref<80xi32, #tpu.memory_space<hbm>>) target(%arg6 : memref<80xi32, #tpu.memory_space<vmem>>) target_semaphore(%run_scoped3A : memref<!tpu.dma_semaphore, #tpu.memory_space<semaphore_mem>>)
      %dma_wait3A = tpu.memref_slice %arg3[%add3A_20] : memref<640000xi32, #tpu.memory_space<hbm>> -> memref<80xi32, #tpu.memory_space<hbm>>
      %dma_wait3A_41 = tpu.memref_slice %arg3[%add3A_20] : memref<640000xi32, #tpu.memory_space<hbm>> -> memref<80xi32, #tpu.memory_space<hbm>>
      tpu.wait_dma2 semaphore(%run_scoped3A : memref<!tpu.dma_semaphore, #tpu.memory_space<semaphore_mem>>) src(%dma_wait3A_41 : memref<80xi32, #tpu.memory_space<hbm>>) dst(%arg6 : memref<80xi32, #tpu.memory_space<vmem>>)
      tpu.yield
    }) : () -> ()
    %add3A_21 = arith.constant 0 : i32
    %add3A_22 = arith.addi %mul3A_18, %add3A_21 : i32
    "tpu.region"() ({
      %run_scoped3A = tpu.sem_alloc : memref<!tpu.dma_semaphore, #tpu.memory_space<semaphore_mem>>
      %dma_start3A_39 = tpu.memref_slice %arg4[%add3A_22] : memref<640000xi32, #tpu.memory_space<hbm>> -> memref<80xi32, #tpu.memory_space<hbm>>
      %dma_start3A_40 = tpu.memref_slice %arg4[%add3A_22] : memref<640000xi32, #tpu.memory_space<hbm>> -> memref<80xi32, #tpu.memory_space<hbm>>
      tpu.enqueue_dma source(%dma_start3A_40 : memref<80xi32, #tpu.memory_space<hbm>>) target(%arg7 : memref<80xi32, #tpu.memory_space<vmem>>) target_semaphore(%run_scoped3A : memref<!tpu.dma_semaphore, #tpu.memory_space<semaphore_mem>>)
      %dma_wait3A = tpu.memref_slice %arg4[%add3A_22] : memref<640000xi32, #tpu.memory_space<hbm>> -> memref<80xi32, #tpu.memory_space<hbm>>
      %dma_wait3A_41 = tpu.memref_slice %arg4[%add3A_22] : memref<640000xi32, #tpu.memory_space<hbm>> -> memref<80xi32, #tpu.memory_space<hbm>>
      tpu.wait_dma2 semaphore(%run_scoped3A : memref<!tpu.dma_semaphore, #tpu.memory_space<semaphore_mem>>) src(%dma_wait3A_41 : memref<80xi32, #tpu.memory_space<hbm>>) dst(%arg7 : memref<80xi32, #tpu.memory_space<vmem>>)
      tpu.yield
    }) : () -> ()
    %dma_start3A = arith.constant 0 : i32
    %dma_start3A_23 = arith.constant 0 : i32
    %dma_start3A_24 = tpu.memref_slice %arg2[%dma_start3A, %dma_start3A_23] : memref<10000x128xf32, #tpu.memory_space<hbm>> -> memref<10000x128xf32, #tpu.memory_space<hbm>>
    tpu.enqueue_indirect_dma source(%dma_start3A_24 : memref<10000x128xf32, #tpu.memory_space<hbm>>) target(%arg10 : memref<80x128xf32, #tpu.memory_space<vmem>>) offsets(%arg6 : memref<80xi32, #tpu.memory_space<vmem>>) semaphore(%arg14 : memref<!tpu.dma_semaphore, #tpu.memory_space<semaphore_mem>>)
    %scan3A_25 = arith.constant 0 : i32
    %scan3A_26 = arith.constant 0 : i32
    %scan3A_27 = arith.constant 125 : i32
    %scan3A_28 = arith.addi %scan3A_26, %scan3A_27 : i32
    %scan3A_29 = arith.constant 1 : i32
    scf.for %scan3A_39 = %scan3A_26 to %scan3A_28 step %scan3A_29  : i32 {
      %mul3A_40 = arith.constant 2 : i32
      %mul3A_41 = arith.muli %mul3A_40, %scan3A_39 : i32
      %add3A_42 = arith.constant 1 : i32
      %add3A_43 = arith.addi %mul3A_41, %add3A_42 : i32
      %mul3A_44 = arith.constant 80 : i32
      %mul3A_45 = arith.muli %add3A_43, %mul3A_44 : i32
      %add3A_46 = arith.addi %mul3A_18, %mul3A_45 : i32
      "tpu.region"() ({
        %run_scoped3A = tpu.sem_alloc : memref<!tpu.dma_semaphore, #tpu.memory_space<semaphore_mem>>
        %dma_start3A_63 = tpu.memref_slice %arg3[%add3A_46] : memref<640000xi32, #tpu.memory_space<hbm>> -> memref<80xi32, #tpu.memory_space<hbm>>
        %dma_start3A_64 = tpu.memref_slice %arg3[%add3A_46] : memref<640000xi32, #tpu.memory_space<hbm>> -> memref<80xi32, #tpu.memory_space<hbm>>
        tpu.enqueue_dma source(%dma_start3A_64 : memref<80xi32, #tpu.memory_space<hbm>>) target(%arg8 : memref<80xi32, #tpu.memory_space<vmem>>) target_semaphore(%run_scoped3A : memref<!tpu.dma_semaphore, #tpu.memory_space<semaphore_mem>>)
        %dma_wait3A_65 = tpu.memref_slice %arg3[%add3A_46] : memref<640000xi32, #tpu.memory_space<hbm>> -> memref<80xi32, #tpu.memory_space<hbm>>
        %dma_wait3A_66 = tpu.memref_slice %arg3[%add3A_46] : memref<640000xi32, #tpu.memory_space<hbm>> -> memref<80xi32, #tpu.memory_space<hbm>>
        tpu.wait_dma2 semaphore(%run_scoped3A : memref<!tpu.dma_semaphore, #tpu.memory_space<semaphore_mem>>) src(%dma_wait3A_66 : memref<80xi32, #tpu.memory_space<hbm>>) dst(%arg8 : memref<80xi32, #tpu.memory_space<vmem>>)
        tpu.yield
      }) : () -> ()
      %mul3A_47 = arith.constant 80 : i32
      %mul3A_48 = arith.muli %add3A_43, %mul3A_47 : i32
      %add3A_49 = arith.addi %mul3A_18, %mul3A_48 : i32
      "tpu.region"() ({
        %run_scoped3A = tpu.sem_alloc : memref<!tpu.dma_semaphore, #tpu.memory_space<semaphore_mem>>
        %dma_start3A_63 = tpu.memref_slice %arg4[%add3A_49] : memref<640000xi32, #tpu.memory_space<hbm>> -> memref<80xi32, #tpu.memory_space<hbm>>
        %dma_start3A_64 = tpu.memref_slice %arg4[%add3A_49] : memref<640000xi32, #tpu.memory_space<hbm>> -> memref<80xi32, #tpu.memory_space<hbm>>
        tpu.enqueue_dma source(%dma_start3A_64 : memref<80xi32, #tpu.memory_space<hbm>>) target(%arg9 : memref<80xi32, #tpu.memory_space<vmem>>) target_semaphore(%run_scoped3A : memref<!tpu.dma_semaphore, #tpu.memory_space<semaphore_mem>>)
        %dma_wait3A_65 = tpu.memref_slice %arg4[%add3A_49] : memref<640000xi32, #tpu.memory_space<hbm>> -> memref<80xi32, #tpu.memory_space<hbm>>
        %dma_wait3A_66 = tpu.memref_slice %arg4[%add3A_49] : memref<640000xi32, #tpu.memory_space<hbm>> -> memref<80xi32, #tpu.memory_space<hbm>>
        tpu.wait_dma2 semaphore(%run_scoped3A : memref<!tpu.dma_semaphore, #tpu.memory_space<semaphore_mem>>) src(%dma_wait3A_66 : memref<80xi32, #tpu.memory_space<hbm>>) dst(%arg9 : memref<80xi32, #tpu.memory_space<vmem>>)
        tpu.yield
      }) : () -> ()
      %dma_start3A_50 = arith.constant 0 : i32
      %dma_start3A_51 = arith.constant 0 : i32
      %dma_start3A_52 = tpu.memref_slice %arg2[%dma_start3A_50, %dma_start3A_51] : memref<10000x128xf32, #tpu.memory_space<hbm>> -> memref<10000x128xf32, #tpu.memory_space<hbm>>
      tpu.enqueue_indirect_dma source(%dma_start3A_52 : memref<10000x128xf32, #tpu.memory_space<hbm>>) target(%arg11 : memref<80x128xf32, #tpu.memory_space<vmem>>) offsets(%arg8 : memref<80xi32, #tpu.memory_space<vmem>>) semaphore(%arg15 : memref<!tpu.dma_semaphore, #tpu.memory_space<semaphore_mem>>)
      %dma_wait3A = arith.constant 0 : i32
      %dma_wait3A_53 = arith.constant 0 : i32
      %dma_wait3A_54 = tpu.memref_slice %arg2[%dma_wait3A, %dma_wait3A_53] : memref<10000x128xf32, #tpu.memory_space<hbm>> -> memref<10000x128xf32, #tpu.memory_space<hbm>>
      tpu.wait_indirect_dma semaphore(%arg14 : memref<!tpu.dma_semaphore, #tpu.memory_space<semaphore_mem>>) src(%dma_wait3A_54 : memref<10000x128xf32, #tpu.memory_space<hbm>>) dst(%arg10 : memref<80x128xf32, #tpu.memory_space<vmem>>)
      "tpu.region"() ({
        %run_scoped3A = tpu.sem_alloc : memref<!tpu.dma_semaphore, #tpu.memory_space<semaphore_mem>>
        %dma_start3A_63 = arith.constant 0 : i32
        %dma_start3A_64 = arith.constant 0 : i32
        %dma_start3A_65 = tpu.memref_slice %arg13[%dma_start3A_63, %dma_start3A_64] : memref<10000x128xf32, #tpu.memory_space<vmem_shared>> -> memref<10000x128xf32, #tpu.memory_space<vmem_shared>>
        tpu.enqueue_indirect_dma source(%arg10 : memref<80x128xf32, #tpu.memory_space<vmem>>) target(%dma_start3A_65 : memref<10000x128xf32, #tpu.memory_space<vmem_shared>>) offsets(%arg7 : memref<80xi32, #tpu.memory_space<vmem>>) semaphore(%run_scoped3A : memref<!tpu.dma_semaphore, #tpu.memory_space<semaphore_mem>>) {add = true}
        %dma_wait3A_66 = arith.constant 0 : i32
        %dma_wait3A_67 = arith.constant 0 : i32
        %dma_wait3A_68 = tpu.memref_slice %arg13[%dma_wait3A_66, %dma_wait3A_67] : memref<10000x128xf32, #tpu.memory_space<vmem_shared>> -> memref<10000x128xf32, #tpu.memory_space<vmem_shared>>
        tpu.wait_indirect_dma semaphore(%run_scoped3A : memref<!tpu.dma_semaphore, #tpu.memory_space<semaphore_mem>>) src(%arg10 : memref<80x128xf32, #tpu.memory_space<vmem>>) dst(%dma_wait3A_68 : memref<10000x128xf32, #tpu.memory_space<vmem_shared>>)
        tpu.yield
      }) : () -> ()
      %lt3A_55 = arith.constant 124 : i32
      %lt3A_56 = arith.cmpi slt, %scan3A_39, %lt3A_55 : i32
      %convert_element_type3A_57 = arith.extui %lt3A_56 : i1 to i32
      %cond3A_58 = arith.constant 0 : i32
      %cond3A_59 = arith.cmpi ne, %convert_element_type3A_57, %cond3A_58 : i32
      scf.if %cond3A_59 {
        %add3A_63 = arith.constant 2 : i32
        %add3A_64 = arith.addi %mul3A_41, %add3A_63 : i32
        %mul3A_65 = arith.constant 80 : i32
        %mul3A_66 = arith.muli %add3A_64, %mul3A_65 : i32
        %add3A_67 = arith.addi %mul3A_18, %mul3A_66 : i32
        "tpu.region"() ({
          %run_scoped3A = tpu.sem_alloc : memref<!tpu.dma_semaphore, #tpu.memory_space<semaphore_mem>>
          %dma_start3A_74 = tpu.memref_slice %arg3[%add3A_67] : memref<640000xi32, #tpu.memory_space<hbm>> -> memref<80xi32, #tpu.memory_space<hbm>>
          %dma_start3A_75 = tpu.memref_slice %arg3[%add3A_67] : memref<640000xi32, #tpu.memory_space<hbm>> -> memref<80xi32, #tpu.memory_space<hbm>>
          tpu.enqueue_dma source(%dma_start3A_75 : memref<80xi32, #tpu.memory_space<hbm>>) target(%arg6 : memref<80xi32, #tpu.memory_space<vmem>>) target_semaphore(%run_scoped3A : memref<!tpu.dma_semaphore, #tpu.memory_space<semaphore_mem>>)
          %dma_wait3A_76 = tpu.memref_slice %arg3[%add3A_67] : memref<640000xi32, #tpu.memory_space<hbm>> -> memref<80xi32, #tpu.memory_space<hbm>>
          %dma_wait3A_77 = tpu.memref_slice %arg3[%add3A_67] : memref<640000xi32, #tpu.memory_space<hbm>> -> memref<80xi32, #tpu.memory_space<hbm>>
          tpu.wait_dma2 semaphore(%run_scoped3A : memref<!tpu.dma_semaphore, #tpu.memory_space<semaphore_mem>>) src(%dma_wait3A_77 : memref<80xi32, #tpu.memory_space<hbm>>) dst(%arg6 : memref<80xi32, #tpu.memory_space<vmem>>)
          tpu.yield
        }) : () -> ()
        %mul3A_68 = arith.constant 80 : i32
        %mul3A_69 = arith.muli %add3A_64, %mul3A_68 : i32
        %add3A_70 = arith.addi %mul3A_18, %mul3A_69 : i32
        "tpu.region"() ({
          %run_scoped3A = tpu.sem_alloc : memref<!tpu.dma_semaphore, #tpu.memory_space<semaphore_mem>>
          %dma_start3A_74 = tpu.memref_slice %arg4[%add3A_70] : memref<640000xi32, #tpu.memory_space<hbm>> -> memref<80xi32, #tpu.memory_space<hbm>>
          %dma_start3A_75 = tpu.memref_slice %arg4[%add3A_70] : memref<640000xi32, #tpu.memory_space<hbm>> -> memref<80xi32, #tpu.memory_space<hbm>>
          tpu.enqueue_dma source(%dma_start3A_75 : memref<80xi32, #tpu.memory_space<hbm>>) target(%arg7 : memref<80xi32, #tpu.memory_space<vmem>>) target_semaphore(%run_scoped3A : memref<!tpu.dma_semaphore, #tpu.memory_space<semaphore_mem>>)
          %dma_wait3A_76 = tpu.memref_slice %arg4[%add3A_70] : memref<640000xi32, #tpu.memory_space<hbm>> -> memref<80xi32, #tpu.memory_space<hbm>>
          %dma_wait3A_77 = tpu.memref_slice %arg4[%add3A_70] : memref<640000xi32, #tpu.memory_space<hbm>> -> memref<80xi32, #tpu.memory_space<hbm>>
          tpu.wait_dma2 semaphore(%run_scoped3A : memref<!tpu.dma_semaphore, #tpu.memory_space<semaphore_mem>>) src(%dma_wait3A_77 : memref<80xi32, #tpu.memory_space<hbm>>) dst(%arg7 : memref<80xi32, #tpu.memory_space<vmem>>)
          tpu.yield
        }) : () -> ()
        %dma_start3A_71 = arith.constant 0 : i32
        %dma_start3A_72 = arith.constant 0 : i32
        %dma_start3A_73 = tpu.memref_slice %arg2[%dma_start3A_71, %dma_start3A_72] : memref<10000x128xf32, #tpu.memory_space<hbm>> -> memref<10000x128xf32, #tpu.memory_space<hbm>>
        tpu.enqueue_indirect_dma source(%dma_start3A_73 : memref<10000x128xf32, #tpu.memory_space<hbm>>) target(%arg10 : memref<80x128xf32, #tpu.memory_space<vmem>>) offsets(%arg6 : memref<80xi32, #tpu.memory_space<vmem>>) semaphore(%arg14 : memref<!tpu.dma_semaphore, #tpu.memory_space<semaphore_mem>>)
      } else {
      }
      %dma_wait3A_60 = arith.constant 0 : i32
      %dma_wait3A_61 = arith.constant 0 : i32
      %dma_wait3A_62 = tpu.memref_slice %arg2[%dma_wait3A_60, %dma_wait3A_61] : memref<10000x128xf32, #tpu.memory_space<hbm>> -> memref<10000x128xf32, #tpu.memory_space<hbm>>
      tpu.wait_indirect_dma semaphore(%arg15 : memref<!tpu.dma_semaphore, #tpu.memory_space<semaphore_mem>>) src(%dma_wait3A_62 : memref<10000x128xf32, #tpu.memory_space<hbm>>) dst(%arg11 : memref<80x128xf32, #tpu.memory_space<vmem>>)
      "tpu.region"() ({
        %run_scoped3A = tpu.sem_alloc : memref<!tpu.dma_semaphore, #tpu.memory_space<semaphore_mem>>
        %dma_start3A_63 = arith.constant 0 : i32
        %dma_start3A_64 = arith.constant 0 : i32
        %dma_start3A_65 = tpu.memref_slice %arg13[%dma_start3A_63, %dma_start3A_64] : memref<10000x128xf32, #tpu.memory_space<vmem_shared>> -> memref<10000x128xf32, #tpu.memory_space<vmem_shared>>
        tpu.enqueue_indirect_dma source(%arg11 : memref<80x128xf32, #tpu.memory_space<vmem>>) target(%dma_start3A_65 : memref<10000x128xf32, #tpu.memory_space<vmem_shared>>) offsets(%arg9 : memref<80xi32, #tpu.memory_space<vmem>>) semaphore(%run_scoped3A : memref<!tpu.dma_semaphore, #tpu.memory_space<semaphore_mem>>) {add = true}
        %dma_wait3A_66 = arith.constant 0 : i32
        %dma_wait3A_67 = arith.constant 0 : i32
        %dma_wait3A_68 = tpu.memref_slice %arg13[%dma_wait3A_66, %dma_wait3A_67] : memref<10000x128xf32, #tpu.memory_space<vmem_shared>> -> memref<10000x128xf32, #tpu.memory_space<vmem_shared>>
        tpu.wait_indirect_dma semaphore(%run_scoped3A : memref<!tpu.dma_semaphore, #tpu.memory_space<semaphore_mem>>) src(%arg11 : memref<80x128xf32, #tpu.memory_space<vmem>>) dst(%dma_wait3A_68 : memref<10000x128xf32, #tpu.memory_space<vmem_shared>>)
        tpu.yield
      }) : () -> ()
    }
    %scan3A_30 = arith.constant 125 : i32
    %barrier3A_31 = arith.constant 0 : index
    tpu.barrier barrier_id(%barrier3A_31)
    %lt3A_32 = arith.constant 15 : i32
    %lt3A_33 = arith.cmpi slt, %arg1, %lt3A_32 : i32
    %convert_element_type3A = arith.extui %lt3A_33 : i1 to i32
    %cond3A = arith.constant 0 : i32
    %cond3A_34 = arith.cmpi ne, %convert_element_type3A, %cond3A : i32
    scf.if %cond3A_34 {
      %mul3A_39 = arith.constant 640 : i32
      %mul3A_40 = arith.muli %arg1, %mul3A_39 : i32
      %mul3A_41 = arith.constant 640 : i32
      %mul3A_42 = arith.muli %arg1, %mul3A_41 : i32
      "tpu.region"() ({
        %run_scoped3A = tpu.sem_alloc : memref<!tpu.dma_semaphore, #tpu.memory_space<semaphore_mem>>
        %dma_start3A_43 = arith.constant 0 : i32
        %dma_start3A_44 = tpu.memref_slice %arg5[%arg0, %mul3A_42, %dma_start3A_43] : memref<2x10000x128xf32, #tpu.memory_space<hbm>> -> memref<1x640x128xf32, #tpu.memory_space<hbm>>
        %dma_start3A_45 = tpu.memref_squeeze %dma_start3A_44 : memref<1x640x128xf32, #tpu.memory_space<hbm>> -> memref<640x128xf32, #tpu.memory_space<hbm>>
        %dma_start3A_46 = arith.constant 0 : i32
        %dma_start3A_47 = tpu.memref_slice %arg13[%mul3A_40, %dma_start3A_46] : memref<10000x128xf32, #tpu.memory_space<vmem_shared>> -> memref<640x128xf32, #tpu.memory_space<vmem_shared>>
        tpu.enqueue_dma source(%dma_start3A_47 : memref<640x128xf32, #tpu.memory_space<vmem_shared>>) target(%dma_start3A_45 : memref<640x128xf32, #tpu.memory_space<hbm>>) target_semaphore(%run_scoped3A : memref<!tpu.dma_semaphore, #tpu.memory_space<semaphore_mem>>)
        %dma_wait3A = arith.constant 0 : i32
        %dma_wait3A_48 = tpu.memref_slice %arg5[%arg0, %mul3A_42, %dma_wait3A] : memref<2x10000x128xf32, #tpu.memory_space<hbm>> -> memref<1x640x128xf32, #tpu.memory_space<hbm>>
        %dma_wait3A_49 = tpu.memref_squeeze %dma_wait3A_48 : memref<1x640x128xf32, #tpu.memory_space<hbm>> -> memref<640x128xf32, #tpu.memory_space<hbm>>
        %dma_wait3A_50 = arith.constant 0 : i32
        %dma_wait3A_51 = tpu.memref_slice %arg13[%mul3A_40, %dma_wait3A_50] : memref<10000x128xf32, #tpu.memory_space<vmem_shared>> -> memref<640x128xf32, #tpu.memory_space<vmem_shared>>
        tpu.wait_dma2 semaphore(%run_scoped3A : memref<!tpu.dma_semaphore, #tpu.memory_space<semaphore_mem>>) src(%dma_wait3A_51 : memref<640x128xf32, #tpu.memory_space<vmem_shared>>) dst(%dma_wait3A_49 : memref<640x128xf32, #tpu.memory_space<hbm>>)
        tpu.yield
      }) : () -> ()
    } else {
    }
    %eq3A = arith.constant 15 : i32
    %eq3A_35 = arith.cmpi eq, %arg1, %eq3A : i32
    %convert_element_type3A_36 = arith.extui %eq3A_35 : i1 to i32
    %cond3A_37 = arith.constant 0 : i32
    %cond3A_38 = arith.cmpi ne, %convert_element_type3A_36, %cond3A_37 : i32
    scf.if %cond3A_38 {
      "tpu.region"() ({
        %run_scoped3A = tpu.sem_alloc : memref<!tpu.dma_semaphore, #tpu.memory_space<semaphore_mem>>
        %dma_start3A_39 = arith.constant 9600 : i32
        %dma_start3A_40 = arith.constant 0 : i32
        %dma_start3A_41 = tpu.memref_slice %arg5[%arg0, %dma_start3A_39, %dma_start3A_40] : memref<2x10000x128xf32, #tpu.memory_space<hbm>> -> memref<1x400x128xf32, #tpu.memory_space<hbm>>
        %dma_start3A_42 = tpu.memref_squeeze %dma_start3A_41 : memref<1x400x128xf32, #tpu.memory_space<hbm>> -> memref<400x128xf32, #tpu.memory_space<hbm>>
        %dma_start3A_43 = arith.constant 9600 : i32
        %dma_start3A_44 = arith.constant 0 : i32
        %dma_start3A_45 = tpu.memref_slice %arg13[%dma_start3A_43, %dma_start3A_44] : memref<10000x128xf32, #tpu.memory_space<vmem_shared>> -> memref<400x128xf32, #tpu.memory_space<vmem_shared>>
        tpu.enqueue_dma source(%dma_start3A_45 : memref<400x128xf32, #tpu.memory_space<vmem_shared>>) target(%dma_start3A_42 : memref<400x128xf32, #tpu.memory_space<hbm>>) target_semaphore(%run_scoped3A : memref<!tpu.dma_semaphore, #tpu.memory_space<semaphore_mem>>)
        %dma_wait3A = arith.constant 9600 : i32
        %dma_wait3A_46 = arith.constant 0 : i32
        %dma_wait3A_47 = tpu.memref_slice %arg5[%arg0, %dma_wait3A, %dma_wait3A_46] : memref<2x10000x128xf32, #tpu.memory_space<hbm>> -> memref<1x400x128xf32, #tpu.memory_space<hbm>>
        %dma_wait3A_48 = tpu.memref_squeeze %dma_wait3A_47 : memref<1x400x128xf32, #tpu.memory_space<hbm>> -> memref<400x128xf32, #tpu.memory_space<hbm>>
        %dma_wait3A_49 = arith.constant 9600 : i32
        %dma_wait3A_50 = arith.constant 0 : i32
        %dma_wait3A_51 = tpu.memref_slice %arg13[%dma_wait3A_49, %dma_wait3A_50] : memref<10000x128xf32, #tpu.memory_space<vmem_shared>> -> memref<400x128xf32, #tpu.memory_space<vmem_shared>>
        tpu.wait_dma2 semaphore(%run_scoped3A : memref<!tpu.dma_semaphore, #tpu.memory_space<semaphore_mem>>) src(%dma_wait3A_51 : memref<400x128xf32, #tpu.memory_space<vmem_shared>>) dst(%dma_wait3A_48 : memref<400x128xf32, #tpu.memory_space<hbm>>)
        tpu.yield
      }) : () -> ()
    } else {
    }
    return
  }
}

#map = affine_map<(d0, d1) -> (0, 0)>
#map1 = affine_map<(d0, d1) -> (0)>
#map2 = affine_map<(d0, d1) -> (0, 0, 0)>
module attributes {stable_mosaic.version = 14 : i64} {
  func.func @k(%arg0: i32, %arg1: i32, %arg2: memref<10000x128xf32, #tpu.memory_space<hbm>>, %arg3: memref<640000xi32, #tpu.memory_space<hbm>>, %arg4: memref<640000xi32, #tpu.memory_space<hbm>>, %arg5: memref<2x10000x128xf32, #tpu.memory_space<hbm>>, %arg6: memref<80xi32, #tpu.memory_space<vmem>>, %arg7: memref<80xi32, #tpu.memory_space<vmem>>, %arg8: memref<80xi32, #tpu.memory_space<vmem>>, %arg9: memref<80xi32, #tpu.memory_space<vmem>>, %arg10: memref<80x128xf32, #tpu.memory_space<vmem>>, %arg11: memref<80x128xf32, #tpu.memory_space<vmem>>, %arg12: memref<80x128xf32, #tpu.memory_space<vmem>>, %arg13: memref<10000x128xf32, #tpu.memory_space<vmem_shared>>, %arg14: memref<!tpu.dma_semaphore, #tpu.memory_space<semaphore_mem>>, %arg15: memref<!tpu.dma_semaphore, #tpu.memory_space<semaphore_mem>>) attributes {dimension_semantics = [#tpu.dimension_semantics<core_parallel>, #tpu.dimension_semantics<subcore_parallel>], iteration_bounds = array<i64: 2, 16>, scalar_prefetch = 0 : i64, scratch_operands = 10 : i64, tpu.core_type = #tpu.core_type<sc_vector_subcore>, window_params = [{transform_indices = #map}, {transform_indices = #map1}, {transform_indices = #map1}, {transform_indices = #map2}]} {
    %mul3A = arith.constant 16 : i32
    %mul3A_0 = arith.muli %arg0, %mul3A : i32
    %add3A = arith.addi %mul3A_0, %arg1 : i32
    %scan3A = arith.constant 0 : i32
    %scan3A_1 = arith.constant 0 : i32
    %scan3A_2 = arith.constant 80 : i32
    %scan3A_3 = arith.addi %scan3A_1, %scan3A_2 : i32
    %scan3A_4 = arith.constant 1 : i32
    scf.for %scan3A_39 = %scan3A_1 to %scan3A_3 step %scan3A_4  : i32 {
      %broadcast_in_dim3A = arith.constant 0.000000e+00 : f32
      %broadcast_in_dim3A_40 = vector.broadcast %broadcast_in_dim3A : f32 to vector<16xf32>
      %swap3A = arith.index_cast %scan3A_39 : i32 to index
      %swap3A_41 = arith.constant 0 : index
      %swap3A_42 = tpu.vector_load %arg12[%swap3A, %swap3A_41] {strides = array<i32>} : memref<80x128xf32, #tpu.memory_space<vmem>>, vector<1x16xf32>,
      %swap3A_43 = vector.shape_cast %swap3A_42 : vector<1x16xf32> to vector<16xf32>
      %swap3A_44 = vector.shape_cast %broadcast_in_dim3A_40 : vector<16xf32> to vector<1x16xf32>
      tpu.vector_store %arg12[%swap3A, %swap3A_41], %swap3A_44 {strides = array<i32>} : memref<80x128xf32, #tpu.memory_space<vmem>>, vector<1x16xf32>,
      %broadcast_in_dim3A_45 = arith.constant 0.000000e+00 : f32
      %broadcast_in_dim3A_46 = vector.broadcast %broadcast_in_dim3A_45 : f32 to vector<16xf32>
      %swap3A_47 = arith.index_cast %scan3A_39 : i32 to index
      %swap3A_48 = arith.constant 16 : index
      %swap3A_49 = tpu.vector_load %arg12[%swap3A_47, %swap3A_48] {strides = array<i32>} : memref<80x128xf32, #tpu.memory_space<vmem>>, vector<1x16xf32>,
      %swap3A_50 = vector.shape_cast %swap3A_49 : vector<1x16xf32> to vector<16xf32>
      %swap3A_51 = vector.shape_cast %broadcast_in_dim3A_46 : vector<16xf32> to vector<1x16xf32>
      tpu.vector_store %arg12[%swap3A_47, %swap3A_48], %swap3A_51 {strides = array<i32>} : memref<80x128xf32, #tpu.memory_space<vmem>>, vector<1x16xf32>,
      %broadcast_in_dim3A_52 = arith.constant 0.000000e+00 : f32
      %broadcast_in_dim3A_53 = vector.broadcast %broadcast_in_dim3A_52 : f32 to vector<16xf32>
      %swap3A_54 = arith.index_cast %scan3A_39 : i32 to index
      %swap3A_55 = arith.constant 32 : index
      %swap3A_56 = tpu.vector_load %arg12[%swap3A_54, %swap3A_55] {strides = array<i32>} : memref<80x128xf32, #tpu.memory_space<vmem>>, vector<1x16xf32>,
      %swap3A_57 = vector.shape_cast %swap3A_56 : vector<1x16xf32> to vector<16xf32>
      %swap3A_58 = vector.shape_cast %broadcast_in_dim3A_53 : vector<16xf32> to vector<1x16xf32>
      tpu.vector_store %arg12[%swap3A_54, %swap3A_55], %swap3A_58 {strides = array<i32>} : memref<80x128xf32, #tpu.memory_space<vmem>>, vector<1x16xf32>,
      %broadcast_in_dim3A_59 = arith.constant 0.000000e+00 : f32
      %broadcast_in_dim3A_60 = vector.broadcast %broadcast_in_dim3A_59 : f32 to vector<16xf32>
      %swap3A_61 = arith.index_cast %scan3A_39 : i32 to index
      %swap3A_62 = arith.constant 48 : index
      %swap3A_63 = tpu.vector_load %arg12[%swap3A_61, %swap3A_62] {strides = array<i32>} : memref<80x128xf32, #tpu.memory_space<vmem>>, vector<1x16xf32>,
      %swap3A_64 = vector.shape_cast %swap3A_63 : vector<1x16xf32> to vector<16xf32>
      %swap3A_65 = vector.shape_cast %broadcast_in_dim3A_60 : vector<16xf32> to vector<1x16xf32>
      tpu.vector_store %arg12[%swap3A_61, %swap3A_62], %swap3A_65 {strides = array<i32>} : memref<80x128xf32, #tpu.memory_space<vmem>>, vector<1x16xf32>,
      %broadcast_in_dim3A_66 = arith.constant 0.000000e+00 : f32
      %broadcast_in_dim3A_67 = vector.broadcast %broadcast_in_dim3A_66 : f32 to vector<16xf32>
      %swap3A_68 = arith.index_cast %scan3A_39 : i32 to index
      %swap3A_69 = arith.constant 64 : index
      %swap3A_70 = tpu.vector_load %arg12[%swap3A_68, %swap3A_69] {strides = array<i32>} : memref<80x128xf32, #tpu.memory_space<vmem>>, vector<1x16xf32>,
      %swap3A_71 = vector.shape_cast %swap3A_70 : vector<1x16xf32> to vector<16xf32>
      %swap3A_72 = vector.shape_cast %broadcast_in_dim3A_67 : vector<16xf32> to vector<1x16xf32>
      tpu.vector_store %arg12[%swap3A_68, %swap3A_69], %swap3A_72 {strides = array<i32>} : memref<80x128xf32, #tpu.memory_space<vmem>>, vector<1x16xf32>,
      %broadcast_in_dim3A_73 = arith.constant 0.000000e+00 : f32
      %broadcast_in_dim3A_74 = vector.broadcast %broadcast_in_dim3A_73 : f32 to vector<16xf32>
      %swap3A_75 = arith.index_cast %scan3A_39 : i32 to index
      %swap3A_76 = arith.constant 80 : index
      %swap3A_77 = tpu.vector_load %arg12[%swap3A_75, %swap3A_76] {strides = array<i32>} : memref<80x128xf32, #tpu.memory_space<vmem>>, vector<1x16xf32>,
      %swap3A_78 = vector.shape_cast %swap3A_77 : vector<1x16xf32> to vector<16xf32>
      %swap3A_79 = vector.shape_cast %broadcast_in_dim3A_74 : vector<16xf32> to vector<1x16xf32>
      tpu.vector_store %arg12[%swap3A_75, %swap3A_76], %swap3A_79 {strides = array<i32>} : memref<80x128xf32, #tpu.memory_space<vmem>>, vector<1x16xf32>,
      %broadcast_in_dim3A_80 = arith.constant 0.000000e+00 : f32
      %broadcast_in_dim3A_81 = vector.broadcast %broadcast_in_dim3A_80 : f32 to vector<16xf32>
      %swap3A_82 = arith.index_cast %scan3A_39 : i32 to index
      %swap3A_83 = arith.constant 96 : index
      %swap3A_84 = tpu.vector_load %arg12[%swap3A_82, %swap3A_83] {strides = array<i32>} : memref<80x128xf32, #tpu.memory_space<vmem>>, vector<1x16xf32>,
      %swap3A_85 = vector.shape_cast %swap3A_84 : vector<1x16xf32> to vector<16xf32>
      %swap3A_86 = vector.shape_cast %broadcast_in_dim3A_81 : vector<16xf32> to vector<1x16xf32>
      tpu.vector_store %arg12[%swap3A_82, %swap3A_83], %swap3A_86 {strides = array<i32>} : memref<80x128xf32, #tpu.memory_space<vmem>>, vector<1x16xf32>,
      %broadcast_in_dim3A_87 = arith.constant 0.000000e+00 : f32
      %broadcast_in_dim3A_88 = vector.broadcast %broadcast_in_dim3A_87 : f32 to vector<16xf32>
      %swap3A_89 = arith.index_cast %scan3A_39 : i32 to index
      %swap3A_90 = arith.constant 112 : index
      %swap3A_91 = tpu.vector_load %arg12[%swap3A_89, %swap3A_90] {strides = array<i32>} : memref<80x128xf32, #tpu.memory_space<vmem>>, vector<1x16xf32>,
      %swap3A_92 = vector.shape_cast %swap3A_91 : vector<1x16xf32> to vector<16xf32>
      %swap3A_93 = vector.shape_cast %broadcast_in_dim3A_88 : vector<16xf32> to vector<1x16xf32>
      tpu.vector_store %arg12[%swap3A_89, %swap3A_90], %swap3A_93 {strides = array<i32>} : memref<80x128xf32, #tpu.memory_space<vmem>>, vector<1x16xf32>,
    }
    %scan3A_5 = arith.constant 80 : i32
    %lt3A = arith.constant 15 : i32
    %lt3A_6 = arith.cmpi slt, %arg1, %lt3A : i32
    %jit3A = arith.constant 8 : i32
    %jit3A_7 = arith.constant 5 : i32
    %select_n3A = arith.select %lt3A_6, %jit3A, %jit3A_7 : i32
    %while3A = arith.constant 0 : i32
    %while3A_8 = arith.constant 0 : i32
    %while3A_9 = arith.subi %select_n3A, %while3A_8 : i32
    %while3A_10 = arith.addi %while3A_8, %while3A_9 : i32
    %while3A_11 = arith.constant 1 : i32
    %while3A_12 = arith.divsi %while3A_9, %while3A_11 : i32
    %while3A_13 = arith.muli %while3A_12, %while3A_11 : i32
    %while3A_14 = arith.addi %while3A_8, %while3A_13 : i32
    %while3A_15 = arith.constant 1 : i32
    scf.for %while3A_39 = %while3A_8 to %while3A_14 step %while3A_15  : i32 {
      %mul3A_40 = arith.constant 640 : i32
      %mul3A_41 = arith.muli %arg1, %mul3A_40 : i32
      %mul3A_42 = arith.constant 80 : i32
      %mul3A_43 = arith.muli %while3A_39, %mul3A_42 : i32
      %add3A_44 = arith.addi %mul3A_41, %mul3A_43 : i32
      "tpu.region"() ({
        %run_scoped3A = tpu.sem_alloc : memref<!tpu.dma_semaphore, #tpu.memory_space<semaphore_mem>>
        %dma_start3A_45 = arith.constant 0 : i32
        %dma_start3A_46 = tpu.memref_slice %arg13[%add3A_44, %dma_start3A_45] : memref<10000x128xf32, #tpu.memory_space<vmem_shared>> -> memref<80x128xf32, #tpu.memory_space<vmem_shared>>
        %dma_start3A_47 = arith.constant 0 : i32
        %dma_start3A_48 = tpu.memref_slice %arg13[%add3A_44, %dma_start3A_47] : memref<10000x128xf32, #tpu.memory_space<vmem_shared>> -> memref<80x128xf32, #tpu.memory_space<vmem_shared>>
        tpu.enqueue_dma source(%arg12 : memref<80x128xf32, #tpu.memory_space<vmem>>) target(%dma_start3A_48 : memref<80x128xf32, #tpu.memory_space<vmem_shared>>) target_semaphore(%run_scoped3A : memref<!tpu.dma_semaphore, #tpu.memory_space<semaphore_mem>>)
        %dma_wait3A = arith.constant 0 : i32
        %dma_wait3A_49 = tpu.memref_slice %arg13[%add3A_44, %dma_wait3A] : memref<10000x128xf32, #tpu.memory_space<vmem_shared>> -> memref<80x128xf32, #tpu.memory_space<vmem_shared>>
        %dma_wait3A_50 = arith.constant 0 : i32
        %dma_wait3A_51 = tpu.memref_slice %arg13[%add3A_44, %dma_wait3A_50] : memref<10000x128xf32, #tpu.memory_space<vmem_shared>> -> memref<80x128xf32, #tpu.memory_space<vmem_shared>>
        tpu.wait_dma2 semaphore(%run_scoped3A : memref<!tpu.dma_semaphore, #tpu.memory_space<semaphore_mem>>) src(%arg12 : memref<80x128xf32, #tpu.memory_space<vmem>>) dst(%dma_wait3A_51 : memref<80x128xf32, #tpu.memory_space<vmem_shared>>)
        tpu.yield
      }) : () -> ()
    }
    %while3A_16 = arith.constant 1 : i32
    scf.for %while3A_39 = %while3A_14 to %while3A_10 step %while3A_16  : i32 {
      %mul3A_40 = arith.constant 640 : i32
      %mul3A_41 = arith.muli %arg1, %mul3A_40 : i32
      %mul3A_42 = arith.constant 80 : i32
      %mul3A_43 = arith.muli %while3A_39, %mul3A_42 : i32
      %add3A_44 = arith.addi %mul3A_41, %mul3A_43 : i32
      "tpu.region"() ({
        %run_scoped3A = tpu.sem_alloc : memref<!tpu.dma_semaphore, #tpu.memory_space<semaphore_mem>>
        %dma_start3A_45 = arith.constant 0 : i32
        %dma_start3A_46 = tpu.memref_slice %arg13[%add3A_44, %dma_start3A_45] : memref<10000x128xf32, #tpu.memory_space<vmem_shared>> -> memref<80x128xf32, #tpu.memory_space<vmem_shared>>
        %dma_start3A_47 = arith.constant 0 : i32
        %dma_start3A_48 = tpu.memref_slice %arg13[%add3A_44, %dma_start3A_47] : memref<10000x128xf32, #tpu.memory_space<vmem_shared>> -> memref<80x128xf32, #tpu.memory_space<vmem_shared>>
        tpu.enqueue_dma source(%arg12 : memref<80x128xf32, #tpu.memory_space<vmem>>) target(%dma_start3A_48 : memref<80x128xf32, #tpu.memory_space<vmem_shared>>) target_semaphore(%run_scoped3A : memref<!tpu.dma_semaphore, #tpu.memory_space<semaphore_mem>>)
        %dma_wait3A = arith.constant 0 : i32
        %dma_wait3A_49 = tpu.memref_slice %arg13[%add3A_44, %dma_wait3A] : memref<10000x128xf32, #tpu.memory_space<vmem_shared>> -> memref<80x128xf32, #tpu.memory_space<vmem_shared>>
        %dma_wait3A_50 = arith.constant 0 : i32
        %dma_wait3A_51 = tpu.memref_slice %arg13[%add3A_44, %dma_wait3A_50] : memref<10000x128xf32, #tpu.memory_space<vmem_shared>> -> memref<80x128xf32, #tpu.memory_space<vmem_shared>>
        tpu.wait_dma2 semaphore(%run_scoped3A : memref<!tpu.dma_semaphore, #tpu.memory_space<semaphore_mem>>) src(%arg12 : memref<80x128xf32, #tpu.memory_space<vmem>>) dst(%dma_wait3A_51 : memref<80x128xf32, #tpu.memory_space<vmem_shared>>)
        tpu.yield
      }) : () -> ()
    }
    %barrier3A = arith.constant 0 : index
    tpu.barrier barrier_id(%barrier3A)
    %mul3A_17 = arith.constant 20000 : i32
    %mul3A_18 = arith.muli %add3A, %mul3A_17 : i32
    %add3A_19 = arith.constant 0 : i32
    %add3A_20 = arith.addi %mul3A_18, %add3A_19 : i32
    "tpu.region"() ({
      %run_scoped3A = tpu.sem_alloc : memref<!tpu.dma_semaphore, #tpu.memory_space<semaphore_mem>>
      %dma_start3A_39 = tpu.memref_slice %arg3[%add3A_20] : memref<640000xi32, #tpu.memory_space<hbm>> -> memref<80xi32, #tpu.memory_space<hbm>>
      %dma_start3A_40 = tpu.memref_slice %arg3[%add3A_20] : memref<640000xi32, #tpu.memory_space<hbm>> -> memref<80xi32, #tpu.memory_space<hbm>>
      tpu.enqueue_dma source(%dma_start3A_40 : memref<80xi32, #tpu.memory_space<hbm>>) target(%arg6 : memref<80xi32, #tpu.memory_space<vmem>>) target_semaphore(%run_scoped3A : memref<!tpu.dma_semaphore, #tpu.memory_space<semaphore_mem>>)
      %dma_wait3A = tpu.memref_slice %arg3[%add3A_20] : memref<640000xi32, #tpu.memory_space<hbm>> -> memref<80xi32, #tpu.memory_space<hbm>>
      %dma_wait3A_41 = tpu.memref_slice %arg3[%add3A_20] : memref<640000xi32, #tpu.memory_space<hbm>> -> memref<80xi32, #tpu.memory_space<hbm>>
      tpu.wait_dma2 semaphore(%run_scoped3A : memref<!tpu.dma_semaphore, #tpu.memory_space<semaphore_mem>>) src(%dma_wait3A_41 : memref<80xi32, #tpu.memory_space<hbm>>) dst(%arg6 : memref<80xi32, #tpu.memory_space<vmem>>)
      tpu.yield
    }) : () -> ()
    %add3A_21 = arith.constant 0 : i32
    %add3A_22 = arith.addi %mul3A_18, %add3A_21 : i32
    "tpu.region"() ({
      %run_scoped3A = tpu.sem_alloc : memref<!tpu.dma_semaphore, #tpu.memory_space<semaphore_mem>>
      %dma_start3A_39 = tpu.memref_slice %arg4[%add3A_22] : memref<640000xi32, #tpu.memory_space<hbm>> -> memref<80xi32, #tpu.memory_space<hbm>>
      %dma_start3A_40 = tpu.memref_slice %arg4[%add3A_22] : memref<640000xi32, #tpu.memory_space<hbm>> -> memref<80xi32, #tpu.memory_space<hbm>>
      tpu.enqueue_dma source(%dma_start3A_40 : memref<80xi32, #tpu.memory_space<hbm>>) target(%arg7 : memref<80xi32, #tpu.memory_space<vmem>>) target_semaphore(%run_scoped3A : memref<!tpu.dma_semaphore, #tpu.memory_space<semaphore_mem>>)
      %dma_wait3A = tpu.memref_slice %arg4[%add3A_22] : memref<640000xi32, #tpu.memory_space<hbm>> -> memref<80xi32, #tpu.memory_space<hbm>>
      %dma_wait3A_41 = tpu.memref_slice %arg4[%add3A_22] : memref<640000xi32, #tpu.memory_space<hbm>> -> memref<80xi32, #tpu.memory_space<hbm>>
      tpu.wait_dma2 semaphore(%run_scoped3A : memref<!tpu.dma_semaphore, #tpu.memory_space<semaphore_mem>>) src(%dma_wait3A_41 : memref<80xi32, #tpu.memory_space<hbm>>) dst(%arg7 : memref<80xi32, #tpu.memory_space<vmem>>)
      tpu.yield
    }) : () -> ()
    %dma_start3A = arith.constant 0 : i32
    %dma_start3A_23 = arith.constant 0 : i32
    %dma_start3A_24 = tpu.memref_slice %arg2[%dma_start3A, %dma_start3A_23] : memref<10000x128xf32, #tpu.memory_space<hbm>> -> memref<10000x128xf32, #tpu.memory_space<hbm>>
    tpu.enqueue_indirect_dma source(%dma_start3A_24 : memref<10000x128xf32, #tpu.memory_space<hbm>>) target(%arg10 : memref<80x128xf32, #tpu.memory_space<vmem>>) offsets(%arg6 : memref<80xi32, #tpu.memory_space<vmem>>) semaphore(%arg14 : memref<!tpu.dma_semaphore, #tpu.memory_space<semaphore_mem>>)
    %scan3A_25 = arith.constant 0 : i32
    %scan3A_26 = arith.constant 0 : i32
    %scan3A_27 = arith.constant 125 : i32
    %scan3A_28 = arith.addi %scan3A_26, %scan3A_27 : i32
    %scan3A_29 = arith.constant 1 : i32
    scf.for %scan3A_39 = %scan3A_26 to %scan3A_28 step %scan3A_29  : i32 {
      %mul3A_40 = arith.constant 2 : i32
      %mul3A_41 = arith.muli %mul3A_40, %scan3A_39 : i32
      %add3A_42 = arith.constant 1 : i32
      %add3A_43 = arith.addi %mul3A_41, %add3A_42 : i32
      %mul3A_44 = arith.constant 80 : i32
      %mul3A_45 = arith.muli %add3A_43, %mul3A_44 : i32
      %add3A_46 = arith.addi %mul3A_18, %mul3A_45 : i32
      "tpu.region"() ({
        %run_scoped3A = tpu.sem_alloc : memref<!tpu.dma_semaphore, #tpu.memory_space<semaphore_mem>>
        %dma_start3A_63 = tpu.memref_slice %arg3[%add3A_46] : memref<640000xi32, #tpu.memory_space<hbm>> -> memref<80xi32, #tpu.memory_space<hbm>>
        %dma_start3A_64 = tpu.memref_slice %arg3[%add3A_46] : memref<640000xi32, #tpu.memory_space<hbm>> -> memref<80xi32, #tpu.memory_space<hbm>>
        tpu.enqueue_dma source(%dma_start3A_64 : memref<80xi32, #tpu.memory_space<hbm>>) target(%arg8 : memref<80xi32, #tpu.memory_space<vmem>>) target_semaphore(%run_scoped3A : memref<!tpu.dma_semaphore, #tpu.memory_space<semaphore_mem>>)
        %dma_wait3A_65 = tpu.memref_slice %arg3[%add3A_46] : memref<640000xi32, #tpu.memory_space<hbm>> -> memref<80xi32, #tpu.memory_space<hbm>>
        %dma_wait3A_66 = tpu.memref_slice %arg3[%add3A_46] : memref<640000xi32, #tpu.memory_space<hbm>> -> memref<80xi32, #tpu.memory_space<hbm>>
        tpu.wait_dma2 semaphore(%run_scoped3A : memref<!tpu.dma_semaphore, #tpu.memory_space<semaphore_mem>>) src(%dma_wait3A_66 : memref<80xi32, #tpu.memory_space<hbm>>) dst(%arg8 : memref<80xi32, #tpu.memory_space<vmem>>)
        tpu.yield
      }) : () -> ()
      %mul3A_47 = arith.constant 80 : i32
      %mul3A_48 = arith.muli %add3A_43, %mul3A_47 : i32
      %add3A_49 = arith.addi %mul3A_18, %mul3A_48 : i32
      "tpu.region"() ({
        %run_scoped3A = tpu.sem_alloc : memref<!tpu.dma_semaphore, #tpu.memory_space<semaphore_mem>>
        %dma_start3A_63 = tpu.memref_slice %arg4[%add3A_49] : memref<640000xi32, #tpu.memory_space<hbm>> -> memref<80xi32, #tpu.memory_space<hbm>>
        %dma_start3A_64 = tpu.memref_slice %arg4[%add3A_49] : memref<640000xi32, #tpu.memory_space<hbm>> -> memref<80xi32, #tpu.memory_space<hbm>>
        tpu.enqueue_dma source(%dma_start3A_64 : memref<80xi32, #tpu.memory_space<hbm>>) target(%arg9 : memref<80xi32, #tpu.memory_space<vmem>>) target_semaphore(%run_scoped3A : memref<!tpu.dma_semaphore, #tpu.memory_space<semaphore_mem>>)
        %dma_wait3A_65 = tpu.memref_slice %arg4[%add3A_49] : memref<640000xi32, #tpu.memory_space<hbm>> -> memref<80xi32, #tpu.memory_space<hbm>>
        %dma_wait3A_66 = tpu.memref_slice %arg4[%add3A_49] : memref<640000xi32, #tpu.memory_space<hbm>> -> memref<80xi32, #tpu.memory_space<hbm>>
        tpu.wait_dma2 semaphore(%run_scoped3A : memref<!tpu.dma_semaphore, #tpu.memory_space<semaphore_mem>>) src(%dma_wait3A_66 : memref<80xi32, #tpu.memory_space<hbm>>) dst(%arg9 : memref<80xi32, #tpu.memory_space<vmem>>)
        tpu.yield
      }) : () -> ()
      %dma_start3A_50 = arith.constant 0 : i32
      %dma_start3A_51 = arith.constant 0 : i32
      %dma_start3A_52 = tpu.memref_slice %arg2[%dma_start3A_50, %dma_start3A_51] : memref<10000x128xf32, #tpu.memory_space<hbm>> -> memref<10000x128xf32, #tpu.memory_space<hbm>>
      tpu.enqueue_indirect_dma source(%dma_start3A_52 : memref<10000x128xf32, #tpu.memory_space<hbm>>) target(%arg11 : memref<80x128xf32, #tpu.memory_space<vmem>>) offsets(%arg8 : memref<80xi32, #tpu.memory_space<vmem>>) semaphore(%arg15 : memref<!tpu.dma_semaphore, #tpu.memory_space<semaphore_mem>>)
      %dma_wait3A = arith.constant 0 : i32
      %dma_wait3A_53 = arith.constant 0 : i32
      %dma_wait3A_54 = tpu.memref_slice %arg2[%dma_wait3A, %dma_wait3A_53] : memref<10000x128xf32, #tpu.memory_space<hbm>> -> memref<10000x128xf32, #tpu.memory_space<hbm>>
      tpu.wait_indirect_dma semaphore(%arg14 : memref<!tpu.dma_semaphore, #tpu.memory_space<semaphore_mem>>) src(%dma_wait3A_54 : memref<10000x128xf32, #tpu.memory_space<hbm>>) dst(%arg10 : memref<80x128xf32, #tpu.memory_space<vmem>>)
      "tpu.region"() ({
        %run_scoped3A = tpu.sem_alloc : memref<!tpu.dma_semaphore, #tpu.memory_space<semaphore_mem>>
        %dma_start3A_63 = arith.constant 0 : i32
        %dma_start3A_64 = arith.constant 0 : i32
        %dma_start3A_65 = tpu.memref_slice %arg13[%dma_start3A_63, %dma_start3A_64] : memref<10000x128xf32, #tpu.memory_space<vmem_shared>> -> memref<10000x128xf32, #tpu.memory_space<vmem_shared>>
        tpu.enqueue_indirect_dma source(%arg10 : memref<80x128xf32, #tpu.memory_space<vmem>>) target(%dma_start3A_65 : memref<10000x128xf32, #tpu.memory_space<vmem_shared>>) offsets(%arg7 : memref<80xi32, #tpu.memory_space<vmem>>) semaphore(%run_scoped3A : memref<!tpu.dma_semaphore, #tpu.memory_space<semaphore_mem>>) {add = true}
        %dma_wait3A_66 = arith.constant 0 : i32
        %dma_wait3A_67 = arith.constant 0 : i32
        %dma_wait3A_68 = tpu.memref_slice %arg13[%dma_wait3A_66, %dma_wait3A_67] : memref<10000x128xf32, #tpu.memory_space<vmem_shared>> -> memref<10000x128xf32, #tpu.memory_space<vmem_shared>>
        tpu.wait_indirect_dma semaphore(%run_scoped3A : memref<!tpu.dma_semaphore, #tpu.memory_space<semaphore_mem>>) src(%arg10 : memref<80x128xf32, #tpu.memory_space<vmem>>) dst(%dma_wait3A_68 : memref<10000x128xf32, #tpu.memory_space<vmem_shared>>)
        tpu.yield
      }) : () -> ()
      %lt3A_55 = arith.constant 124 : i32
      %lt3A_56 = arith.cmpi slt, %scan3A_39, %lt3A_55 : i32
      %convert_element_type3A_57 = arith.extui %lt3A_56 : i1 to i32
      %cond3A_58 = arith.constant 0 : i32
      %cond3A_59 = arith.cmpi ne, %convert_element_type3A_57, %cond3A_58 : i32
      scf.if %cond3A_59 {
        %add3A_63 = arith.constant 2 : i32
        %add3A_64 = arith.addi %mul3A_41, %add3A_63 : i32
        %mul3A_65 = arith.constant 80 : i32
        %mul3A_66 = arith.muli %add3A_64, %mul3A_65 : i32
        %add3A_67 = arith.addi %mul3A_18, %mul3A_66 : i32
        "tpu.region"() ({
          %run_scoped3A = tpu.sem_alloc : memref<!tpu.dma_semaphore, #tpu.memory_space<semaphore_mem>>
          %dma_start3A_74 = tpu.memref_slice %arg3[%add3A_67] : memref<640000xi32, #tpu.memory_space<hbm>> -> memref<80xi32, #tpu.memory_space<hbm>>
          %dma_start3A_75 = tpu.memref_slice %arg3[%add3A_67] : memref<640000xi32, #tpu.memory_space<hbm>> -> memref<80xi32, #tpu.memory_space<hbm>>
          tpu.enqueue_dma source(%dma_start3A_75 : memref<80xi32, #tpu.memory_space<hbm>>) target(%arg6 : memref<80xi32, #tpu.memory_space<vmem>>) target_semaphore(%run_scoped3A : memref<!tpu.dma_semaphore, #tpu.memory_space<semaphore_mem>>)
          %dma_wait3A_76 = tpu.memref_slice %arg3[%add3A_67] : memref<640000xi32, #tpu.memory_space<hbm>> -> memref<80xi32, #tpu.memory_space<hbm>>
          %dma_wait3A_77 = tpu.memref_slice %arg3[%add3A_67] : memref<640000xi32, #tpu.memory_space<hbm>> -> memref<80xi32, #tpu.memory_space<hbm>>
          tpu.wait_dma2 semaphore(%run_scoped3A : memref<!tpu.dma_semaphore, #tpu.memory_space<semaphore_mem>>) src(%dma_wait3A_77 : memref<80xi32, #tpu.memory_space<hbm>>) dst(%arg6 : memref<80xi32, #tpu.memory_space<vmem>>)
          tpu.yield
        }) : () -> ()
        %mul3A_68 = arith.constant 80 : i32
        %mul3A_69 = arith.muli %add3A_64, %mul3A_68 : i32
        %add3A_70 = arith.addi %mul3A_18, %mul3A_69 : i32
        "tpu.region"() ({
          %run_scoped3A = tpu.sem_alloc : memref<!tpu.dma_semaphore, #tpu.memory_space<semaphore_mem>>
          %dma_start3A_74 = tpu.memref_slice %arg4[%add3A_70] : memref<640000xi32, #tpu.memory_space<hbm>> -> memref<80xi32, #tpu.memory_space<hbm>>
          %dma_start3A_75 = tpu.memref_slice %arg4[%add3A_70] : memref<640000xi32, #tpu.memory_space<hbm>> -> memref<80xi32, #tpu.memory_space<hbm>>
          tpu.enqueue_dma source(%dma_start3A_75 : memref<80xi32, #tpu.memory_space<hbm>>) target(%arg7 : memref<80xi32, #tpu.memory_space<vmem>>) target_semaphore(%run_scoped3A : memref<!tpu.dma_semaphore, #tpu.memory_space<semaphore_mem>>)
          %dma_wait3A_76 = tpu.memref_slice %arg4[%add3A_70] : memref<640000xi32, #tpu.memory_space<hbm>> -> memref<80xi32, #tpu.memory_space<hbm>>
          %dma_wait3A_77 = tpu.memref_slice %arg4[%add3A_70] : memref<640000xi32, #tpu.memory_space<hbm>> -> memref<80xi32, #tpu.memory_space<hbm>>
          tpu.wait_dma2 semaphore(%run_scoped3A : memref<!tpu.dma_semaphore, #tpu.memory_space<semaphore_mem>>) src(%dma_wait3A_77 : memref<80xi32, #tpu.memory_space<hbm>>) dst(%arg7 : memref<80xi32, #tpu.memory_space<vmem>>)
          tpu.yield
        }) : () -> ()
        %dma_start3A_71 = arith.constant 0 : i32
        %dma_start3A_72 = arith.constant 0 : i32
        %dma_start3A_73 = tpu.memref_slice %arg2[%dma_start3A_71, %dma_start3A_72] : memref<10000x128xf32, #tpu.memory_space<hbm>> -> memref<10000x128xf32, #tpu.memory_space<hbm>>
        tpu.enqueue_indirect_dma source(%dma_start3A_73 : memref<10000x128xf32, #tpu.memory_space<hbm>>) target(%arg10 : memref<80x128xf32, #tpu.memory_space<vmem>>) offsets(%arg6 : memref<80xi32, #tpu.memory_space<vmem>>) semaphore(%arg14 : memref<!tpu.dma_semaphore, #tpu.memory_space<semaphore_mem>>)
      } else {
      }
      %dma_wait3A_60 = arith.constant 0 : i32
      %dma_wait3A_61 = arith.constant 0 : i32
      %dma_wait3A_62 = tpu.memref_slice %arg2[%dma_wait3A_60, %dma_wait3A_61] : memref<10000x128xf32, #tpu.memory_space<hbm>> -> memref<10000x128xf32, #tpu.memory_space<hbm>>
      tpu.wait_indirect_dma semaphore(%arg15 : memref<!tpu.dma_semaphore, #tpu.memory_space<semaphore_mem>>) src(%dma_wait3A_62 : memref<10000x128xf32, #tpu.memory_space<hbm>>) dst(%arg11 : memref<80x128xf32, #tpu.memory_space<vmem>>)
      "tpu.region"() ({
        %run_scoped3A = tpu.sem_alloc : memref<!tpu.dma_semaphore, #tpu.memory_space<semaphore_mem>>
        %dma_start3A_63 = arith.constant 0 : i32
        %dma_start3A_64 = arith.constant 0 : i32
        %dma_start3A_65 = tpu.memref_slice %arg13[%dma_start3A_63, %dma_start3A_64] : memref<10000x128xf32, #tpu.memory_space<vmem_shared>> -> memref<10000x128xf32, #tpu.memory_space<vmem_shared>>
        tpu.enqueue_indirect_dma source(%arg11 : memref<80x128xf32, #tpu.memory_space<vmem>>) target(%dma_start3A_65 : memref<10000x128xf32, #tpu.memory_space<vmem_shared>>) offsets(%arg9 : memref<80xi32, #tpu.memory_space<vmem>>) semaphore(%run_scoped3A : memref<!tpu.dma_semaphore, #tpu.memory_space<semaphore_mem>>) {add = true}
        %dma_wait3A_66 = arith.constant 0 : i32
        %dma_wait3A_67 = arith.constant 0 : i32
        %dma_wait3A_68 = tpu.memref_slice %arg13[%dma_wait3A_66, %dma_wait3A_67] : memref<10000x128xf32, #tpu.memory_space<vmem_shared>> -> memref<10000x128xf32, #tpu.memory_space<vmem_shared>>
        tpu.wait_indirect_dma semaphore(%run_scoped3A : memref<!tpu.dma_semaphore, #tpu.memory_space<semaphore_mem>>) src(%arg11 : memref<80x128xf32, #tpu.memory_space<vmem>>) dst(%dma_wait3A_68 : memref<10000x128xf32, #tpu.memory_space<vmem_shared>>)
        tpu.yield
      }) : () -> ()
    }
    %scan3A_30 = arith.constant 125 : i32
    %barrier3A_31 = arith.constant 0 : index
    tpu.barrier barrier_id(%barrier3A_31)
    %lt3A_32 = arith.constant 15 : i32
    %lt3A_33 = arith.cmpi slt, %arg1, %lt3A_32 : i32
    %convert_element_type3A = arith.extui %lt3A_33 : i1 to i32
    %cond3A = arith.constant 0 : i32
    %cond3A_34 = arith.cmpi ne, %convert_element_type3A, %cond3A : i32
    scf.if %cond3A_34 {
      %mul3A_39 = arith.constant 640 : i32
      %mul3A_40 = arith.muli %arg1, %mul3A_39 : i32
      %mul3A_41 = arith.constant 640 : i32
      %mul3A_42 = arith.muli %arg1, %mul3A_41 : i32
      "tpu.region"() ({
        %run_scoped3A = tpu.sem_alloc : memref<!tpu.dma_semaphore, #tpu.memory_space<semaphore_mem>>
        %dma_start3A_43 = arith.constant 0 : i32
        %dma_start3A_44 = tpu.memref_slice %arg5[%arg0, %mul3A_42, %dma_start3A_43] : memref<2x10000x128xf32, #tpu.memory_space<hbm>> -> memref<1x640x128xf32, #tpu.memory_space<hbm>>
        %dma_start3A_45 = tpu.memref_squeeze %dma_start3A_44 : memref<1x640x128xf32, #tpu.memory_space<hbm>> -> memref<640x128xf32, #tpu.memory_space<hbm>>
        %dma_start3A_46 = arith.constant 0 : i32
        %dma_start3A_47 = tpu.memref_slice %arg13[%mul3A_40, %dma_start3A_46] : memref<10000x128xf32, #tpu.memory_space<vmem_shared>> -> memref<640x128xf32, #tpu.memory_space<vmem_shared>>
        tpu.enqueue_dma source(%dma_start3A_47 : memref<640x128xf32, #tpu.memory_space<vmem_shared>>) target(%dma_start3A_45 : memref<640x128xf32, #tpu.memory_space<hbm>>) target_semaphore(%run_scoped3A : memref<!tpu.dma_semaphore, #tpu.memory_space<semaphore_mem>>)
        %dma_wait3A = arith.constant 0 : i32
        %dma_wait3A_48 = tpu.memref_slice %arg5[%arg0, %mul3A_42, %dma_wait3A] : memref<2x10000x128xf32, #tpu.memory_space<hbm>> -> memref<1x640x128xf32, #tpu.memory_space<hbm>>
        %dma_wait3A_49 = tpu.memref_squeeze %dma_wait3A_48 : memref<1x640x128xf32, #tpu.memory_space<hbm>> -> memref<640x128xf32, #tpu.memory_space<hbm>>
        %dma_wait3A_50 = arith.constant 0 : i32
        %dma_wait3A_51 = tpu.memref_slice %arg13[%mul3A_40, %dma_wait3A_50] : memref<10000x128xf32, #tpu.memory_space<vmem_shared>> -> memref<640x128xf32, #tpu.memory_space<vmem_shared>>
        tpu.wait_dma2 semaphore(%run_scoped3A : memref<!tpu.dma_semaphore, #tpu.memory_space<semaphore_mem>>) src(%dma_wait3A_51 : memref<640x128xf32, #tpu.memory_space<vmem_shared>>) dst(%dma_wait3A_49 : memref<640x128xf32, #tpu.memory_space<hbm>>)
        tpu.yield
      }) : () -> ()
    } else {
    }
    %eq3A = arith.constant 15 : i32
    %eq3A_35 = arith.cmpi eq, %arg1, %eq3A : i32
    %convert_element_type3A_36 = arith.extui %eq3A_35 : i1 to i32
    %cond3A_37 = arith.constant 0 : i32
    %cond3A_38 = arith.cmpi ne, %convert_element_type3A_36, %cond3A_37 : i32
    scf.if %cond3A_38 {
      "tpu.region"() ({
        %run_scoped3A = tpu.sem_alloc : memref<!tpu.dma_semaphore, #tpu.memory_space<semaphore_mem>>
        %dma_start3A_39 = arith.constant 9600 : i32
        %dma_start3A_40 = arith.constant 0 : i32
        %dma_start3A_41 = tpu.memref_slice %arg5[%arg0, %dma_start3A_39, %dma_start3A_40] : memref<2x10000x128xf32, #tpu.memory_space<hbm>> -> memref<1x400x128xf32, #tpu.memory_space<hbm>>
        %dma_start3A_42 = tpu.memref_squeeze %dma_start3A_41 : memref<1x400x128xf32, #tpu.memory_space<hbm>> -> memref<400x128xf32, #tpu.memory_space<hbm>>
        %dma_start3A_43 = arith.constant 9600 : i32
        %dma_start3A_44 = arith.constant 0 : i32
        %dma_start3A_45 = tpu.memref_slice %arg13[%dma_start3A_43, %dma_start3A_44] : memref<10000x128xf32, #tpu.memory_space<vmem_shared>> -> memref<400x128xf32, #tpu.memory_space<vmem_shared>>
        tpu.enqueue_dma source(%dma_start3A_45 : memref<400x128xf32, #tpu.memory_space<vmem_shared>>) target(%dma_start3A_42 : memref<400x128xf32, #tpu.memory_space<hbm>>) target_semaphore(%run_scoped3A : memref<!tpu.dma_semaphore, #tpu.memory_space<semaphore_mem>>)
        %dma_wait3A = arith.constant 9600 : i32
        %dma_wait3A_46 = arith.constant 0 : i32
        %dma_wait3A_47 = tpu.memref_slice %arg5[%arg0, %dma_wait3A, %dma_wait3A_46] : memref<2x10000x128xf32, #tpu.memory_space<hbm>> -> memref<1x400x128xf32, #tpu.memory_space<hbm>>
        %dma_wait3A_48 = tpu.memref_squeeze %dma_wait3A_47 : memref<1x400x128xf32, #tpu.memory_space<hbm>> -> memref<400x128xf32, #tpu.memory_space<hbm>>
        %dma_wait3A_49 = arith.constant 9600 : i32
        %dma_wait3A_50 = arith.constant 0 : i32
        %dma_wait3A_51 = tpu.memref_slice %arg13[%dma_wait3A_49, %dma_wait3A_50] : memref<10000x128xf32, #tpu.memory_space<vmem_shared>> -> memref<400x128xf32, #tpu.memory_space<vmem_shared>>
        tpu.wait_dma2 semaphore(%run_scoped3A : memref<!tpu.dma_semaphore, #tpu.memory_space<semaphore_mem>>) src(%dma_wait3A_51 : memref<400x128xf32, #tpu.memory_space<vmem_shared>>) dst(%dma_wait3A_48 : memref<400x128xf32, #tpu.memory_space<hbm>>)
        tpu.yield
      }) : () -> ()
    } else {
    }
    return
  }
}

#map = affine_map<(d0, d1) -> (0, 0)>
#map1 = affine_map<(d0, d1) -> (0)>
#map2 = affine_map<(d0, d1) -> (0, 0, 0)>
module attributes {stable_mosaic.version = 14 : i64} {
  func.func @k(%arg0: i32, %arg1: i32, %arg2: memref<10000x128xf32, #tpu.memory_space<hbm>>, %arg3: memref<640000xi32, #tpu.memory_space<hbm>>, %arg4: memref<640000xi32, #tpu.memory_space<hbm>>, %arg5: memref<2x10000x128xf32, #tpu.memory_space<hbm>>, %arg6: memref<80xi32, #tpu.memory_space<vmem>>, %arg7: memref<80xi32, #tpu.memory_space<vmem>>, %arg8: memref<80xi32, #tpu.memory_space<vmem>>, %arg9: memref<80xi32, #tpu.memory_space<vmem>>, %arg10: memref<80x128xf32, #tpu.memory_space<vmem>>, %arg11: memref<80x128xf32, #tpu.memory_space<vmem>>, %arg12: memref<80x128xf32, #tpu.memory_space<vmem>>, %arg13: memref<10000x128xf32, #tpu.memory_space<vmem_shared>>, %arg14: memref<!tpu.dma_semaphore, #tpu.memory_space<semaphore_mem>>, %arg15: memref<!tpu.dma_semaphore, #tpu.memory_space<semaphore_mem>>) attributes {dimension_semantics = [#tpu.dimension_semantics<core_parallel>, #tpu.dimension_semantics<subcore_parallel>], iteration_bounds = array<i64: 2, 16>, scalar_prefetch = 0 : i64, scratch_operands = 10 : i64, tpu.core_type = #tpu.core_type<sc_vector_subcore>, window_params = [{transform_indices = #map}, {transform_indices = #map1}, {transform_indices = #map1}, {transform_indices = #map2}]} {
    %mul3A = arith.constant 16 : i32
    %mul3A_0 = arith.muli %arg0, %mul3A : i32
    %add3A = arith.addi %mul3A_0, %arg1 : i32
    %scan3A = arith.constant 0 : i32
    %scan3A_1 = arith.constant 0 : i32
    %scan3A_2 = arith.constant 80 : i32
    %scan3A_3 = arith.addi %scan3A_1, %scan3A_2 : i32
    %scan3A_4 = arith.constant 1 : i32
    scf.for %scan3A_39 = %scan3A_1 to %scan3A_3 step %scan3A_4  : i32 {
      %broadcast_in_dim3A = arith.constant 0.000000e+00 : f32
      %broadcast_in_dim3A_40 = vector.broadcast %broadcast_in_dim3A : f32 to vector<16xf32>
      %swap3A = arith.index_cast %scan3A_39 : i32 to index
      %swap3A_41 = arith.constant 0 : index
      %swap3A_42 = tpu.vector_load %arg12[%swap3A, %swap3A_41] {strides = array<i32>} : memref<80x128xf32, #tpu.memory_space<vmem>>, vector<1x16xf32>,
      %swap3A_43 = vector.shape_cast %swap3A_42 : vector<1x16xf32> to vector<16xf32>
      %swap3A_44 = vector.shape_cast %broadcast_in_dim3A_40 : vector<16xf32> to vector<1x16xf32>
      tpu.vector_store %arg12[%swap3A, %swap3A_41], %swap3A_44 {strides = array<i32>} : memref<80x128xf32, #tpu.memory_space<vmem>>, vector<1x16xf32>,
      %broadcast_in_dim3A_45 = arith.constant 0.000000e+00 : f32
      %broadcast_in_dim3A_46 = vector.broadcast %broadcast_in_dim3A_45 : f32 to vector<16xf32>
      %swap3A_47 = arith.index_cast %scan3A_39 : i32 to index
      %swap3A_48 = arith.constant 16 : index
      %swap3A_49 = tpu.vector_load %arg12[%swap3A_47, %swap3A_48] {strides = array<i32>} : memref<80x128xf32, #tpu.memory_space<vmem>>, vector<1x16xf32>,
      %swap3A_50 = vector.shape_cast %swap3A_49 : vector<1x16xf32> to vector<16xf32>
      %swap3A_51 = vector.shape_cast %broadcast_in_dim3A_46 : vector<16xf32> to vector<1x16xf32>
      tpu.vector_store %arg12[%swap3A_47, %swap3A_48], %swap3A_51 {strides = array<i32>} : memref<80x128xf32, #tpu.memory_space<vmem>>, vector<1x16xf32>,
      %broadcast_in_dim3A_52 = arith.constant 0.000000e+00 : f32
      %broadcast_in_dim3A_53 = vector.broadcast %broadcast_in_dim3A_52 : f32 to vector<16xf32>
      %swap3A_54 = arith.index_cast %scan3A_39 : i32 to index
      %swap3A_55 = arith.constant 32 : index
      %swap3A_56 = tpu.vector_load %arg12[%swap3A_54, %swap3A_55] {strides = array<i32>} : memref<80x128xf32, #tpu.memory_space<vmem>>, vector<1x16xf32>,
      %swap3A_57 = vector.shape_cast %swap3A_56 : vector<1x16xf32> to vector<16xf32>
      %swap3A_58 = vector.shape_cast %broadcast_in_dim3A_53 : vector<16xf32> to vector<1x16xf32>
      tpu.vector_store %arg12[%swap3A_54, %swap3A_55], %swap3A_58 {strides = array<i32>} : memref<80x128xf32, #tpu.memory_space<vmem>>, vector<1x16xf32>,
      %broadcast_in_dim3A_59 = arith.constant 0.000000e+00 : f32
      %broadcast_in_dim3A_60 = vector.broadcast %broadcast_in_dim3A_59 : f32 to vector<16xf32>
      %swap3A_61 = arith.index_cast %scan3A_39 : i32 to index
      %swap3A_62 = arith.constant 48 : index
      %swap3A_63 = tpu.vector_load %arg12[%swap3A_61, %swap3A_62] {strides = array<i32>} : memref<80x128xf32, #tpu.memory_space<vmem>>, vector<1x16xf32>,
      %swap3A_64 = vector.shape_cast %swap3A_63 : vector<1x16xf32> to vector<16xf32>
      %swap3A_65 = vector.shape_cast %broadcast_in_dim3A_60 : vector<16xf32> to vector<1x16xf32>
      tpu.vector_store %arg12[%swap3A_61, %swap3A_62], %swap3A_65 {strides = array<i32>} : memref<80x128xf32, #tpu.memory_space<vmem>>, vector<1x16xf32>,
      %broadcast_in_dim3A_66 = arith.constant 0.000000e+00 : f32
      %broadcast_in_dim3A_67 = vector.broadcast %broadcast_in_dim3A_66 : f32 to vector<16xf32>
      %swap3A_68 = arith.index_cast %scan3A_39 : i32 to index
      %swap3A_69 = arith.constant 64 : index
      %swap3A_70 = tpu.vector_load %arg12[%swap3A_68, %swap3A_69] {strides = array<i32>} : memref<80x128xf32, #tpu.memory_space<vmem>>, vector<1x16xf32>,
      %swap3A_71 = vector.shape_cast %swap3A_70 : vector<1x16xf32> to vector<16xf32>
      %swap3A_72 = vector.shape_cast %broadcast_in_dim3A_67 : vector<16xf32> to vector<1x16xf32>
      tpu.vector_store %arg12[%swap3A_68, %swap3A_69], %swap3A_72 {strides = array<i32>} : memref<80x128xf32, #tpu.memory_space<vmem>>, vector<1x16xf32>,
      %broadcast_in_dim3A_73 = arith.constant 0.000000e+00 : f32
      %broadcast_in_dim3A_74 = vector.broadcast %broadcast_in_dim3A_73 : f32 to vector<16xf32>
      %swap3A_75 = arith.index_cast %scan3A_39 : i32 to index
      %swap3A_76 = arith.constant 80 : index
      %swap3A_77 = tpu.vector_load %arg12[%swap3A_75, %swap3A_76] {strides = array<i32>} : memref<80x128xf32, #tpu.memory_space<vmem>>, vector<1x16xf32>,
      %swap3A_78 = vector.shape_cast %swap3A_77 : vector<1x16xf32> to vector<16xf32>
      %swap3A_79 = vector.shape_cast %broadcast_in_dim3A_74 : vector<16xf32> to vector<1x16xf32>
      tpu.vector_store %arg12[%swap3A_75, %swap3A_76], %swap3A_79 {strides = array<i32>} : memref<80x128xf32, #tpu.memory_space<vmem>>, vector<1x16xf32>,
      %broadcast_in_dim3A_80 = arith.constant 0.000000e+00 : f32
      %broadcast_in_dim3A_81 = vector.broadcast %broadcast_in_dim3A_80 : f32 to vector<16xf32>
      %swap3A_82 = arith.index_cast %scan3A_39 : i32 to index
      %swap3A_83 = arith.constant 96 : index
      %swap3A_84 = tpu.vector_load %arg12[%swap3A_82, %swap3A_83] {strides = array<i32>} : memref<80x128xf32, #tpu.memory_space<vmem>>, vector<1x16xf32>,
      %swap3A_85 = vector.shape_cast %swap3A_84 : vector<1x16xf32> to vector<16xf32>
      %swap3A_86 = vector.shape_cast %broadcast_in_dim3A_81 : vector<16xf32> to vector<1x16xf32>
      tpu.vector_store %arg12[%swap3A_82, %swap3A_83], %swap3A_86 {strides = array<i32>} : memref<80x128xf32, #tpu.memory_space<vmem>>, vector<1x16xf32>,
      %broadcast_in_dim3A_87 = arith.constant 0.000000e+00 : f32
      %broadcast_in_dim3A_88 = vector.broadcast %broadcast_in_dim3A_87 : f32 to vector<16xf32>
      %swap3A_89 = arith.index_cast %scan3A_39 : i32 to index
      %swap3A_90 = arith.constant 112 : index
      %swap3A_91 = tpu.vector_load %arg12[%swap3A_89, %swap3A_90] {strides = array<i32>} : memref<80x128xf32, #tpu.memory_space<vmem>>, vector<1x16xf32>,
      %swap3A_92 = vector.shape_cast %swap3A_91 : vector<1x16xf32> to vector<16xf32>
      %swap3A_93 = vector.shape_cast %broadcast_in_dim3A_88 : vector<16xf32> to vector<1x16xf32>
      tpu.vector_store %arg12[%swap3A_89, %swap3A_90], %swap3A_93 {strides = array<i32>} : memref<80x128xf32, #tpu.memory_space<vmem>>, vector<1x16xf32>,
    }
    %scan3A_5 = arith.constant 80 : i32
    %lt3A = arith.constant 15 : i32
    %lt3A_6 = arith.cmpi slt, %arg1, %lt3A : i32
    %jit3A = arith.constant 8 : i32
    %jit3A_7 = arith.constant 5 : i32
    %select_n3A = arith.select %lt3A_6, %jit3A, %jit3A_7 : i32
    %while3A = arith.constant 0 : i32
    %while3A_8 = arith.constant 0 : i32
    %while3A_9 = arith.subi %select_n3A, %while3A_8 : i32
    %while3A_10 = arith.addi %while3A_8, %while3A_9 : i32
    %while3A_11 = arith.constant 1 : i32
    %while3A_12 = arith.divsi %while3A_9, %while3A_11 : i32
    %while3A_13 = arith.muli %while3A_12, %while3A_11 : i32
    %while3A_14 = arith.addi %while3A_8, %while3A_13 : i32
    %while3A_15 = arith.constant 1 : i32
    scf.for %while3A_39 = %while3A_8 to %while3A_14 step %while3A_15  : i32 {
      %mul3A_40 = arith.constant 640 : i32
      %mul3A_41 = arith.muli %arg1, %mul3A_40 : i32
      %mul3A_42 = arith.constant 80 : i32
      %mul3A_43 = arith.muli %while3A_39, %mul3A_42 : i32
      %add3A_44 = arith.addi %mul3A_41, %mul3A_43 : i32
      "tpu.region"() ({
        %run_scoped3A = tpu.sem_alloc : memref<!tpu.dma_semaphore, #tpu.memory_space<semaphore_mem>>
        %dma_start3A_45 = arith.constant 0 : i32
        %dma_start3A_46 = tpu.memref_slice %arg13[%add3A_44, %dma_start3A_45] : memref<10000x128xf32, #tpu.memory_space<vmem_shared>> -> memref<80x128xf32, #tpu.memory_space<vmem_shared>>
        %dma_start3A_47 = arith.constant 0 : i32
        %dma_start3A_48 = tpu.memref_slice %arg13[%add3A_44, %dma_start3A_47] : memref<10000x128xf32, #tpu.memory_space<vmem_shared>> -> memref<80x128xf32, #tpu.memory_space<vmem_shared>>
        tpu.enqueue_dma source(%arg12 : memref<80x128xf32, #tpu.memory_space<vmem>>) target(%dma_start3A_48 : memref<80x128xf32, #tpu.memory_space<vmem_shared>>) target_semaphore(%run_scoped3A : memref<!tpu.dma_semaphore, #tpu.memory_space<semaphore_mem>>)
        %dma_wait3A = arith.constant 0 : i32
        %dma_wait3A_49 = tpu.memref_slice %arg13[%add3A_44, %dma_wait3A] : memref<10000x128xf32, #tpu.memory_space<vmem_shared>> -> memref<80x128xf32, #tpu.memory_space<vmem_shared>>
        %dma_wait3A_50 = arith.constant 0 : i32
        %dma_wait3A_51 = tpu.memref_slice %arg13[%add3A_44, %dma_wait3A_50] : memref<10000x128xf32, #tpu.memory_space<vmem_shared>> -> memref<80x128xf32, #tpu.memory_space<vmem_shared>>
        tpu.wait_dma2 semaphore(%run_scoped3A : memref<!tpu.dma_semaphore, #tpu.memory_space<semaphore_mem>>) src(%arg12 : memref<80x128xf32, #tpu.memory_space<vmem>>) dst(%dma_wait3A_51 : memref<80x128xf32, #tpu.memory_space<vmem_shared>>)
        tpu.yield
      }) : () -> ()
    }
    %while3A_16 = arith.constant 1 : i32
    scf.for %while3A_39 = %while3A_14 to %while3A_10 step %while3A_16  : i32 {
      %mul3A_40 = arith.constant 640 : i32
      %mul3A_41 = arith.muli %arg1, %mul3A_40 : i32
      %mul3A_42 = arith.constant 80 : i32
      %mul3A_43 = arith.muli %while3A_39, %mul3A_42 : i32
      %add3A_44 = arith.addi %mul3A_41, %mul3A_43 : i32
      "tpu.region"() ({
        %run_scoped3A = tpu.sem_alloc : memref<!tpu.dma_semaphore, #tpu.memory_space<semaphore_mem>>
        %dma_start3A_45 = arith.constant 0 : i32
        %dma_start3A_46 = tpu.memref_slice %arg13[%add3A_44, %dma_start3A_45] : memref<10000x128xf32, #tpu.memory_space<vmem_shared>> -> memref<80x128xf32, #tpu.memory_space<vmem_shared>>
        %dma_start3A_47 = arith.constant 0 : i32
        %dma_start3A_48 = tpu.memref_slice %arg13[%add3A_44, %dma_start3A_47] : memref<10000x128xf32, #tpu.memory_space<vmem_shared>> -> memref<80x128xf32, #tpu.memory_space<vmem_shared>>
        tpu.enqueue_dma source(%arg12 : memref<80x128xf32, #tpu.memory_space<vmem>>) target(%dma_start3A_48 : memref<80x128xf32, #tpu.memory_space<vmem_shared>>) target_semaphore(%run_scoped3A : memref<!tpu.dma_semaphore, #tpu.memory_space<semaphore_mem>>)
        %dma_wait3A = arith.constant 0 : i32
        %dma_wait3A_49 = tpu.memref_slice %arg13[%add3A_44, %dma_wait3A] : memref<10000x128xf32, #tpu.memory_space<vmem_shared>> -> memref<80x128xf32, #tpu.memory_space<vmem_shared>>
        %dma_wait3A_50 = arith.constant 0 : i32
        %dma_wait3A_51 = tpu.memref_slice %arg13[%add3A_44, %dma_wait3A_50] : memref<10000x128xf32, #tpu.memory_space<vmem_shared>> -> memref<80x128xf32, #tpu.memory_space<vmem_shared>>
        tpu.wait_dma2 semaphore(%run_scoped3A : memref<!tpu.dma_semaphore, #tpu.memory_space<semaphore_mem>>) src(%arg12 : memref<80x128xf32, #tpu.memory_space<vmem>>) dst(%dma_wait3A_51 : memref<80x128xf32, #tpu.memory_space<vmem_shared>>)
        tpu.yield
      }) : () -> ()
    }
    %barrier3A = arith.constant 0 : index
    tpu.barrier barrier_id(%barrier3A)
    %mul3A_17 = arith.constant 20000 : i32
    %mul3A_18 = arith.muli %add3A, %mul3A_17 : i32
    %add3A_19 = arith.constant 0 : i32
    %add3A_20 = arith.addi %mul3A_18, %add3A_19 : i32
    "tpu.region"() ({
      %run_scoped3A = tpu.sem_alloc : memref<!tpu.dma_semaphore, #tpu.memory_space<semaphore_mem>>
      %dma_start3A_39 = tpu.memref_slice %arg3[%add3A_20] : memref<640000xi32, #tpu.memory_space<hbm>> -> memref<80xi32, #tpu.memory_space<hbm>>
      %dma_start3A_40 = tpu.memref_slice %arg3[%add3A_20] : memref<640000xi32, #tpu.memory_space<hbm>> -> memref<80xi32, #tpu.memory_space<hbm>>
      tpu.enqueue_dma source(%dma_start3A_40 : memref<80xi32, #tpu.memory_space<hbm>>) target(%arg6 : memref<80xi32, #tpu.memory_space<vmem>>) target_semaphore(%run_scoped3A : memref<!tpu.dma_semaphore, #tpu.memory_space<semaphore_mem>>)
      %dma_wait3A = tpu.memref_slice %arg3[%add3A_20] : memref<640000xi32, #tpu.memory_space<hbm>> -> memref<80xi32, #tpu.memory_space<hbm>>
      %dma_wait3A_41 = tpu.memref_slice %arg3[%add3A_20] : memref<640000xi32, #tpu.memory_space<hbm>> -> memref<80xi32, #tpu.memory_space<hbm>>
      tpu.wait_dma2 semaphore(%run_scoped3A : memref<!tpu.dma_semaphore, #tpu.memory_space<semaphore_mem>>) src(%dma_wait3A_41 : memref<80xi32, #tpu.memory_space<hbm>>) dst(%arg6 : memref<80xi32, #tpu.memory_space<vmem>>)
      tpu.yield
    }) : () -> ()
    %add3A_21 = arith.constant 0 : i32
    %add3A_22 = arith.addi %mul3A_18, %add3A_21 : i32
    "tpu.region"() ({
      %run_scoped3A = tpu.sem_alloc : memref<!tpu.dma_semaphore, #tpu.memory_space<semaphore_mem>>
      %dma_start3A_39 = tpu.memref_slice %arg4[%add3A_22] : memref<640000xi32, #tpu.memory_space<hbm>> -> memref<80xi32, #tpu.memory_space<hbm>>
      %dma_start3A_40 = tpu.memref_slice %arg4[%add3A_22] : memref<640000xi32, #tpu.memory_space<hbm>> -> memref<80xi32, #tpu.memory_space<hbm>>
      tpu.enqueue_dma source(%dma_start3A_40 : memref<80xi32, #tpu.memory_space<hbm>>) target(%arg7 : memref<80xi32, #tpu.memory_space<vmem>>) target_semaphore(%run_scoped3A : memref<!tpu.dma_semaphore, #tpu.memory_space<semaphore_mem>>)
      %dma_wait3A = tpu.memref_slice %arg4[%add3A_22] : memref<640000xi32, #tpu.memory_space<hbm>> -> memref<80xi32, #tpu.memory_space<hbm>>
      %dma_wait3A_41 = tpu.memref_slice %arg4[%add3A_22] : memref<640000xi32, #tpu.memory_space<hbm>> -> memref<80xi32, #tpu.memory_space<hbm>>
      tpu.wait_dma2 semaphore(%run_scoped3A : memref<!tpu.dma_semaphore, #tpu.memory_space<semaphore_mem>>) src(%dma_wait3A_41 : memref<80xi32, #tpu.memory_space<hbm>>) dst(%arg7 : memref<80xi32, #tpu.memory_space<vmem>>)
      tpu.yield
    }) : () -> ()
    %dma_start3A = arith.constant 0 : i32
    %dma_start3A_23 = arith.constant 0 : i32
    %dma_start3A_24 = tpu.memref_slice %arg2[%dma_start3A, %dma_start3A_23] : memref<10000x128xf32, #tpu.memory_space<hbm>> -> memref<10000x128xf32, #tpu.memory_space<hbm>>
    tpu.enqueue_indirect_dma source(%dma_start3A_24 : memref<10000x128xf32, #tpu.memory_space<hbm>>) target(%arg10 : memref<80x128xf32, #tpu.memory_space<vmem>>) offsets(%arg6 : memref<80xi32, #tpu.memory_space<vmem>>) semaphore(%arg14 : memref<!tpu.dma_semaphore, #tpu.memory_space<semaphore_mem>>)
    %scan3A_25 = arith.constant 0 : i32
    %scan3A_26 = arith.constant 0 : i32
    %scan3A_27 = arith.constant 125 : i32
    %scan3A_28 = arith.addi %scan3A_26, %scan3A_27 : i32
    %scan3A_29 = arith.constant 1 : i32
    scf.for %scan3A_39 = %scan3A_26 to %scan3A_28 step %scan3A_29  : i32 {
      %mul3A_40 = arith.constant 2 : i32
      %mul3A_41 = arith.muli %mul3A_40, %scan3A_39 : i32
      %add3A_42 = arith.constant 1 : i32
      %add3A_43 = arith.addi %mul3A_41, %add3A_42 : i32
      %mul3A_44 = arith.constant 80 : i32
      %mul3A_45 = arith.muli %add3A_43, %mul3A_44 : i32
      %add3A_46 = arith.addi %mul3A_18, %mul3A_45 : i32
      "tpu.region"() ({
        %run_scoped3A = tpu.sem_alloc : memref<!tpu.dma_semaphore, #tpu.memory_space<semaphore_mem>>
        %dma_start3A_63 = tpu.memref_slice %arg3[%add3A_46] : memref<640000xi32, #tpu.memory_space<hbm>> -> memref<80xi32, #tpu.memory_space<hbm>>
        %dma_start3A_64 = tpu.memref_slice %arg3[%add3A_46] : memref<640000xi32, #tpu.memory_space<hbm>> -> memref<80xi32, #tpu.memory_space<hbm>>
        tpu.enqueue_dma source(%dma_start3A_64 : memref<80xi32, #tpu.memory_space<hbm>>) target(%arg8 : memref<80xi32, #tpu.memory_space<vmem>>) target_semaphore(%run_scoped3A : memref<!tpu.dma_semaphore, #tpu.memory_space<semaphore_mem>>)
        %dma_wait3A_65 = tpu.memref_slice %arg3[%add3A_46] : memref<640000xi32, #tpu.memory_space<hbm>> -> memref<80xi32, #tpu.memory_space<hbm>>
        %dma_wait3A_66 = tpu.memref_slice %arg3[%add3A_46] : memref<640000xi32, #tpu.memory_space<hbm>> -> memref<80xi32, #tpu.memory_space<hbm>>
        tpu.wait_dma2 semaphore(%run_scoped3A : memref<!tpu.dma_semaphore, #tpu.memory_space<semaphore_mem>>) src(%dma_wait3A_66 : memref<80xi32, #tpu.memory_space<hbm>>) dst(%arg8 : memref<80xi32, #tpu.memory_space<vmem>>)
        tpu.yield
      }) : () -> ()
      %mul3A_47 = arith.constant 80 : i32
      %mul3A_48 = arith.muli %add3A_43, %mul3A_47 : i32
      %add3A_49 = arith.addi %mul3A_18, %mul3A_48 : i32
      "tpu.region"() ({
        %run_scoped3A = tpu.sem_alloc : memref<!tpu.dma_semaphore, #tpu.memory_space<semaphore_mem>>
        %dma_start3A_63 = tpu.memref_slice %arg4[%add3A_49] : memref<640000xi32, #tpu.memory_space<hbm>> -> memref<80xi32, #tpu.memory_space<hbm>>
        %dma_start3A_64 = tpu.memref_slice %arg4[%add3A_49] : memref<640000xi32, #tpu.memory_space<hbm>> -> memref<80xi32, #tpu.memory_space<hbm>>
        tpu.enqueue_dma source(%dma_start3A_64 : memref<80xi32, #tpu.memory_space<hbm>>) target(%arg9 : memref<80xi32, #tpu.memory_space<vmem>>) target_semaphore(%run_scoped3A : memref<!tpu.dma_semaphore, #tpu.memory_space<semaphore_mem>>)
        %dma_wait3A_65 = tpu.memref_slice %arg4[%add3A_49] : memref<640000xi32, #tpu.memory_space<hbm>> -> memref<80xi32, #tpu.memory_space<hbm>>
        %dma_wait3A_66 = tpu.memref_slice %arg4[%add3A_49] : memref<640000xi32, #tpu.memory_space<hbm>> -> memref<80xi32, #tpu.memory_space<hbm>>
        tpu.wait_dma2 semaphore(%run_scoped3A : memref<!tpu.dma_semaphore, #tpu.memory_space<semaphore_mem>>) src(%dma_wait3A_66 : memref<80xi32, #tpu.memory_space<hbm>>) dst(%arg9 : memref<80xi32, #tpu.memory_space<vmem>>)
        tpu.yield
      }) : () -> ()
      %dma_start3A_50 = arith.constant 0 : i32
      %dma_start3A_51 = arith.constant 0 : i32
      %dma_start3A_52 = tpu.memref_slice %arg2[%dma_start3A_50, %dma_start3A_51] : memref<10000x128xf32, #tpu.memory_space<hbm>> -> memref<10000x128xf32, #tpu.memory_space<hbm>>
      tpu.enqueue_indirect_dma source(%dma_start3A_52 : memref<10000x128xf32, #tpu.memory_space<hbm>>) target(%arg11 : memref<80x128xf32, #tpu.memory_space<vmem>>) offsets(%arg8 : memref<80xi32, #tpu.memory_space<vmem>>) semaphore(%arg15 : memref<!tpu.dma_semaphore, #tpu.memory_space<semaphore_mem>>)
      %dma_wait3A = arith.constant 0 : i32
      %dma_wait3A_53 = arith.constant 0 : i32
      %dma_wait3A_54 = tpu.memref_slice %arg2[%dma_wait3A, %dma_wait3A_53] : memref<10000x128xf32, #tpu.memory_space<hbm>> -> memref<10000x128xf32, #tpu.memory_space<hbm>>
      tpu.wait_indirect_dma semaphore(%arg14 : memref<!tpu.dma_semaphore, #tpu.memory_space<semaphore_mem>>) src(%dma_wait3A_54 : memref<10000x128xf32, #tpu.memory_space<hbm>>) dst(%arg10 : memref<80x128xf32, #tpu.memory_space<vmem>>)
      "tpu.region"() ({
        %run_scoped3A = tpu.sem_alloc : memref<!tpu.dma_semaphore, #tpu.memory_space<semaphore_mem>>
        %dma_start3A_63 = arith.constant 0 : i32
        %dma_start3A_64 = arith.constant 0 : i32
        %dma_start3A_65 = tpu.memref_slice %arg13[%dma_start3A_63, %dma_start3A_64] : memref<10000x128xf32, #tpu.memory_space<vmem_shared>> -> memref<10000x128xf32, #tpu.memory_space<vmem_shared>>
        tpu.enqueue_indirect_dma source(%arg10 : memref<80x128xf32, #tpu.memory_space<vmem>>) target(%dma_start3A_65 : memref<10000x128xf32, #tpu.memory_space<vmem_shared>>) offsets(%arg7 : memref<80xi32, #tpu.memory_space<vmem>>) semaphore(%run_scoped3A : memref<!tpu.dma_semaphore, #tpu.memory_space<semaphore_mem>>) {add = true}
        %dma_wait3A_66 = arith.constant 0 : i32
        %dma_wait3A_67 = arith.constant 0 : i32
        %dma_wait3A_68 = tpu.memref_slice %arg13[%dma_wait3A_66, %dma_wait3A_67] : memref<10000x128xf32, #tpu.memory_space<vmem_shared>> -> memref<10000x128xf32, #tpu.memory_space<vmem_shared>>
        tpu.wait_indirect_dma semaphore(%run_scoped3A : memref<!tpu.dma_semaphore, #tpu.memory_space<semaphore_mem>>) src(%arg10 : memref<80x128xf32, #tpu.memory_space<vmem>>) dst(%dma_wait3A_68 : memref<10000x128xf32, #tpu.memory_space<vmem_shared>>)
        tpu.yield
      }) : () -> ()
      %lt3A_55 = arith.constant 124 : i32
      %lt3A_56 = arith.cmpi slt, %scan3A_39, %lt3A_55 : i32
      %convert_element_type3A_57 = arith.extui %lt3A_56 : i1 to i32
      %cond3A_58 = arith.constant 0 : i32
      %cond3A_59 = arith.cmpi ne, %convert_element_type3A_57, %cond3A_58 : i32
      scf.if %cond3A_59 {
        %add3A_63 = arith.constant 2 : i32
        %add3A_64 = arith.addi %mul3A_41, %add3A_63 : i32
        %mul3A_65 = arith.constant 80 : i32
        %mul3A_66 = arith.muli %add3A_64, %mul3A_65 : i32
        %add3A_67 = arith.addi %mul3A_18, %mul3A_66 : i32
        "tpu.region"() ({
          %run_scoped3A = tpu.sem_alloc : memref<!tpu.dma_semaphore, #tpu.memory_space<semaphore_mem>>
          %dma_start3A_74 = tpu.memref_slice %arg3[%add3A_67] : memref<640000xi32, #tpu.memory_space<hbm>> -> memref<80xi32, #tpu.memory_space<hbm>>
          %dma_start3A_75 = tpu.memref_slice %arg3[%add3A_67] : memref<640000xi32, #tpu.memory_space<hbm>> -> memref<80xi32, #tpu.memory_space<hbm>>
          tpu.enqueue_dma source(%dma_start3A_75 : memref<80xi32, #tpu.memory_space<hbm>>) target(%arg6 : memref<80xi32, #tpu.memory_space<vmem>>) target_semaphore(%run_scoped3A : memref<!tpu.dma_semaphore, #tpu.memory_space<semaphore_mem>>)
          %dma_wait3A_76 = tpu.memref_slice %arg3[%add3A_67] : memref<640000xi32, #tpu.memory_space<hbm>> -> memref<80xi32, #tpu.memory_space<hbm>>
          %dma_wait3A_77 = tpu.memref_slice %arg3[%add3A_67] : memref<640000xi32, #tpu.memory_space<hbm>> -> memref<80xi32, #tpu.memory_space<hbm>>
          tpu.wait_dma2 semaphore(%run_scoped3A : memref<!tpu.dma_semaphore, #tpu.memory_space<semaphore_mem>>) src(%dma_wait3A_77 : memref<80xi32, #tpu.memory_space<hbm>>) dst(%arg6 : memref<80xi32, #tpu.memory_space<vmem>>)
          tpu.yield
        }) : () -> ()
        %mul3A_68 = arith.constant 80 : i32
        %mul3A_69 = arith.muli %add3A_64, %mul3A_68 : i32
        %add3A_70 = arith.addi %mul3A_18, %mul3A_69 : i32
        "tpu.region"() ({
          %run_scoped3A = tpu.sem_alloc : memref<!tpu.dma_semaphore, #tpu.memory_space<semaphore_mem>>
          %dma_start3A_74 = tpu.memref_slice %arg4[%add3A_70] : memref<640000xi32, #tpu.memory_space<hbm>> -> memref<80xi32, #tpu.memory_space<hbm>>
          %dma_start3A_75 = tpu.memref_slice %arg4[%add3A_70] : memref<640000xi32, #tpu.memory_space<hbm>> -> memref<80xi32, #tpu.memory_space<hbm>>
          tpu.enqueue_dma source(%dma_start3A_75 : memref<80xi32, #tpu.memory_space<hbm>>) target(%arg7 : memref<80xi32, #tpu.memory_space<vmem>>) target_semaphore(%run_scoped3A : memref<!tpu.dma_semaphore, #tpu.memory_space<semaphore_mem>>)
          %dma_wait3A_76 = tpu.memref_slice %arg4[%add3A_70] : memref<640000xi32, #tpu.memory_space<hbm>> -> memref<80xi32, #tpu.memory_space<hbm>>
          %dma_wait3A_77 = tpu.memref_slice %arg4[%add3A_70] : memref<640000xi32, #tpu.memory_space<hbm>> -> memref<80xi32, #tpu.memory_space<hbm>>
          tpu.wait_dma2 semaphore(%run_scoped3A : memref<!tpu.dma_semaphore, #tpu.memory_space<semaphore_mem>>) src(%dma_wait3A_77 : memref<80xi32, #tpu.memory_space<hbm>>) dst(%arg7 : memref<80xi32, #tpu.memory_space<vmem>>)
          tpu.yield
        }) : () -> ()
        %dma_start3A_71 = arith.constant 0 : i32
        %dma_start3A_72 = arith.constant 0 : i32
        %dma_start3A_73 = tpu.memref_slice %arg2[%dma_start3A_71, %dma_start3A_72] : memref<10000x128xf32, #tpu.memory_space<hbm>> -> memref<10000x128xf32, #tpu.memory_space<hbm>>
        tpu.enqueue_indirect_dma source(%dma_start3A_73 : memref<10000x128xf32, #tpu.memory_space<hbm>>) target(%arg10 : memref<80x128xf32, #tpu.memory_space<vmem>>) offsets(%arg6 : memref<80xi32, #tpu.memory_space<vmem>>) semaphore(%arg14 : memref<!tpu.dma_semaphore, #tpu.memory_space<semaphore_mem>>)
      } else {
      }
      %dma_wait3A_60 = arith.constant 0 : i32
      %dma_wait3A_61 = arith.constant 0 : i32
      %dma_wait3A_62 = tpu.memref_slice %arg2[%dma_wait3A_60, %dma_wait3A_61] : memref<10000x128xf32, #tpu.memory_space<hbm>> -> memref<10000x128xf32, #tpu.memory_space<hbm>>
      tpu.wait_indirect_dma semaphore(%arg15 : memref<!tpu.dma_semaphore, #tpu.memory_space<semaphore_mem>>) src(%dma_wait3A_62 : memref<10000x128xf32, #tpu.memory_space<hbm>>) dst(%arg11 : memref<80x128xf32, #tpu.memory_space<vmem>>)
      "tpu.region"() ({
        %run_scoped3A = tpu.sem_alloc : memref<!tpu.dma_semaphore, #tpu.memory_space<semaphore_mem>>
        %dma_start3A_63 = arith.constant 0 : i32
        %dma_start3A_64 = arith.constant 0 : i32
        %dma_start3A_65 = tpu.memref_slice %arg13[%dma_start3A_63, %dma_start3A_64] : memref<10000x128xf32, #tpu.memory_space<vmem_shared>> -> memref<10000x128xf32, #tpu.memory_space<vmem_shared>>
        tpu.enqueue_indirect_dma source(%arg11 : memref<80x128xf32, #tpu.memory_space<vmem>>) target(%dma_start3A_65 : memref<10000x128xf32, #tpu.memory_space<vmem_shared>>) offsets(%arg9 : memref<80xi32, #tpu.memory_space<vmem>>) semaphore(%run_scoped3A : memref<!tpu.dma_semaphore, #tpu.memory_space<semaphore_mem>>) {add = true}
        %dma_wait3A_66 = arith.constant 0 : i32
        %dma_wait3A_67 = arith.constant 0 : i32
        %dma_wait3A_68 = tpu.memref_slice %arg13[%dma_wait3A_66, %dma_wait3A_67] : memref<10000x128xf32, #tpu.memory_space<vmem_shared>> -> memref<10000x128xf32, #tpu.memory_space<vmem_shared>>
        tpu.wait_indirect_dma semaphore(%run_scoped3A : memref<!tpu.dma_semaphore, #tpu.memory_space<semaphore_mem>>) src(%arg11 : memref<80x128xf32, #tpu.memory_space<vmem>>) dst(%dma_wait3A_68 : memref<10000x128xf32, #tpu.memory_space<vmem_shared>>)
        tpu.yield
      }) : () -> ()
    }
    %scan3A_30 = arith.constant 125 : i32
    %barrier3A_31 = arith.constant 0 : index
    tpu.barrier barrier_id(%barrier3A_31)
    %lt3A_32 = arith.constant 15 : i32
    %lt3A_33 = arith.cmpi slt, %arg1, %lt3A_32 : i32
    %convert_element_type3A = arith.extui %lt3A_33 : i1 to i32
    %cond3A = arith.constant 0 : i32
    %cond3A_34 = arith.cmpi ne, %convert_element_type3A, %cond3A : i32
    scf.if %cond3A_34 {
      %mul3A_39 = arith.constant 640 : i32
      %mul3A_40 = arith.muli %arg1, %mul3A_39 : i32
      %mul3A_41 = arith.constant 640 : i32
      %mul3A_42 = arith.muli %arg1, %mul3A_41 : i32
      "tpu.region"() ({
        %run_scoped3A = tpu.sem_alloc : memref<!tpu.dma_semaphore, #tpu.memory_space<semaphore_mem>>
        %dma_start3A_43 = arith.constant 0 : i32
        %dma_start3A_44 = tpu.memref_slice %arg5[%arg0, %mul3A_42, %dma_start3A_43] : memref<2x10000x128xf32, #tpu.memory_space<hbm>> -> memref<1x640x128xf32, #tpu.memory_space<hbm>>
        %dma_start3A_45 = tpu.memref_squeeze %dma_start3A_44 : memref<1x640x128xf32, #tpu.memory_space<hbm>> -> memref<640x128xf32, #tpu.memory_space<hbm>>
        %dma_start3A_46 = arith.constant 0 : i32
        %dma_start3A_47 = tpu.memref_slice %arg13[%mul3A_40, %dma_start3A_46] : memref<10000x128xf32, #tpu.memory_space<vmem_shared>> -> memref<640x128xf32, #tpu.memory_space<vmem_shared>>
        tpu.enqueue_dma source(%dma_start3A_47 : memref<640x128xf32, #tpu.memory_space<vmem_shared>>) target(%dma_start3A_45 : memref<640x128xf32, #tpu.memory_space<hbm>>) target_semaphore(%run_scoped3A : memref<!tpu.dma_semaphore, #tpu.memory_space<semaphore_mem>>)
        %dma_wait3A = arith.constant 0 : i32
        %dma_wait3A_48 = tpu.memref_slice %arg5[%arg0, %mul3A_42, %dma_wait3A] : memref<2x10000x128xf32, #tpu.memory_space<hbm>> -> memref<1x640x128xf32, #tpu.memory_space<hbm>>
        %dma_wait3A_49 = tpu.memref_squeeze %dma_wait3A_48 : memref<1x640x128xf32, #tpu.memory_space<hbm>> -> memref<640x128xf32, #tpu.memory_space<hbm>>
        %dma_wait3A_50 = arith.constant 0 : i32
        %dma_wait3A_51 = tpu.memref_slice %arg13[%mul3A_40, %dma_wait3A_50] : memref<10000x128xf32, #tpu.memory_space<vmem_shared>> -> memref<640x128xf32, #tpu.memory_space<vmem_shared>>
        tpu.wait_dma2 semaphore(%run_scoped3A : memref<!tpu.dma_semaphore, #tpu.memory_space<semaphore_mem>>) src(%dma_wait3A_51 : memref<640x128xf32, #tpu.memory_space<vmem_shared>>) dst(%dma_wait3A_49 : memref<640x128xf32, #tpu.memory_space<hbm>>)
        tpu.yield
      }) : () -> ()
    } else {
    }
    %eq3A = arith.constant 15 : i32
    %eq3A_35 = arith.cmpi eq, %arg1, %eq3A : i32
    %convert_element_type3A_36 = arith.extui %eq3A_35 : i1 to i32
    %cond3A_37 = arith.constant 0 : i32
    %cond3A_38 = arith.cmpi ne, %convert_element_type3A_36, %cond3A_37 : i32
    scf.if %cond3A_38 {
      "tpu.region"() ({
        %run_scoped3A = tpu.sem_alloc : memref<!tpu.dma_semaphore, #tpu.memory_space<semaphore_mem>>
        %dma_start3A_39 = arith.constant 9600 : i32
        %dma_start3A_40 = arith.constant 0 : i32
        %dma_start3A_41 = tpu.memref_slice %arg5[%arg0, %dma_start3A_39, %dma_start3A_40] : memref<2x10000x128xf32, #tpu.memory_space<hbm>> -> memref<1x400x128xf32, #tpu.memory_space<hbm>>
        %dma_start3A_42 = tpu.memref_squeeze %dma_start3A_41 : memref<1x400x128xf32, #tpu.memory_space<hbm>> -> memref<400x128xf32, #tpu.memory_space<hbm>>
        %dma_start3A_43 = arith.constant 9600 : i32
        %dma_start3A_44 = arith.constant 0 : i32
        %dma_start3A_45 = tpu.memref_slice %arg13[%dma_start3A_43, %dma_start3A_44] : memref<10000x128xf32, #tpu.memory_space<vmem_shared>> -> memref<400x128xf32, #tpu.memory_space<vmem_shared>>
        tpu.enqueue_dma source(%dma_start3A_45 : memref<400x128xf32, #tpu.memory_space<vmem_shared>>) target(%dma_start3A_42 : memref<400x128xf32, #tpu.memory_space<hbm>>) target_semaphore(%run_scoped3A : memref<!tpu.dma_semaphore, #tpu.memory_space<semaphore_mem>>)
        %dma_wait3A = arith.constant 9600 : i32
        %dma_wait3A_46 = arith.constant 0 : i32
        %dma_wait3A_47 = tpu.memref_slice %arg5[%arg0, %dma_wait3A, %dma_wait3A_46] : memref<2x10000x128xf32, #tpu.memory_space<hbm>> -> memref<1x400x128xf32, #tpu.memory_space<hbm>>
        %dma_wait3A_48 = tpu.memref_squeeze %dma_wait3A_47 : memref<1x400x128xf32, #tpu.memory_space<hbm>> -> memref<400x128xf32, #tpu.memory_space<hbm>>
        %dma_wait3A_49 = arith.constant 9600 : i32
        %dma_wait3A_50 = arith.constant 0 : i32
        %dma_wait3A_51 = tpu.memref_slice %arg13[%dma_wait3A_49, %dma_wait3A_50] : memref<10000x128xf32, #tpu.memory_space<vmem_shared>> -> memref<400x128xf32, #tpu.memory_space<vmem_shared>>
        tpu.wait_dma2 semaphore(%run_scoped3A : memref<!tpu.dma_semaphore, #tpu.memory_space<semaphore_mem>>) src(%dma_wait3A_51 : memref<400x128xf32, #tpu.memory_space<vmem_shared>>) dst(%dma_wait3A_48 : memref<400x128xf32, #tpu.memory_space<hbm>>)
        tpu.yield
      }) : () -> ()
    } else {
    }
    return
  }
}

module attributes {stable_mosaic.version = 14 : i64} {
  func.func @_embed_body(%arg0: memref<10000x1xi32, #tpu.memory_space<vmem>>, %arg1: memref<8x128xf32, #tpu.memory_space<vmem>>, %arg2: memref<128x8xf32, #tpu.memory_space<vmem>>, %arg3: memref<1x8xf32, #tpu.memory_space<vmem>>, %arg4: memref<10000x128xf32, #tpu.memory_space<vmem>>, %arg5: memref<10000x128xf32, #tpu.memory_space<vmem>>, %arg6: memref<10000x8xf32, #tpu.memory_space<vmem>>) attributes {dimension_semantics = [], scalar_prefetch = 0 : i64, scratch_operands = 0 : i64, tpu.core_type = #tpu.core_type<tc>} {
    %get3A = arith.constant 0 : index
    %get3A_0 = arith.constant 0 : index
    %get3A_1 = vector.load %arg0[%get3A, %get3A_0] : memref<10000x1xi32, #tpu.memory_space<vmem>>, vector<10000x1xi32>
    %broadcast_in_dim3A = arith.constant 0.000000e+00 : f32
    %broadcast_in_dim3A_2 = vector.broadcast %broadcast_in_dim3A : f32 to vector<10000x128xf32>
    %eq3A = arith.constant 0 : i32
    %eq3A_3 = vector.broadcast %eq3A : i32 to vector<10000x1xi32>
    %eq3A_4 = arith.cmpi eq, %get3A_1, %eq3A_3 : vector<10000x1xi32>
    %convert_element_type3A = arith.extui %eq3A_4 : vector<10000x1xi1> to vector<10000x1xi32>
    %convert_element_type3A_5 = arith.sitofp %convert_element_type3A : vector<10000x1xi32> to vector<10000x1xf32>
    %get3A_6 = arith.constant 0 : index
    %get3A_7 = arith.constant 0 : index
    %get3A_8 = vector.load %arg1[%get3A_6, %get3A_7] : memref<8x128xf32, #tpu.memory_space<vmem>>, vector<1x128xf32>
    %mul3A = vector.broadcast %convert_element_type3A_5 : vector<10000x1xf32> to vector<10000x128xf32>
    %mul3A_9 = vector.broadcast %get3A_8 : vector<1x128xf32> to vector<10000x128xf32>
    %mul3A_10 = arith.mulf %mul3A, %mul3A_9 : vector<10000x128xf32>
    %add3A = arith.addf %broadcast_in_dim3A_2, %mul3A_10 : vector<10000x128xf32>
    %eq3A_11 = arith.constant 1 : i32
    %eq3A_12 = vector.broadcast %eq3A_11 : i32 to vector<10000x1xi32>
    %eq3A_13 = arith.cmpi eq, %get3A_1, %eq3A_12 : vector<10000x1xi32>
    %convert_element_type3A_14 = arith.extui %eq3A_13 : vector<10000x1xi1> to vector<10000x1xi32>
    %convert_element_type3A_15 = arith.sitofp %convert_element_type3A_14 : vector<10000x1xi32> to vector<10000x1xf32>
    %get3A_16 = arith.constant 1 : index
    %get3A_17 = arith.constant 0 : index
    %get3A_18 = vector.load %arg1[%get3A_16, %get3A_17] : memref<8x128xf32, #tpu.memory_space<vmem>>, vector<1x128xf32>
    %mul3A_19 = vector.broadcast %convert_element_type3A_15 : vector<10000x1xf32> to vector<10000x128xf32>
    %mul3A_20 = vector.broadcast %get3A_18 : vector<1x128xf32> to vector<10000x128xf32>
    %mul3A_21 = arith.mulf %mul3A_19, %mul3A_20 : vector<10000x128xf32>
    %add3A_22 = arith.addf %add3A, %mul3A_21 : vector<10000x128xf32>
    %eq3A_23 = arith.constant 2 : i32
    %eq3A_24 = vector.broadcast %eq3A_23 : i32 to vector<10000x1xi32>
    %eq3A_25 = arith.cmpi eq, %get3A_1, %eq3A_24 : vector<10000x1xi32>
    %convert_element_type3A_26 = arith.extui %eq3A_25 : vector<10000x1xi1> to vector<10000x1xi32>
    %convert_element_type3A_27 = arith.sitofp %convert_element_type3A_26 : vector<10000x1xi32> to vector<10000x1xf32>
    %get3A_28 = arith.constant 2 : index
    %get3A_29 = arith.constant 0 : index
    %get3A_30 = vector.load %arg1[%get3A_28, %get3A_29] : memref<8x128xf32, #tpu.memory_space<vmem>>, vector<1x128xf32>
    %mul3A_31 = vector.broadcast %convert_element_type3A_27 : vector<10000x1xf32> to vector<10000x128xf32>
    %mul3A_32 = vector.broadcast %get3A_30 : vector<1x128xf32> to vector<10000x128xf32>
    %mul3A_33 = arith.mulf %mul3A_31, %mul3A_32 : vector<10000x128xf32>
    %add3A_34 = arith.addf %add3A_22, %mul3A_33 : vector<10000x128xf32>
    %swap3A = arith.constant 0 : index
    %swap3A_35 = arith.constant 0 : index
    %swap3A_36 = vector.load %arg4[%swap3A, %swap3A_35] : memref<10000x128xf32, #tpu.memory_space<vmem>>, vector<10000x128xf32>
    tpu.vector_store %arg4[%swap3A, %swap3A_35], %add3A_34 {strides = array<i32>} : memref<10000x128xf32, #tpu.memory_space<vmem>>, vector<10000x128xf32>,
    %max3A = arith.constant 0.000000e+00 : f32
    %max3A_37 = vector.broadcast %max3A : f32 to vector<10000x128xf32>
    %max3A_38 = arith.maximumf %add3A_34, %max3A_37 : vector<10000x128xf32>
    %swap3A_39 = arith.constant 0 : index
    %swap3A_40 = arith.constant 0 : index
    %swap3A_41 = vector.load %arg5[%swap3A_39, %swap3A_40] : memref<10000x128xf32, #tpu.memory_space<vmem>>, vector<10000x128xf32>
    tpu.vector_store %arg5[%swap3A_39, %swap3A_40], %max3A_38 {strides = array<i32>} : memref<10000x128xf32, #tpu.memory_space<vmem>>, vector<10000x128xf32>,
    %get3A_42 = arith.constant 0 : index
    %get3A_43 = arith.constant 0 : index
    %get3A_44 = vector.load %arg2[%get3A_42, %get3A_43] : memref<128x8xf32, #tpu.memory_space<vmem>>, vector<128x8xf32>
    %dot_general3A = arith.constant dense<0.000000e+00> : vector<10000x8xf32>
    %dot_general3A_45 = tpu.matmul %add3A_34, %get3A_44, %dot_general3A {dimension_numbers = #tpu.dot_dimension_numbers<[1], [0], [0], [1], [0, 0, 1, 1], [], []>, transpose_lhs_hint = false} : vector<10000x128xf32>, vector<128x8xf32>, vector<10000x8xf32> -> vector<10000x8xf32>
    %get3A_46 = arith.constant 0 : index
    %get3A_47 = arith.constant 0 : index
    %get3A_48 = vector.load %arg3[%get3A_46, %get3A_47] : memref<1x8xf32, #tpu.memory_space<vmem>>, vector<1x8xf32>
    %add3A_49 = vector.broadcast %get3A_48 : vector<1x8xf32> to vector<10000x8xf32>
    %add3A_50 = arith.addf %dot_general3A_45, %add3A_49 : vector<10000x8xf32>
    %swap3A_51 = arith.constant 0 : index
    %swap3A_52 = arith.constant 0 : index
    %swap3A_53 = vector.load %arg6[%swap3A_51, %swap3A_52] : memref<10000x8xf32, #tpu.memory_space<vmem>>, vector<10000x8xf32>
    tpu.vector_store %arg6[%swap3A_51, %swap3A_52], %add3A_50 {strides = array<i32>} : memref<10000x8xf32, #tpu.memory_space<vmem>>, vector<10000x8xf32>,
    return
  }
}

module attributes {stable_mosaic.version = 14 : i64} {
  func.func @_dense_body(%arg0: memref<10000x128xf32, #tpu.memory_space<vmem>>, %arg1: memref<2x10000x128xf32, #tpu.memory_space<vmem>>, %arg2: memref<1x1xf32, #tpu.memory_space<smem>>, %arg3: memref<128x128xf32, #tpu.memory_space<vmem>>, %arg4: memref<1x128xf32, #tpu.memory_space<vmem>>, %arg5: memref<1x128xf32, #tpu.memory_space<vmem>>, %arg6: memref<1x128xf32, #tpu.memory_space<vmem>>, %arg7: memref<128x128xf32, #tpu.memory_space<vmem>>, %arg8: memref<1x128xf32, #tpu.memory_space<vmem>>, %arg9: memref<1x128xf32, #tpu.memory_space<vmem>>, %arg10: memref<1x128xf32, #tpu.memory_space<vmem>>, %arg11: memref<128x8xf32, #tpu.memory_space<vmem>>, %arg12: memref<1x8xf32, #tpu.memory_space<vmem>>, %arg13: memref<10000x8xf32, #tpu.memory_space<vmem>>, %arg14: memref<10000x128xf32, #tpu.memory_space<vmem>>, %arg15: memref<10000x128xf32, #tpu.memory_space<vmem>>, %arg16: memref<10000x8xf32, #tpu.memory_space<vmem>>) attributes {dimension_semantics = [], scalar_prefetch = 0 : i64, scratch_operands = 0 : i64, tpu.core_type = #tpu.core_type<tc>} {
    %get3A = arith.constant 0 : index
    %get3A_0 = arith.constant 0 : index
    %get3A_1 = vector.load %arg0[%get3A, %get3A_0] : memref<10000x128xf32, #tpu.memory_space<vmem>>, vector<10000x128xf32>
    %get3A_2 = arith.constant 0 : index
    %get3A_3 = arith.constant 0 : index
    %get3A_4 = arith.constant 0 : index
    %get3A_5 = vector.load %arg1[%get3A_2, %get3A_3, %get3A_4] : memref<2x10000x128xf32, #tpu.memory_space<vmem>>, vector<1x10000x128xf32>
    %get3A_6 = vector.shape_cast %get3A_5 : vector<1x10000x128xf32> to vector<10000x128xf32>
    %get3A_7 = arith.constant 1 : index
    %get3A_8 = arith.constant 0 : index
    %get3A_9 = arith.constant 0 : index
    %get3A_10 = vector.load %arg1[%get3A_7, %get3A_8, %get3A_9] : memref<2x10000x128xf32, #tpu.memory_space<vmem>>, vector<1x10000x128xf32>
    %get3A_11 = vector.shape_cast %get3A_10 : vector<1x10000x128xf32> to vector<10000x128xf32>
    %add3A = arith.addf %get3A_6, %get3A_11 : vector<10000x128xf32>
    %get3A_12 = arith.constant 0 : index
    %get3A_13 = arith.constant 0 : index
    %get3A_14 = memref.load %arg2[%get3A_12, %get3A_13] : memref<1x1xf32, #tpu.memory_space<smem>>
    %add3A_15 = arith.constant 1.000000e+00 : f32
    %add3A_16 = arith.addf %add3A_15, %get3A_14 : f32
    %mul3A = vector.broadcast %add3A_16 : f32 to vector<10000x128xf32>
    %mul3A_17 = arith.mulf %mul3A, %get3A_1 : vector<10000x128xf32>
    %add3A_18 = arith.addf %mul3A_17, %add3A : vector<10000x128xf32>
    %get3A_19 = arith.constant 0 : index
    %get3A_20 = arith.constant 0 : index
    %get3A_21 = vector.load %arg3[%get3A_19, %get3A_20] : memref<128x128xf32, #tpu.memory_space<vmem>>, vector<128x128xf32>
    %dot_general3A = arith.constant dense<0.000000e+00> : vector<10000x128xf32>
    %dot_general3A_22 = tpu.matmul %add3A_18, %get3A_21, %dot_general3A {dimension_numbers = #tpu.dot_dimension_numbers<[1], [0], [0], [1], [0, 0, 1, 1], [], []>, transpose_lhs_hint = false} : vector<10000x128xf32>, vector<128x128xf32>, vector<10000x128xf32> -> vector<10000x128xf32>
    %get3A_23 = arith.constant 0 : index
    %get3A_24 = arith.constant 0 : index
    %get3A_25 = vector.load %arg4[%get3A_23, %get3A_24] : memref<1x128xf32, #tpu.memory_space<vmem>>, vector<1x128xf32>
    %add3A_26 = vector.broadcast %get3A_25 : vector<1x128xf32> to vector<10000x128xf32>
    %add3A_27 = arith.addf %dot_general3A_22, %add3A_26 : vector<10000x128xf32>
    %get3A_28 = arith.constant 0 : index
    %get3A_29 = arith.constant 0 : index
    %get3A_30 = vector.load %arg5[%get3A_28, %get3A_29] : memref<1x128xf32, #tpu.memory_space<vmem>>, vector<1x128xf32>
    %get3A_31 = arith.constant 0 : index
    %get3A_32 = arith.constant 0 : index
    %get3A_33 = vector.load %arg6[%get3A_31, %get3A_32] : memref<1x128xf32, #tpu.memory_space<vmem>>, vector<1x128xf32>
    %reduce_sum3A = arith.constant dense<0.000000e+00> : vector<128xf32>
    %reduce_sum3A_34 = vector.multi_reduction <add>, %add3A_27, %reduce_sum3A [0] : vector<10000x128xf32> to vector<128xf32>
    %div3A = arith.constant 1.000000e+04 : f32
    %div3A_35 = vector.broadcast %div3A : f32 to vector<128xf32>
    %div3A_36 = arith.divf %reduce_sum3A_34, %div3A_35 : vector<128xf32>
    %jit3A = arith.constant 0 : i32
    %reduce_sum3A_37 = arith.constant dense<0.000000e+00> : vector<128xf32>
    %reduce_sum3A_38 = vector.multi_reduction <add>, %add3A_27, %reduce_sum3A_37 [0] : vector<10000x128xf32> to vector<128xf32>
    %broadcast_in_dim3A = vector.shape_cast %reduce_sum3A_38 : vector<128xf32> to vector<1x128xf32>
    %div3A_39 = arith.constant 1.000000e+04 : f32
    %div3A_40 = vector.broadcast %div3A_39 : f32 to vector<1x128xf32>
    %div3A_41 = arith.divf %broadcast_in_dim3A, %div3A_40 : vector<1x128xf32>
    %sub3A = vector.broadcast %div3A_41 : vector<1x128xf32> to vector<10000x128xf32>
    %sub3A_42 = arith.subf %add3A_27, %sub3A : vector<10000x128xf32>
    %square3A = arith.mulf %sub3A_42, %sub3A_42 : vector<10000x128xf32>
    %convert_element_type3A = arith.sitofp %jit3A : i32 to f32
    %sub3A_43 = arith.constant 1.000000e+04 : f32
    %sub3A_44 = arith.subf %sub3A_43, %convert_element_type3A : f32
    %reduce_sum3A_45 = arith.constant dense<0.000000e+00> : vector<128xf32>
    %reduce_sum3A_46 = vector.multi_reduction <add>, %square3A, %reduce_sum3A_45 [0] : vector<10000x128xf32> to vector<128xf32>
    %div3A_47 = vector.broadcast %sub3A_44 : f32 to vector<128xf32>
    %div3A_48 = arith.divf %reduce_sum3A_46, %div3A_47 : vector<128xf32>
    %gt3A = arith.constant 0.000000e+00 : f32
    %gt3A_49 = arith.cmpf ogt, %sub3A_44, %gt3A : f32
    %jit3A_50 = arith.constant 0x7FC00000 : f32
    %broadcast_in_dim3A_51 = vector.broadcast %jit3A_50 : f32 to vector<128xf32>
    %select_n3A = arith.select %gt3A_49, %div3A_48, %broadcast_in_dim3A_51 : vector<128xf32>
    %broadcast_in_dim3A_52 = vector.shape_cast %div3A_36 : vector<128xf32> to vector<1x128xf32>
    %sub3A_53 = vector.broadcast %broadcast_in_dim3A_52 : vector<1x128xf32> to vector<10000x128xf32>
    %sub3A_54 = arith.subf %add3A_27, %sub3A_53 : vector<10000x128xf32>
    %mul3A_55 = vector.broadcast %get3A_30 : vector<1x128xf32> to vector<10000x128xf32>
    %mul3A_56 = arith.mulf %mul3A_55, %sub3A_54 : vector<10000x128xf32>
    %add3A_57 = arith.constant 9.99999974E-6 : f32
    %add3A_58 = vector.broadcast %add3A_57 : f32 to vector<128xf32>
    %add3A_59 = arith.addf %select_n3A, %add3A_58 : vector<128xf32>
    %sqrt3A = math.sqrt %add3A_59 : vector<128xf32>
    %broadcast_in_dim3A_60 = vector.shape_cast %sqrt3A : vector<128xf32> to vector<1x128xf32>
    %div3A_61 = vector.broadcast %broadcast_in_dim3A_60 : vector<1x128xf32> to vector<10000x128xf32>
    %div3A_62 = arith.divf %mul3A_56, %div3A_61 : vector<10000x128xf32>
    %add3A_63 = vector.broadcast %get3A_33 : vector<1x128xf32> to vector<10000x128xf32>
    %add3A_64 = arith.addf %div3A_62, %add3A_63 : vector<10000x128xf32>
    %max3A = arith.constant 0.000000e+00 : f32
    %max3A_65 = vector.broadcast %max3A : f32 to vector<10000x128xf32>
    %max3A_66 = arith.maximumf %add3A_64, %max3A_65 : vector<10000x128xf32>
    %get3A_67 = arith.constant 0 : index
    %get3A_68 = arith.constant 0 : index
    %get3A_69 = vector.load %arg7[%get3A_67, %get3A_68] : memref<128x128xf32, #tpu.memory_space<vmem>>, vector<128x128xf32>
    %dot_general3A_70 = arith.constant dense<0.000000e+00> : vector<10000x128xf32>
    %dot_general3A_71 = tpu.matmul %max3A_66, %get3A_69, %dot_general3A_70 {dimension_numbers = #tpu.dot_dimension_numbers<[1], [0], [0], [1], [0, 0, 1, 1], [], []>, transpose_lhs_hint = false} : vector<10000x128xf32>, vector<128x128xf32>, vector<10000x128xf32> -> vector<10000x128xf32>
    %get3A_72 = arith.constant 0 : index
    %get3A_73 = arith.constant 0 : index
    %get3A_74 = vector.load %arg8[%get3A_72, %get3A_73] : memref<1x128xf32, #tpu.memory_space<vmem>>, vector<1x128xf32>
    %add3A_75 = vector.broadcast %get3A_74 : vector<1x128xf32> to vector<10000x128xf32>
    %add3A_76 = arith.addf %dot_general3A_71, %add3A_75 : vector<10000x128xf32>
    %get3A_77 = arith.constant 0 : index
    %get3A_78 = arith.constant 0 : index
    %get3A_79 = vector.load %arg9[%get3A_77, %get3A_78] : memref<1x128xf32, #tpu.memory_space<vmem>>, vector<1x128xf32>
    %get3A_80 = arith.constant 0 : index
    %get3A_81 = arith.constant 0 : index
    %get3A_82 = vector.load %arg10[%get3A_80, %get3A_81] : memref<1x128xf32, #tpu.memory_space<vmem>>, vector<1x128xf32>
    %reduce_sum3A_83 = arith.constant dense<0.000000e+00> : vector<128xf32>
    %reduce_sum3A_84 = vector.multi_reduction <add>, %add3A_76, %reduce_sum3A_83 [0] : vector<10000x128xf32> to vector<128xf32>
    %div3A_85 = arith.constant 1.000000e+04 : f32
    %div3A_86 = vector.broadcast %div3A_85 : f32 to vector<128xf32>
    %div3A_87 = arith.divf %reduce_sum3A_84, %div3A_86 : vector<128xf32>
    %jit3A_88 = arith.constant 0 : i32
    %reduce_sum3A_89 = arith.constant dense<0.000000e+00> : vector<128xf32>
    %reduce_sum3A_90 = vector.multi_reduction <add>, %add3A_76, %reduce_sum3A_89 [0] : vector<10000x128xf32> to vector<128xf32>
    %broadcast_in_dim3A_91 = vector.shape_cast %reduce_sum3A_90 : vector<128xf32> to vector<1x128xf32>
    %div3A_92 = arith.constant 1.000000e+04 : f32
    %div3A_93 = vector.broadcast %div3A_92 : f32 to vector<1x128xf32>
    %div3A_94 = arith.divf %broadcast_in_dim3A_91, %div3A_93 : vector<1x128xf32>
    %sub3A_95 = vector.broadcast %div3A_94 : vector<1x128xf32> to vector<10000x128xf32>
    %sub3A_96 = arith.subf %add3A_76, %sub3A_95 : vector<10000x128xf32>
    %square3A_97 = arith.mulf %sub3A_96, %sub3A_96 : vector<10000x128xf32>
    %convert_element_type3A_98 = arith.sitofp %jit3A_88 : i32 to f32
    %sub3A_99 = arith.constant 1.000000e+04 : f32
    %sub3A_100 = arith.subf %sub3A_99, %convert_element_type3A_98 : f32
    %reduce_sum3A_101 = arith.constant dense<0.000000e+00> : vector<128xf32>
    %reduce_sum3A_102 = vector.multi_reduction <add>, %square3A_97, %reduce_sum3A_101 [0] : vector<10000x128xf32> to vector<128xf32>
    %div3A_103 = vector.broadcast %sub3A_100 : f32 to vector<128xf32>
    %div3A_104 = arith.divf %reduce_sum3A_102, %div3A_103 : vector<128xf32>
    %gt3A_105 = arith.constant 0.000000e+00 : f32
    %gt3A_106 = arith.cmpf ogt, %sub3A_100, %gt3A_105 : f32
    %jit3A_107 = arith.constant 0x7FC00000 : f32
    %broadcast_in_dim3A_108 = vector.broadcast %jit3A_107 : f32 to vector<128xf32>
    %select_n3A_109 = arith.select %gt3A_106, %div3A_104, %broadcast_in_dim3A_108 : vector<128xf32>
    %broadcast_in_dim3A_110 = vector.shape_cast %div3A_87 : vector<128xf32> to vector<1x128xf32>
    %sub3A_111 = vector.broadcast %broadcast_in_dim3A_110 : vector<1x128xf32> to vector<10000x128xf32>
    %sub3A_112 = arith.subf %add3A_76, %sub3A_111 : vector<10000x128xf32>
    %mul3A_113 = vector.broadcast %get3A_79 : vector<1x128xf32> to vector<10000x128xf32>
    %mul3A_114 = arith.mulf %mul3A_113, %sub3A_112 : vector<10000x128xf32>
    %add3A_115 = arith.constant 9.99999974E-6 : f32
    %add3A_116 = vector.broadcast %add3A_115 : f32 to vector<128xf32>
    %add3A_117 = arith.addf %select_n3A_109, %add3A_116 : vector<128xf32>
    %sqrt3A_118 = math.sqrt %add3A_117 : vector<128xf32>
    %broadcast_in_dim3A_119 = vector.shape_cast %sqrt3A_118 : vector<128xf32> to vector<1x128xf32>
    %div3A_120 = vector.broadcast %broadcast_in_dim3A_119 : vector<1x128xf32> to vector<10000x128xf32>
    %div3A_121 = arith.divf %mul3A_114, %div3A_120 : vector<10000x128xf32>
    %add3A_122 = vector.broadcast %get3A_82 : vector<1x128xf32> to vector<10000x128xf32>
    %add3A_123 = arith.addf %div3A_121, %add3A_122 : vector<10000x128xf32>
    %max3A_124 = arith.constant 0.000000e+00 : f32
    %max3A_125 = vector.broadcast %max3A_124 : f32 to vector<10000x128xf32>
    %max3A_126 = arith.maximumf %add3A_123, %max3A_125 : vector<10000x128xf32>
    %add3A_127 = arith.addf %get3A_1, %max3A_126 : vector<10000x128xf32>
    %swap3A = arith.constant 0 : index
    %swap3A_128 = arith.constant 0 : index
    %swap3A_129 = vector.load %arg14[%swap3A, %swap3A_128] : memref<10000x128xf32, #tpu.memory_space<vmem>>, vector<10000x128xf32>
    tpu.vector_store %arg14[%swap3A, %swap3A_128], %add3A_127 {strides = array<i32>} : memref<10000x128xf32, #tpu.memory_space<vmem>>, vector<10000x128xf32>,
    %max3A_130 = arith.constant 0.000000e+00 : f32
    %max3A_131 = vector.broadcast %max3A_130 : f32 to vector<10000x128xf32>
    %max3A_132 = arith.maximumf %add3A_127, %max3A_131 : vector<10000x128xf32>
    %swap3A_133 = arith.constant 0 : index
    %swap3A_134 = arith.constant 0 : index
    %swap3A_135 = vector.load %arg15[%swap3A_133, %swap3A_134] : memref<10000x128xf32, #tpu.memory_space<vmem>>, vector<10000x128xf32>
    tpu.vector_store %arg15[%swap3A_133, %swap3A_134], %max3A_132 {strides = array<i32>} : memref<10000x128xf32, #tpu.memory_space<vmem>>, vector<10000x128xf32>,
    %get3A_136 = arith.constant 0 : index
    %get3A_137 = arith.constant 0 : index
    %get3A_138 = vector.load %arg13[%get3A_136, %get3A_137] : memref<10000x8xf32, #tpu.memory_space<vmem>>, vector<10000x8xf32>
    %get3A_139 = arith.constant 0 : index
    %get3A_140 = arith.constant 0 : index
    %get3A_141 = vector.load %arg11[%get3A_139, %get3A_140] : memref<128x8xf32, #tpu.memory_space<vmem>>, vector<128x8xf32>
    %dot_general3A_142 = arith.constant dense<0.000000e+00> : vector<10000x8xf32>
    %dot_general3A_143 = tpu.matmul %add3A_127, %get3A_141, %dot_general3A_142 {dimension_numbers = #tpu.dot_dimension_numbers<[1], [0], [0], [1], [0, 0, 1, 1], [], []>, transpose_lhs_hint = false} : vector<10000x128xf32>, vector<128x8xf32>, vector<10000x8xf32> -> vector<10000x8xf32>
    %add3A_144 = arith.addf %get3A_138, %dot_general3A_143 : vector<10000x8xf32>
    %get3A_145 = arith.constant 0 : index
    %get3A_146 = arith.constant 0 : index
    %get3A_147 = vector.load %arg12[%get3A_145, %get3A_146] : memref<1x8xf32, #tpu.memory_space<vmem>>, vector<1x8xf32>
    %add3A_148 = vector.broadcast %get3A_147 : vector<1x8xf32> to vector<10000x8xf32>
    %add3A_149 = arith.addf %add3A_144, %add3A_148 : vector<10000x8xf32>
    %swap3A_150 = arith.constant 0 : index
    %swap3A_151 = arith.constant 0 : index
    %swap3A_152 = vector.load %arg16[%swap3A_150, %swap3A_151] : memref<10000x8xf32, #tpu.memory_space<vmem>>, vector<10000x8xf32>
    tpu.vector_store %arg16[%swap3A_150, %swap3A_151], %add3A_149 {strides = array<i32>} : memref<10000x8xf32, #tpu.memory_space<vmem>>, vector<10000x8xf32>,
    return
  }
}

module attributes {stable_mosaic.version = 14 : i64} {
  func.func @_dense_body(%arg0: memref<10000x128xf32, #tpu.memory_space<vmem>>, %arg1: memref<2x10000x128xf32, #tpu.memory_space<vmem>>, %arg2: memref<1x1xf32, #tpu.memory_space<smem>>, %arg3: memref<128x128xf32, #tpu.memory_space<vmem>>, %arg4: memref<1x128xf32, #tpu.memory_space<vmem>>, %arg5: memref<1x128xf32, #tpu.memory_space<vmem>>, %arg6: memref<1x128xf32, #tpu.memory_space<vmem>>, %arg7: memref<128x128xf32, #tpu.memory_space<vmem>>, %arg8: memref<1x128xf32, #tpu.memory_space<vmem>>, %arg9: memref<1x128xf32, #tpu.memory_space<vmem>>, %arg10: memref<1x128xf32, #tpu.memory_space<vmem>>, %arg11: memref<128x8xf32, #tpu.memory_space<vmem>>, %arg12: memref<1x8xf32, #tpu.memory_space<vmem>>, %arg13: memref<10000x8xf32, #tpu.memory_space<vmem>>, %arg14: memref<10000x128xf32, #tpu.memory_space<vmem>>, %arg15: memref<10000x128xf32, #tpu.memory_space<vmem>>, %arg16: memref<10000x8xf32, #tpu.memory_space<vmem>>) attributes {dimension_semantics = [], scalar_prefetch = 0 : i64, scratch_operands = 0 : i64, tpu.core_type = #tpu.core_type<tc>} {
    %get3A = arith.constant 0 : index
    %get3A_0 = arith.constant 0 : index
    %get3A_1 = vector.load %arg0[%get3A, %get3A_0] : memref<10000x128xf32, #tpu.memory_space<vmem>>, vector<10000x128xf32>
    %get3A_2 = arith.constant 0 : index
    %get3A_3 = arith.constant 0 : index
    %get3A_4 = arith.constant 0 : index
    %get3A_5 = vector.load %arg1[%get3A_2, %get3A_3, %get3A_4] : memref<2x10000x128xf32, #tpu.memory_space<vmem>>, vector<1x10000x128xf32>
    %get3A_6 = vector.shape_cast %get3A_5 : vector<1x10000x128xf32> to vector<10000x128xf32>
    %get3A_7 = arith.constant 1 : index
    %get3A_8 = arith.constant 0 : index
    %get3A_9 = arith.constant 0 : index
    %get3A_10 = vector.load %arg1[%get3A_7, %get3A_8, %get3A_9] : memref<2x10000x128xf32, #tpu.memory_space<vmem>>, vector<1x10000x128xf32>
    %get3A_11 = vector.shape_cast %get3A_10 : vector<1x10000x128xf32> to vector<10000x128xf32>
    %add3A = arith.addf %get3A_6, %get3A_11 : vector<10000x128xf32>
    %get3A_12 = arith.constant 0 : index
    %get3A_13 = arith.constant 0 : index
    %get3A_14 = memref.load %arg2[%get3A_12, %get3A_13] : memref<1x1xf32, #tpu.memory_space<smem>>
    %add3A_15 = arith.constant 1.000000e+00 : f32
    %add3A_16 = arith.addf %add3A_15, %get3A_14 : f32
    %mul3A = vector.broadcast %add3A_16 : f32 to vector<10000x128xf32>
    %mul3A_17 = arith.mulf %mul3A, %get3A_1 : vector<10000x128xf32>
    %add3A_18 = arith.addf %mul3A_17, %add3A : vector<10000x128xf32>
    %get3A_19 = arith.constant 0 : index
    %get3A_20 = arith.constant 0 : index
    %get3A_21 = vector.load %arg3[%get3A_19, %get3A_20] : memref<128x128xf32, #tpu.memory_space<vmem>>, vector<128x128xf32>
    %dot_general3A = arith.constant dense<0.000000e+00> : vector<10000x128xf32>
    %dot_general3A_22 = tpu.matmul %add3A_18, %get3A_21, %dot_general3A {dimension_numbers = #tpu.dot_dimension_numbers<[1], [0], [0], [1], [0, 0, 1, 1], [], []>, transpose_lhs_hint = false} : vector<10000x128xf32>, vector<128x128xf32>, vector<10000x128xf32> -> vector<10000x128xf32>
    %get3A_23 = arith.constant 0 : index
    %get3A_24 = arith.constant 0 : index
    %get3A_25 = vector.load %arg4[%get3A_23, %get3A_24] : memref<1x128xf32, #tpu.memory_space<vmem>>, vector<1x128xf32>
    %add3A_26 = vector.broadcast %get3A_25 : vector<1x128xf32> to vector<10000x128xf32>
    %add3A_27 = arith.addf %dot_general3A_22, %add3A_26 : vector<10000x128xf32>
    %get3A_28 = arith.constant 0 : index
    %get3A_29 = arith.constant 0 : index
    %get3A_30 = vector.load %arg5[%get3A_28, %get3A_29] : memref<1x128xf32, #tpu.memory_space<vmem>>, vector<1x128xf32>
    %get3A_31 = arith.constant 0 : index
    %get3A_32 = arith.constant 0 : index
    %get3A_33 = vector.load %arg6[%get3A_31, %get3A_32] : memref<1x128xf32, #tpu.memory_space<vmem>>, vector<1x128xf32>
    %reduce_sum3A = arith.constant dense<0.000000e+00> : vector<128xf32>
    %reduce_sum3A_34 = vector.multi_reduction <add>, %add3A_27, %reduce_sum3A [0] : vector<10000x128xf32> to vector<128xf32>
    %div3A = arith.constant 1.000000e+04 : f32
    %div3A_35 = vector.broadcast %div3A : f32 to vector<128xf32>
    %div3A_36 = arith.divf %reduce_sum3A_34, %div3A_35 : vector<128xf32>
    %jit3A = arith.constant 0 : i32
    %reduce_sum3A_37 = arith.constant dense<0.000000e+00> : vector<128xf32>
    %reduce_sum3A_38 = vector.multi_reduction <add>, %add3A_27, %reduce_sum3A_37 [0] : vector<10000x128xf32> to vector<128xf32>
    %broadcast_in_dim3A = vector.shape_cast %reduce_sum3A_38 : vector<128xf32> to vector<1x128xf32>
    %div3A_39 = arith.constant 1.000000e+04 : f32
    %div3A_40 = vector.broadcast %div3A_39 : f32 to vector<1x128xf32>
    %div3A_41 = arith.divf %broadcast_in_dim3A, %div3A_40 : vector<1x128xf32>
    %sub3A = vector.broadcast %div3A_41 : vector<1x128xf32> to vector<10000x128xf32>
    %sub3A_42 = arith.subf %add3A_27, %sub3A : vector<10000x128xf32>
    %square3A = arith.mulf %sub3A_42, %sub3A_42 : vector<10000x128xf32>
    %convert_element_type3A = arith.sitofp %jit3A : i32 to f32
    %sub3A_43 = arith.constant 1.000000e+04 : f32
    %sub3A_44 = arith.subf %sub3A_43, %convert_element_type3A : f32
    %reduce_sum3A_45 = arith.constant dense<0.000000e+00> : vector<128xf32>
    %reduce_sum3A_46 = vector.multi_reduction <add>, %square3A, %reduce_sum3A_45 [0] : vector<10000x128xf32> to vector<128xf32>
    %div3A_47 = vector.broadcast %sub3A_44 : f32 to vector<128xf32>
    %div3A_48 = arith.divf %reduce_sum3A_46, %div3A_47 : vector<128xf32>
    %gt3A = arith.constant 0.000000e+00 : f32
    %gt3A_49 = arith.cmpf ogt, %sub3A_44, %gt3A : f32
    %jit3A_50 = arith.constant 0x7FC00000 : f32
    %broadcast_in_dim3A_51 = vector.broadcast %jit3A_50 : f32 to vector<128xf32>
    %select_n3A = arith.select %gt3A_49, %div3A_48, %broadcast_in_dim3A_51 : vector<128xf32>
    %broadcast_in_dim3A_52 = vector.shape_cast %div3A_36 : vector<128xf32> to vector<1x128xf32>
    %sub3A_53 = vector.broadcast %broadcast_in_dim3A_52 : vector<1x128xf32> to vector<10000x128xf32>
    %sub3A_54 = arith.subf %add3A_27, %sub3A_53 : vector<10000x128xf32>
    %mul3A_55 = vector.broadcast %get3A_30 : vector<1x128xf32> to vector<10000x128xf32>
    %mul3A_56 = arith.mulf %mul3A_55, %sub3A_54 : vector<10000x128xf32>
    %add3A_57 = arith.constant 9.99999974E-6 : f32
    %add3A_58 = vector.broadcast %add3A_57 : f32 to vector<128xf32>
    %add3A_59 = arith.addf %select_n3A, %add3A_58 : vector<128xf32>
    %sqrt3A = math.sqrt %add3A_59 : vector<128xf32>
    %broadcast_in_dim3A_60 = vector.shape_cast %sqrt3A : vector<128xf32> to vector<1x128xf32>
    %div3A_61 = vector.broadcast %broadcast_in_dim3A_60 : vector<1x128xf32> to vector<10000x128xf32>
    %div3A_62 = arith.divf %mul3A_56, %div3A_61 : vector<10000x128xf32>
    %add3A_63 = vector.broadcast %get3A_33 : vector<1x128xf32> to vector<10000x128xf32>
    %add3A_64 = arith.addf %div3A_62, %add3A_63 : vector<10000x128xf32>
    %max3A = arith.constant 0.000000e+00 : f32
    %max3A_65 = vector.broadcast %max3A : f32 to vector<10000x128xf32>
    %max3A_66 = arith.maximumf %add3A_64, %max3A_65 : vector<10000x128xf32>
    %get3A_67 = arith.constant 0 : index
    %get3A_68 = arith.constant 0 : index
    %get3A_69 = vector.load %arg7[%get3A_67, %get3A_68] : memref<128x128xf32, #tpu.memory_space<vmem>>, vector<128x128xf32>
    %dot_general3A_70 = arith.constant dense<0.000000e+00> : vector<10000x128xf32>
    %dot_general3A_71 = tpu.matmul %max3A_66, %get3A_69, %dot_general3A_70 {dimension_numbers = #tpu.dot_dimension_numbers<[1], [0], [0], [1], [0, 0, 1, 1], [], []>, transpose_lhs_hint = false} : vector<10000x128xf32>, vector<128x128xf32>, vector<10000x128xf32> -> vector<10000x128xf32>
    %get3A_72 = arith.constant 0 : index
    %get3A_73 = arith.constant 0 : index
    %get3A_74 = vector.load %arg8[%get3A_72, %get3A_73] : memref<1x128xf32, #tpu.memory_space<vmem>>, vector<1x128xf32>
    %add3A_75 = vector.broadcast %get3A_74 : vector<1x128xf32> to vector<10000x128xf32>
    %add3A_76 = arith.addf %dot_general3A_71, %add3A_75 : vector<10000x128xf32>
    %get3A_77 = arith.constant 0 : index
    %get3A_78 = arith.constant 0 : index
    %get3A_79 = vector.load %arg9[%get3A_77, %get3A_78] : memref<1x128xf32, #tpu.memory_space<vmem>>, vector<1x128xf32>
    %get3A_80 = arith.constant 0 : index
    %get3A_81 = arith.constant 0 : index
    %get3A_82 = vector.load %arg10[%get3A_80, %get3A_81] : memref<1x128xf32, #tpu.memory_space<vmem>>, vector<1x128xf32>
    %reduce_sum3A_83 = arith.constant dense<0.000000e+00> : vector<128xf32>
    %reduce_sum3A_84 = vector.multi_reduction <add>, %add3A_76, %reduce_sum3A_83 [0] : vector<10000x128xf32> to vector<128xf32>
    %div3A_85 = arith.constant 1.000000e+04 : f32
    %div3A_86 = vector.broadcast %div3A_85 : f32 to vector<128xf32>
    %div3A_87 = arith.divf %reduce_sum3A_84, %div3A_86 : vector<128xf32>
    %jit3A_88 = arith.constant 0 : i32
    %reduce_sum3A_89 = arith.constant dense<0.000000e+00> : vector<128xf32>
    %reduce_sum3A_90 = vector.multi_reduction <add>, %add3A_76, %reduce_sum3A_89 [0] : vector<10000x128xf32> to vector<128xf32>
    %broadcast_in_dim3A_91 = vector.shape_cast %reduce_sum3A_90 : vector<128xf32> to vector<1x128xf32>
    %div3A_92 = arith.constant 1.000000e+04 : f32
    %div3A_93 = vector.broadcast %div3A_92 : f32 to vector<1x128xf32>
    %div3A_94 = arith.divf %broadcast_in_dim3A_91, %div3A_93 : vector<1x128xf32>
    %sub3A_95 = vector.broadcast %div3A_94 : vector<1x128xf32> to vector<10000x128xf32>
    %sub3A_96 = arith.subf %add3A_76, %sub3A_95 : vector<10000x128xf32>
    %square3A_97 = arith.mulf %sub3A_96, %sub3A_96 : vector<10000x128xf32>
    %convert_element_type3A_98 = arith.sitofp %jit3A_88 : i32 to f32
    %sub3A_99 = arith.constant 1.000000e+04 : f32
    %sub3A_100 = arith.subf %sub3A_99, %convert_element_type3A_98 : f32
    %reduce_sum3A_101 = arith.constant dense<0.000000e+00> : vector<128xf32>
    %reduce_sum3A_102 = vector.multi_reduction <add>, %square3A_97, %reduce_sum3A_101 [0] : vector<10000x128xf32> to vector<128xf32>
    %div3A_103 = vector.broadcast %sub3A_100 : f32 to vector<128xf32>
    %div3A_104 = arith.divf %reduce_sum3A_102, %div3A_103 : vector<128xf32>
    %gt3A_105 = arith.constant 0.000000e+00 : f32
    %gt3A_106 = arith.cmpf ogt, %sub3A_100, %gt3A_105 : f32
    %jit3A_107 = arith.constant 0x7FC00000 : f32
    %broadcast_in_dim3A_108 = vector.broadcast %jit3A_107 : f32 to vector<128xf32>
    %select_n3A_109 = arith.select %gt3A_106, %div3A_104, %broadcast_in_dim3A_108 : vector<128xf32>
    %broadcast_in_dim3A_110 = vector.shape_cast %div3A_87 : vector<128xf32> to vector<1x128xf32>
    %sub3A_111 = vector.broadcast %broadcast_in_dim3A_110 : vector<1x128xf32> to vector<10000x128xf32>
    %sub3A_112 = arith.subf %add3A_76, %sub3A_111 : vector<10000x128xf32>
    %mul3A_113 = vector.broadcast %get3A_79 : vector<1x128xf32> to vector<10000x128xf32>
    %mul3A_114 = arith.mulf %mul3A_113, %sub3A_112 : vector<10000x128xf32>
    %add3A_115 = arith.constant 9.99999974E-6 : f32
    %add3A_116 = vector.broadcast %add3A_115 : f32 to vector<128xf32>
    %add3A_117 = arith.addf %select_n3A_109, %add3A_116 : vector<128xf32>
    %sqrt3A_118 = math.sqrt %add3A_117 : vector<128xf32>
    %broadcast_in_dim3A_119 = vector.shape_cast %sqrt3A_118 : vector<128xf32> to vector<1x128xf32>
    %div3A_120 = vector.broadcast %broadcast_in_dim3A_119 : vector<1x128xf32> to vector<10000x128xf32>
    %div3A_121 = arith.divf %mul3A_114, %div3A_120 : vector<10000x128xf32>
    %add3A_122 = vector.broadcast %get3A_82 : vector<1x128xf32> to vector<10000x128xf32>
    %add3A_123 = arith.addf %div3A_121, %add3A_122 : vector<10000x128xf32>
    %max3A_124 = arith.constant 0.000000e+00 : f32
    %max3A_125 = vector.broadcast %max3A_124 : f32 to vector<10000x128xf32>
    %max3A_126 = arith.maximumf %add3A_123, %max3A_125 : vector<10000x128xf32>
    %add3A_127 = arith.addf %get3A_1, %max3A_126 : vector<10000x128xf32>
    %swap3A = arith.constant 0 : index
    %swap3A_128 = arith.constant 0 : index
    %swap3A_129 = vector.load %arg14[%swap3A, %swap3A_128] : memref<10000x128xf32, #tpu.memory_space<vmem>>, vector<10000x128xf32>
    tpu.vector_store %arg14[%swap3A, %swap3A_128], %add3A_127 {strides = array<i32>} : memref<10000x128xf32, #tpu.memory_space<vmem>>, vector<10000x128xf32>,
    %max3A_130 = arith.constant 0.000000e+00 : f32
    %max3A_131 = vector.broadcast %max3A_130 : f32 to vector<10000x128xf32>
    %max3A_132 = arith.maximumf %add3A_127, %max3A_131 : vector<10000x128xf32>
    %swap3A_133 = arith.constant 0 : index
    %swap3A_134 = arith.constant 0 : index
    %swap3A_135 = vector.load %arg15[%swap3A_133, %swap3A_134] : memref<10000x128xf32, #tpu.memory_space<vmem>>, vector<10000x128xf32>
    tpu.vector_store %arg15[%swap3A_133, %swap3A_134], %max3A_132 {strides = array<i32>} : memref<10000x128xf32, #tpu.memory_space<vmem>>, vector<10000x128xf32>,
    %get3A_136 = arith.constant 0 : index
    %get3A_137 = arith.constant 0 : index
    %get3A_138 = vector.load %arg13[%get3A_136, %get3A_137] : memref<10000x8xf32, #tpu.memory_space<vmem>>, vector<10000x8xf32>
    %get3A_139 = arith.constant 0 : index
    %get3A_140 = arith.constant 0 : index
    %get3A_141 = vector.load %arg11[%get3A_139, %get3A_140] : memref<128x8xf32, #tpu.memory_space<vmem>>, vector<128x8xf32>
    %dot_general3A_142 = arith.constant dense<0.000000e+00> : vector<10000x8xf32>
    %dot_general3A_143 = tpu.matmul %add3A_127, %get3A_141, %dot_general3A_142 {dimension_numbers = #tpu.dot_dimension_numbers<[1], [0], [0], [1], [0, 0, 1, 1], [], []>, transpose_lhs_hint = false} : vector<10000x128xf32>, vector<128x8xf32>, vector<10000x8xf32> -> vector<10000x8xf32>
    %add3A_144 = arith.addf %get3A_138, %dot_general3A_143 : vector<10000x8xf32>
    %get3A_145 = arith.constant 0 : index
    %get3A_146 = arith.constant 0 : index
    %get3A_147 = vector.load %arg12[%get3A_145, %get3A_146] : memref<1x8xf32, #tpu.memory_space<vmem>>, vector<1x8xf32>
    %add3A_148 = vector.broadcast %get3A_147 : vector<1x8xf32> to vector<10000x8xf32>
    %add3A_149 = arith.addf %add3A_144, %add3A_148 : vector<10000x8xf32>
    %swap3A_150 = arith.constant 0 : index
    %swap3A_151 = arith.constant 0 : index
    %swap3A_152 = vector.load %arg16[%swap3A_150, %swap3A_151] : memref<10000x8xf32, #tpu.memory_space<vmem>>, vector<10000x8xf32>
    tpu.vector_store %arg16[%swap3A_150, %swap3A_151], %add3A_149 {strides = array<i32>} : memref<10000x8xf32, #tpu.memory_space<vmem>>, vector<10000x8xf32>,
    return
  }
}

</mosaic_0001>

<sc_bundles>
// kernel: kernel.11.cloned.1.call-start
scs
__scs_entry_jumppad:
0x0: {  	(pc) =	sbr.rel $0x88, $3  }
0x1: {  	(tag) =	ssettag $0x0;
	lr =	simm.s32 $0x1  }
0x2: {  	[smem:$0x3F70] =	sst lr;
	_ =	strace $0xD0000000  }
0x3: {  	_ = 	snop  }
0x4: {  	_ = 	snop  }
0x5: {  	_ = 	snop  }
0x6: {  	_ = 	snop  }
0x7: {  	_ = 	snop  }
__scs_overlays_trampoline_lowered:
0x8: {  	[smem:$0x3F7F] =	sst s0  }
0x9: {  	[smem:$0x3F80] =	sst s1  }
0xa: {  	[smem:$0x3F81] =	sst s2  }
0xb: {  	[smem:$0x3F82] =	sst s3  }
0xc: {  	[smem:$0x3F83] =	sst s4  }
0xd: {  	[smem:$0x3F84] =	sst s5  }
0xe: {  	[smem:$0x3F85] =	sst s6  }
0xf: {  	[smem:$0x3F86] =	sst s7  }
0x10: {  	[smem:$0x3F87] =	sst s8  }
0x11: {  	[smem:$0x3F88] =	sst s9;
	s0 =	simm.s32 @!p0 $0x0  }
0x12: {  	s1 =	sld [smem:$0x3F6E];
	s0 =	simm.s32 @p0 $0x1  }
0x13: {  	[smem:$0x3F89] =	sst s0;
	s0 =	simm.s32 @!p1 $0x0  }
0x14: {  	s2 =	sld [smem:$0x3F6D];
	s0 =	simm.s32 @p1 $0x1  }
0x15: {  	[smem:$0x3F8A] =	sst s0;
	s0 =	simm.s32 @!p2 $0x0  }
0x16: {  	s3 =	sld [smem:$0x3FDB];
	s0 =	simm.s32 @p2 $0x1  }
0x17: {  	s4 =	simm.s32 $0x1BF5;
	[smem:$0x3F8C] =	sst s0  }
0x18: {  	s0 =	sld [smem:$0x3F6F];
	_ =	swait.ge [sflag:s4], $0x0  }
0x19: {  	s7 =	sld [smem:$0x3F70]  }
0x1a: {  	s8 =	sadd.s32 $0xFFFFE003, lr  }
0x1b: {  	s9 =	sadd.s32 $0xFFFFFEF7, lr;
	s5 =	simm.s32 $0xFFFFFFFF;
	p2 =	slt.u32 s8, $0xFFFFF086  }
0x1c: {  	p1 =	slt.u32 s9, $0xF7A;
	s5 =	simm.s32 @!p2 $0x0  }
0x1d: {  	s5 =	simm.s32 @p1 $0x1;
	p0 =	seq.s32 s7, s2  }
0x1e: {  	s7 =	smul.u32 @!p0 $0xF7A, s2;
	p2 =	seq.s32 @!p0 s5, $0x0  }
0x1f: {  	s9 =	smul.u32 $0xF7A, s1;
	s8 =	simm.s32 @!p0 $0x1BF5;
	p2 =	por !p2, p0  }
0x20: {  	[sflag:s8] =	ssyncset.s32 @!p0 $0xFFFFF086;
	s6 =	sadd.s32 @!p0 s3, s7;
	s7 =	simm.s32 @!p0 $0x108  }
0x21: {  	s3 =	sadd.s32 s3, s9;
	s6 =	sadd.s32 @!p0 $0x88, s6;
	s7 =	simm.s32 @p2 $0x1082  }
0x22: {  	[simem:s7], [sflag:s8] =	dma.local @!p0 [hbm:s6], $0xF7A  }
0x23: {  	s9 =	sor.u32 $0xD0000000, s2;
	s6 =	simm.s32 $0x108;
	_ =	swait.ge @!p0 [sflag:s8], $0x0  }
0x24: {  	s3 =	sadd.s32 $0x88, s3;
	s6 =	simm.s32 @!p1 $0x1082;
	[sflag:s4] =	ssyncset.s32 $0xFFFFF086  }
0x25: {  	[simem:s6], [sflag:s4] =	dma.local [hbm:s3], $0xF7A  }
0x26: {  	[smem:$0x3F70] =	sst s1;
	(tag) =	ssettag s2;
	_ =	strace s9  }
0x27: {  	s1 =	sld [smem:$0x3F80]  }
0x28: {  	s2 =	sld [smem:$0x3F81]  }
0x29: {  	s4 =	sld [smem:$0x3F83]  }
0x2a: {  	p0 =	seq.s32 s5, $0x0;
	s5 =	sld [smem:$0x3F84]  }
0x2b: {  	s6 =	sld [smem:$0x3F85]  }
0x2c: {  	s7 =	sld [smem:$0x3F86]  }
0x2d: {  	s3 =	simm.s32 $0x108;
	s8 =	sld [smem:$0x3F87]  }
0x2e: {  	s3 =	simm.s32 @!p0 $0x1082;
	s9 =	sld [smem:$0x3F88]  }
0x2f: {  	lr =	sadd.s32 s0, s3;
	s0 =	sld [smem:$0x3F7F]  }
0x30: {  	s3 =	sld [smem:$0x3F82]  }
0x31: {  	[smem:$0x3F8B] =	sst s10  }
0x32: {  	s10 =	sld [smem:$0x3F89];
	_ =	sdelay $0x3  }
0x33: {  	p0 =	seq.s32 s10, $0x1;
	s10 =	sld [smem:$0x3F8B];
	_ =	sdelay $0x3  }
0x34: {  	[smem:$0x3F8B] =	sst s10  }
0x35: {  	s10 =	sld [smem:$0x3F8A];
	_ =	sdelay $0x3  }
0x36: {  	p1 =	seq.s32 s10, $0x1;
	s10 =	sld [smem:$0x3F8B];
	_ =	sdelay $0x3  }
0x37: {  	[smem:$0x3F8B] =	sst s10  }
0x38: {  	s10 =	sld [smem:$0x3F8C]  }
0x39: {  	_ = 	snop;
	(pc) =	sbr.ind lr, $3  }
0x3a: {  	_ = 	snop  }
0x3b: {  	_ = 	snop  }
0x3c: {  	p2 =	seq.s32 s10, $0x1;
	s10 =	sld [smem:$0x3F8B]  }
0x3d: {  	_ =	shalt  }
0x3e: {  	_ =	shalt  }
0x3f: {  	_ =	shalt  }
0x40: {  	_ =	shalt  }
0x41: {  	_ =	shalt  }
0x42: {  	_ =	shalt  }
0x43: {  	_ =	shalt  }
0x44: {  	_ =	shalt  }
0x45: {  	_ =	shalt  }
0x46: {  	_ =	shalt  }
0x47: {  	_ =	shalt  }
0x48: {  	_ =	shalt  }
0x49: {  	_ =	shalt  }
0x4a: {  	_ =	shalt  }
0x4b: {  	_ =	shalt  }
0x4c: {  	_ =	shalt  }
0x4d: {  	_ =	shalt  }
0x4e: {  	_ =	shalt  }
0x4f: {  	_ =	shalt  }
0x50: {  	_ =	shalt  }
0x51: {  	_ =	shalt  }
0x52: {  	_ =	shalt  }
0x53: {  	_ =	shalt  }
0x54: {  	_ =	shalt  }
0x55: {  	_ =	shalt  }
0x56: {  	_ =	shalt  }
0x57: {  	_ =	shalt  }
0x58: {  	_ =	shalt  }
0x59: {  	_ =	shalt  }
0x5a: {  	_ =	shalt  }
0x5b: {  	_ =	shalt  }
0x5c: {  	_ =	shalt  }
0x5d: {  	_ =	shalt  }
0x5e: {  	_ =	shalt  }
0x5f: {  	_ =	shalt  }
0x60: {  	_ =	shalt  }
0x61: {  	_ =	shalt  }
0x62: {  	_ =	shalt  }
0x63: {  	_ =	shalt  }
0x64: {  	_ =	shalt  }
0x65: {  	_ =	shalt  }
0x66: {  	_ =	shalt  }
0x67: {  	_ =	shalt  }
0x68: {  	_ =	shalt  }
0x69: {  	_ =	shalt  }
0x6a: {  	_ =	shalt  }
0x6b: {  	_ =	shalt  }
0x6c: {  	_ =	shalt  }
0x6d: {  	_ =	shalt  }
0x6e: {  	_ =	shalt  }
0x6f: {  	_ =	shalt  }
0x70: {  	_ =	shalt  }
0x71: {  	_ =	shalt  }
0x72: {  	_ =	shalt  }
0x73: {  	_ =	shalt  }
0x74: {  	_ =	shalt  }
0x75: {  	_ =	shalt  }
0x76: {  	_ =	shalt  }
0x77: {  	_ =	shalt  }
0x78: {  	_ =	shalt  }
0x79: {  	_ =	shalt  }
0x7a: {  	_ =	shalt  }
0x7b: {  	_ =	shalt  }
0x7c: {  	_ =	shalt  }
0x7d: {  	_ =	shalt  }
0x7e: {  	_ =	shalt  }
0x7f: {  	_ =	shalt  }
0x80: {  	_ =	shalt  }
0x81: {  	_ =	shalt  }
0x82: {  	_ =	shalt  }
0x83: {  	_ =	shalt  }
0x84: {  	_ =	shalt  }
0x85: {  	_ =	shalt  }
0x86: {  	_ =	shalt  }
0x87: {  	_ =	shalt  }
.Lfunc_end0:
.L_simem_size_0:
called_computation_lowered:
.L_overlay_start_0:
0x88: {  	s2 =	sld [smem:$0x3FD9]  }
0x89: {  	s3 =	sld [smem:$0x3FFE];
	_ =	sdelay $0x1  }
0x8a: {  	s1 =	srdreg.scid  }
0x8b: {  	s0 =	sand.u32 $0x1, s1  }
0x8c: {  	s16 =	sshll.u32 s0, $0xA;
	s2 =	sadd.s32 s3, s2  }
0x8d: {  	s2 =	sadd.s32 s2, s16  }
0x8e: {  	[smem:$0x3F97] =	sst s2  }
0x8f: {  	_ = 	snop  }
0x90: {  	(tm) =	ssettm $0x1  }
0x91: {  	s17 =	sld [smem:$0x3FFB];
	_ =	sdelay $0x3  }
0x92: {  	_ =	strace s17  }
0x93: {  	s2 =	sld [smem:$0x3FFC];
	_ =	sdelay $0x3  }
0x94: {  	_ =	strace s2  }
0x95: {  	s2 =	sld [smem:$0x3FFD];
	_ =	sdelay $0x3  }
0x96: {  	_ =	strace s2  }
0x97: {  	_ =	strace $0x8FFFFFFF  }
0x98: {  	s18 =	sld [smem:$0x3FDB];
	_ =	sdelay $0x1  }
0x99: {  	s19 =	simm.s32 $_scs_section_size  }
0x9a: {  	s4 =	simm.s32 $_size__tile_overlayer_lowered;
	s5 =	simm.s32 $_tile_overlayer_lowered  }
0x9b: {  	s22 =	simm.s32 $0x1BFF;
	s21 =	sshll.u32 s5, $0x1;
	s2 =	sadd.s32 s19, s18  }
0x9c: {  	s6 =	simm.s32 $0x0;
	s20 =	sshll.u32 s4, $0x1;
	s4 =	sadd.s32 s21, s2  }
0x9d: {  	[timem:s6], [sflag:s22] =	dma.local [hbm:s4], s20  }
0x9e: {  	_ =	swait.ge [sflag:s22], s20  }
0x9f: {  	s3 =	ssub.s32 $0x0, s20;
	[sflag:s22] =	ssyncset.done $0x0  }
0xa0: {  	[sflag:s22] =	ssyncadd.s32 s3;
	_ =	sdelay $0x1  }
0xa1: {  	s23 =	simm.s32 $0x1B8B  }
0xa2: {  	_ =	swait.ge [sflag:s23], $0x1  }
0xa3: {  	[sflag:s23] =	ssyncset.done $0x0  }
0xa4: {  	s25 =	simm.s32 $0x1B8E;
	s24 =	sld [smem:$0x3FFE];
	[sflag:s23] =	ssyncadd.s32 $0xFFFFFFFF  }
0xa5: {  	s26 =	simm.s32 $execute0_lowered;
	[smem:$0x3FD2] =	sst s25  }
0xa6: {  	s4 =	sshll.u32 s26, $0x1;
	_ =	strace $0x80000046;
	[dreg:$0x1] =	wrdreg $0xFFFFFFFF  }
0xa7: {  	s28 =	simm.s32 $_size_execute0_lowered;
	s2 =	sadd.s32 s2, s4;
	[dreg:$0x0] =	wrdreg $0x0  }
0xa8: {  	s4 =	sshll.u32 s28, $0x1;
	[dreg:$0x2] =	wrdreg s2  }
0xa9: {  	[dreg:$0x3] =	wrdreg s4  }
0xaa: {  	[dreg:$0x4] =	wrdreg $0xC0  }
0xab: {  	_ =	task [dreg:s6], $0x5FFFF  }
0xac: {  	[dreg:$0x1] =	wrdreg $0xFFFFFFFF  }
0xad: {  	[dreg:$0x0] =	wrdreg $0x60  }
0xae: {  	[dreg:$0x2] =	wrdreg s24  }
0xaf: {  	[dreg:$0x3] =	wrdreg $0x7A000  }
0xb0: {  	[dreg:$0x4] =	wrdreg $0x9  }
0xb1: {  	_ =	task.clear_ibuf [dreg:s6], $0x5FFFF;
	_ =	strace $0x90000046  }
0xb2: {  	s29 =	simm.s32 $0x9;
	_ =	strace $0x80000048  }
0xb3: {  	_ =	swait.ge [sflag:s29], $0x1  }
0xb4: {  	[sflag:s29] =	ssyncadd.s32 $0xFFFFFFFF  }
0xb5: {  	_ =	strace $0x90000048  }
0xb6: {  	_ =	sfence  }
0xb7: {  	s30 =	sld [smem:$0x0];
	_ =	sdelay $0x2  }
0xb8: {  	s31 =	sshll.u32 s1, $0xD;
	s1 =	sshrl.u32 s1, $0x2  }
0xb9: {  	s3 =	sand.u32 $0x4000, s31;
	s1 =	sadd.s32 s1, s30  }
0xba: {  	s0 =	sor.u32 s3, s0;
	s1 =	sshll.u32 s1, $0x11  }
0xbb: {  	s0 =	sor.u32 s1, s0  }
0xbc: {  	s0 =	sadd.s32 $0x8F2B, s0  }
0xbd: {  	[sflag:s0] =	ssyncadd.remote.s32 $0x1  }
0xbe: {  	_ =	sfence.sel $0xFFFF  }
0xbf: {  	[dreg:$0x0] =	wrdreg $0xFFFFFFFF;
	(pc) =	sbr.abs _section_cstart, $3  }
0xc0: {  	[dreg:$0x1] =	wrdreg $0xFFFFFFFF  }
0xc1: {  	_ =	task.clear_ibuf [dreg:s6], $0x2FFFF;
	_ =	strace $0x9FFFFFFF  }
0xc2: {  	(tm) =	ssettm $0x7FFFFFFF  }
0xc3: {  	_ =	shalt  }
tec
execute0_lowered:
.L_overlay_start_1:
0x0: {  	(tag) =	ssettag $0x1  }
0x1: {  	s0 =	rddreg [dreg:$0x0]  }
0x2: {  	s1 =	rddreg [dreg:$0x1];
	s2 =	simm.s32 $0x0;
	s3 =	srdreg.scid  }
0x3: {  	s14 =	stileid.u32;
	s19 =	simm.s32 $0x5200;
	s28 =	simm.s32 $0x2A00  }
0x4: {  	s29 =	simm.s32 $0x1;
	s30 =	simm.s32 $0x2;
	[smem:$0x7FF] =	sst s2  }
0x5: {  	s3 =	sand.u32 $0x1, s3;
	s4 =	sadd.s32 $0x31000, s0;
	s12 =	smul.u32 $0x14000, s14  }
0x6: {  	s5 =	sadd.s32 $0x1D600, s0;
	p0 =	seq.s32 s14, $0xF;
	s22 =	smul.u32 $0x50000, s14  }
0x7: {  	s31 =	simm.s32 $0x0;
	_ =	strace $0x80000047;
	s11 =	smul.u32 $0x138800, s3  }
0x8: {  	s6 =	sshll.u32 s3, $0x4;
	s8 =	ssub.s32 $0x2, s3;
	s3 =	smul.u32 $0x4E200, s3  }
0x9: {  	s7 =	sor.u32 s14, s6;
	s6 =	sadd.s32 $0x9C00, s0;
	s14 =	smul.u32 $0x4E20, s14  }
0xa: {  	s0 =	sadd.s32 $0x7F400, s0;
	s10 =	sshrl.u32 s8, $0x1;
	s9 =	smul.u32 $0x4E20, s7  }
0xb: {  	s7 =	simm.s32 $0x5;
	s8 =	ssub.s32 s8, s10;
	s21 =	sadd.s32 s12, s11  }
0xc: {  	s12 =	sshrl.u32 s22, $0x2;
	s23 =	sshrl.u32 s11, $0x3;
	s22 =	simm.s32 $0x50  }
0xd: {  	s7 =	simm.s32 @!p0 $0x8;
	s10 =	sshrl.u32 s21, $0x3;
	s11 =	sadd.s32 s12, s1  }
0xe: {  	s3 =	sadd.s32 s14, s3;
	s21 =	simm.s32 $0x80;
	s9 =	sshrl.u32 s9, $0x3  }
0xf: {  	s10 =	sadd.s32 s0, s10;
	s0 =	sadd.s32 s0, s23;
	s25 =	sadd.s32 $0x50, s3  }
0x10: {  	s16 =	sadd.s32 $0xA0, s3;
	s20 =	sadd.s32 s5, s9;
	[dreg:$0x5] =	wrdreg s10  }
0x11: {  	s23 =	simm.s32 $0x200;
	s13 =	sadd.s32 s6, s9;
	[dreg:$0x3] =	wrdreg s20  }
0x12: {  	s0 =	sadd.s32 $0x25800, s0;
	s24 =	sadd.s32 $0x9BA, s9;
	[dreg:$0x4] =	wrdreg s13  }
0x13: {  	s26 =	sshrl.u32 s25, $0x3;
	[dreg:$0x6] =	wrdreg s0;
	s0 =	sadd.s32 $0x12C000, s1  }
0x14: {  	s13 =	smax.u32 s8, $0x1;
	s14 =	sadd.s32 s5, s24;
	s15 =	sadd.s32 s6, s24  }
0x15: {  	s17 =	sadd.s32 s26, s6;
	s18 =	sadd.s32 s26, s5;
	s20 =	simm.s32 $0x3  }
0x16: {  	v0 =	vimm.f32 $0.0e+00;
	s24 =	simm.s32 $0x100;
	s26 =	simm.s32 $0x180;
	s25 =	sshrl.u32 @p0 s0, $0x3  }
.LBB2_1:
0x17: {  	s0 =	simm.s32 $0x0;
	s3 =	simm.s32 $0x200  }
.LBB2_2:
0x18: {  	p1 =	sne.s32 s3, $0x9E00;
	[tilespmem:s0+$0x5270] =	vst v0  }
0x19: {  	[tilespmem:s0+$0x5200] =	vst v0  }
0x1a: {  	[tilespmem:s0+$0x5210] =	vst v0  }
.Ltmp0:
0x1b: {  	[tilespmem:s0+$0x5220] =	vst v0;
	(pc) =	sbr.rel @p1 .LBB2_2-.Ltmp0, $4  }
0x1c: {  	[tilespmem:s0+$0x5230] =	vst v0  }
0x1d: {  	[tilespmem:s0+$0x5240] =	vst v0  }
0x1e: {  	[tilespmem:s0+$0x5250] =	vst v0  }
0x1f: {  	[tilespmem:s0+$0x5260] =	vst v0;
	s0 =	sshra.s32 s3, $0x2;
	s3 =	sadd.s32 $0x200, s3  }
0x20: {  	[tilespmem:s0+$0x5270] =	vst v0  }
0x21: {  	[tilespmem:s0+$0x5200] =	vst v0  }
0x22: {  	[tilespmem:s0+$0x5210] =	vst v0  }
0x23: {  	[tilespmem:s0+$0x5220] =	vst v0  }
0x24: {  	[tilespmem:s0+$0x5230] =	vst v0  }
0x25: {  	[tilespmem:s0+$0x5240] =	vst v0;
	p1 =	sne.s32 s7, $0x1  }
.Ltmp1:
0x26: {  	[tilespmem:s0+$0x5250] =	vst v0;
	(pc) =	sbr.rel @!p1 .LBB2_5-.Ltmp1, $4  }
0x27: {  	[tilespmem:s0+$0x5260] =	vst v0  }
0x28: {  	[spmem:s11] =	stream.linear.scatter [tilespmem:s19], [sflag:$0x3], $0x2800, $0x38;
	[tilespmem:$0x1B280] =	vst v63  }
0x29: {  	_ =	swait.ge [sflag:s20], $0x2800  }
0x2a: {  	s0 =	sadd.s32 $0xFFFFFFFF, s7;
	s3 =	smov.u32 s11;
	[sflag:s20] =	ssyncset.done $0x0  }
.LBB2_4:
0x2b: {  	p1 =	sne.s32 s0, $0x1;
	[sflag:s20] =	ssyncadd.s32 $0xFFFFD800;
	s3 =	sadd.s32 $0x2800, s3  }
.Ltmp2:
0x2c: {  	s0 =	sadd.s32 $0xFFFFFFFF, s0;
	(pc) =	sbr.rel @p1 .LBB2_4-.Ltmp2, $4  }
0x2d: {  	_ = 	snop  }
0x2e: {  	[spmem:s3] =	stream.linear.scatter [tilespmem:s19], [sflag:$0x3], $0x2800, $0x38;
	[tilespmem:$0x1B280] =	vst v63  }
0x2f: {  	_ =	swait.ge [sflag:s20], $0x2800  }
0x30: {  	[sflag:s20] =	ssyncset.done $0x0  }
.LBB2_5:
0x31: {  	[sflag:s20] =	ssyncadd.s32 $0xFFFFD800  }
0x32: {  	[bflag:$0x0] =	sbarrier.arrive $0xFFFF  }
0x33: {  	s0 =	simm.s32 $0x0;
	s3 =	rddreg [dreg:$0x3]  }
0x34: {  	[tilespmem:s0], [sflag:$0x3] =	stream.linear.gather [hbm4b:s3+s0], $0x50, $0x38;
	[tilespmem:$0x1B280] =	vst v63  }
0x35: {  	_ =	swait.ge [sflag:s20], $0x50  }
0x36: {  	[sflag:s20] =	ssyncset.done $0x0  }
0x37: {  	s12 =	rddreg [dreg:$0x4];
	[sflag:s20] =	ssyncadd.s32 $0xFFFFFFB0  }
0x38: {  	[tilespmem:s21], [sflag:$0x3] =	stream.linear.gather [hbm4b:s12+s0], $0x50, $0x38;
	[tilespmem:$0x1B280] =	vst v63  }
0x39: {  	_ =	swait.ge [sflag:s20], $0x50  }
0x3a: {  	[sflag:s20] =	ssyncset.done $0x0  }
0x3b: {  	[sflag:s20] =	ssyncadd.s32 $0xFFFFFFB0  }
0x3c: {  	[tilespmem:s23], [sflag:$0x1] =	stream.indirect.gather [hbm4b:s4+s22], $0x80, s0, s22, $0xb8;
	[tilespmem:$0x1B280] =	vst v63  }
0x3d: {  	s8 =	sadd.s32 $0x0, s18  }
0x3e: {  	[tilespmem:s24], [sflag:$0x3] =	stream.linear.gather [hbm4b:s8+s2], $0x50, $0x38;
	[tilespmem:$0x1B280] =	vst v63  }
0x3f: {  	_ =	swait.ge [sflag:s20], $0x50  }
0x40: {  	[sflag:s20] =	ssyncset.done $0x0  }
0x41: {  	s9 =	sadd.s32 $0x0, s17;
	[sflag:s20] =	ssyncadd.s32 $0xFFFFFFB0  }
0x42: {  	[tilespmem:s26], [sflag:$0x3] =	stream.linear.gather [hbm4b:s9+s2], $0x50, $0x38;
	[tilespmem:$0x1B280] =	vst v63  }
0x43: {  	_ =	swait.ge [sflag:s20], $0x50  }
0x44: {  	[sflag:s20] =	ssyncset.done $0x0  }
0x45: {  	[sflag:s20] =	ssyncadd.s32 $0xFFFFFFB0  }
0x46: {  	[tilespmem:s28], [sflag:$0x2] =	stream.indirect.gather [hbm4b:s4+s22], $0x80, s24, s22, $0xb8;
	[tilespmem:$0x1B280] =	vst v63  }
0x47: {  	_ =	swait.ge [sflag:s29], $0x2800  }
0x48: {  	[sflag:s29] =	ssyncset.done $0x0  }
0x49: {  	[sflag:s29] =	ssyncadd.s32 $0xFFFFD800  }
0x4a: {  	[spmem:s1] =	stream.indirect.scatter.add.f32 [tilespmem:s23], [sflag:$0x3], $0x80, s21, s22, $0xb8;
	[tilespmem:$0x1B280] =	vst v63  }
0x4b: {  	_ =	swait.ge [sflag:s20], $0x2800  }
0x4c: {  	s10 =	sshrl.u32 s16, $0x3;
	[sflag:s20] =	ssyncset.done $0x0  }
0x4d: {  	s12 =	sadd.s32 s5, s10;
	[sflag:s20] =	ssyncadd.s32 $0xFFFFD800  }
0x4e: {  	[tilespmem:s2], [sflag:$0x3] =	stream.linear.gather [hbm4b:s12+s2], $0x50, $0x38;
	[tilespmem:$0x1B280] =	vst v63  }
0x4f: {  	_ =	swait.ge [sflag:s20], $0x50  }
0x50: {  	[sflag:s20] =	ssyncset.done $0x0  }
0x51: {  	s0 =	sadd.s32 s6, s10;
	[sflag:s20] =	ssyncadd.s32 $0xFFFFFFB0  }
0x52: {  	[tilespmem:s21], [sflag:$0x3] =	stream.linear.gather [hbm4b:s0+s2], $0x50, $0x38;
	[tilespmem:$0x1B280] =	vst v63  }
0x53: {  	_ =	swait.ge [sflag:s20], $0x50  }
0x54: {  	[sflag:s20] =	ssyncset.done $0x0  }
0x55: {  	[sflag:s20] =	ssyncadd.s32 $0xFFFFFFB0  }
0x56: {  	[tilespmem:s23], [sflag:$0x1] =	stream.indirect.gather [hbm4b:s4+s22], $0x80, s2, s22, $0xb8;
	[tilespmem:$0x1B280] =	vst v63  }
0x57: {  	_ =	swait.ge [sflag:s30], $0x2800  }
0x58: {  	[sflag:s30] =	ssyncset.done $0x0  }
0x59: {  	[sflag:s30] =	ssyncadd.s32 $0xFFFFD800  }
0x5a: {  	[spmem:s1] =	stream.indirect.scatter.add.f32 [tilespmem:s28], [sflag:$0x3], $0x80, s26, s22, $0xb8;
	[tilespmem:$0x1B280] =	vst v63  }
0x5b: {  	s3 =	simm.s32 $0x14;
	_ =	swait.ge [sflag:s20], $0x2800  }
0x5c: {  	s8 =	simm.s32 $0x28;
	s0 =	sadd.s32 $0xA0, s16;
	[sflag:s20] =	ssyncset.done $0x0  }
.LBB2_6:
0x5d: {  	s10 =	sadd.s32 s3, s18  }
0x5e: {  	[sflag:s20] =	ssyncadd.s32 $0xFFFFD800;
	s12 =	smov.u32 s8;
	s9 =	sadd.s32 $0x14, s8  }
0x5f: {  	[tilespmem:s24], [sflag:$0x3] =	stream.linear.gather [hbm4b:s10+s2], $0x50, $0x38;
	[tilespmem:$0x1B280] =	vst v63  }
0x60: {  	p1 =	sne.s32 s8, $0x99C;
	_ =	swait.ge [sflag:s20], $0x50  }
0x61: {  	[sflag:s20] =	ssyncset.done $0x0  }
0x62: {  	s8 =	sadd.s32 s3, s17;
	s3 =	smov.u32 s12;
	[sflag:s20] =	ssyncadd.s32 $0xFFFFFFB0  }
0x63: {  	[tilespmem:s26], [sflag:$0x3] =	stream.linear.gather [hbm4b:s8+s2], $0x50, $0x38;
	[tilespmem:$0x1B280] =	vst v63  }
0x64: {  	_ =	swait.ge [sflag:s20], $0x50  }
0x65: {  	[sflag:s20] =	ssyncset.done $0x0  }
0x66: {  	[sflag:s20] =	ssyncadd.s32 $0xFFFFFFB0  }
0x67: {  	[tilespmem:s28], [sflag:$0x2] =	stream.indirect.gather [hbm4b:s4+s22], $0x80, s24, s22, $0xb8;
	[tilespmem:$0x1B280] =	vst v63  }
0x68: {  	_ =	swait.ge [sflag:s29], $0x2800  }
0x69: {  	[sflag:s29] =	ssyncset.done $0x0  }
0x6a: {  	[sflag:s29] =	ssyncadd.s32 $0xFFFFD800  }
0x6b: {  	[spmem:s1] =	stream.indirect.scatter.add.f32 [tilespmem:s23], [sflag:$0x3], $0x80, s21, s22, $0xb8;
	[tilespmem:$0x1B280] =	vst v63  }
0x6c: {  	_ =	swait.ge [sflag:s20], $0x2800  }
0x6d: {  	s8 =	sshrl.u32 s0, $0x3;
	[sflag:s20] =	ssyncset.done $0x0  }
0x6e: {  	s10 =	sadd.s32 s5, s8;
	[sflag:s20] =	ssyncadd.s32 $0xFFFFD800  }
0x6f: {  	[tilespmem:s2], [sflag:$0x3] =	stream.linear.gather [hbm4b:s10+s2], $0x50, $0x38;
	[tilespmem:$0x1B280] =	vst v63  }
0x70: {  	_ =	swait.ge [sflag:s20], $0x50  }
0x71: {  	[sflag:s20] =	ssyncset.done $0x0  }
0x72: {  	s8 =	sadd.s32 s6, s8;
	[sflag:s20] =	ssyncadd.s32 $0xFFFFFFB0  }
0x73: {  	[tilespmem:s21], [sflag:$0x3] =	stream.linear.gather [hbm4b:s8+s2], $0x50, $0x38;
	[tilespmem:$0x1B280] =	vst v63  }
0x74: {  	_ =	swait.ge [sflag:s20], $0x50  }
0x75: {  	[sflag:s20] =	ssyncset.done $0x0  }
0x76: {  	[sflag:s20] =	ssyncadd.s32 $0xFFFFFFB0  }
0x77: {  	[tilespmem:s23], [sflag:$0x1] =	stream.indirect.gather [hbm4b:s4+s22], $0x80, s2, s22, $0xb8;
	[tilespmem:$0x1B280] =	vst v63  }
0x78: {  	_ =	swait.ge [sflag:s30], $0x2800  }
.Ltmp3:
0x79: {  	[sflag:s30] =	ssyncset.done $0x0;
	(pc) =	sbr.rel @p1 .LBB2_6-.Ltmp3, $4  }
0x7a: {  	[sflag:s30] =	ssyncadd.s32 $0xFFFFD800  }
0x7b: {  	[spmem:s1] =	stream.indirect.scatter.add.f32 [tilespmem:s28], [sflag:$0x3], $0x80, s26, s22, $0xb8;
	[tilespmem:$0x1B280] =	vst v63  }
0x7c: {  	_ =	swait.ge [sflag:s20], $0x2800  }
0x7d: {  	s0 =	sadd.s32 $0xA0, s0;
	s8 =	smov.u32 s9;
	[sflag:s20] =	ssyncset.done $0x0  }
0x7e: {  	s8 =	sadd.s32 s3, s18;
	[sflag:s20] =	ssyncadd.s32 $0xFFFFD800  }
0x7f: {  	[tilespmem:s24], [sflag:$0x3] =	stream.linear.gather [hbm4b:s8+s2], $0x50, $0x38;
	[tilespmem:$0x1B280] =	vst v63  }
0x80: {  	_ =	swait.ge [sflag:s20], $0x50  }
0x81: {  	[sflag:s20] =	ssyncset.done $0x0  }
0x82: {  	s10 =	sadd.s32 s3, s17;
	[sflag:s20] =	ssyncadd.s32 $0xFFFFFFB0  }
0x83: {  	[tilespmem:s26], [sflag:$0x3] =	stream.linear.gather [hbm4b:s10+s2], $0x50, $0x38;
	[tilespmem:$0x1B280] =	vst v63  }
0x84: {  	_ =	swait.ge [sflag:s20], $0x50  }
0x85: {  	[sflag:s20] =	ssyncset.done $0x0  }
0x86: {  	[sflag:s20] =	ssyncadd.s32 $0xFFFFFFB0  }
0x87: {  	[tilespmem:s28], [sflag:$0x2] =	stream.indirect.gather [hbm4b:s4+s22], $0x80, s24, s22, $0xb8;
	[tilespmem:$0x1B280] =	vst v63  }
0x88: {  	_ =	swait.ge [sflag:s29], $0x2800  }
0x89: {  	[sflag:s29] =	ssyncset.done $0x0  }
0x8a: {  	[sflag:s29] =	ssyncadd.s32 $0xFFFFD800  }
0x8b: {  	[spmem:s1] =	stream.indirect.scatter.add.f32 [tilespmem:s23], [sflag:$0x3], $0x80, s21, s22, $0xb8;
	[tilespmem:$0x1B280] =	vst v63  }
0x8c: {  	_ =	swait.ge [sflag:s20], $0x2800  }
0x8d: {  	s0 =	sshrl.u32 s0, $0x3;
	[sflag:s20] =	ssyncset.done $0x0  }
0x8e: {  	s12 =	sadd.s32 s5, s0;
	[sflag:s20] =	ssyncadd.s32 $0xFFFFD800  }
0x8f: {  	[tilespmem:s2], [sflag:$0x3] =	stream.linear.gather [hbm4b:s12+s2], $0x50, $0x38;
	[tilespmem:$0x1B280] =	vst v63  }
0x90: {  	_ =	swait.ge [sflag:s20], $0x50  }
0x91: {  	[sflag:s20] =	ssyncset.done $0x0  }
0x92: {  	s0 =	sadd.s32 s6, s0;
	[sflag:s20] =	ssyncadd.s32 $0xFFFFFFB0  }
0x93: {  	[tilespmem:s21], [sflag:$0x3] =	stream.linear.gather [hbm4b:s0+s2], $0x50, $0x38;
	[tilespmem:$0x1B280] =	vst v63  }
0x94: {  	_ =	swait.ge [sflag:s20], $0x50  }
0x95: {  	[sflag:s20] =	ssyncset.done $0x0  }
0x96: {  	[sflag:s20] =	ssyncadd.s32 $0xFFFFFFB0  }
0x97: {  	[tilespmem:s23], [sflag:$0x1] =	stream.indirect.gather [hbm4b:s4+s22], $0x80, s2, s22, $0xb8;
	[tilespmem:$0x1B280] =	vst v63  }
0x98: {  	_ =	swait.ge [sflag:s30], $0x2800  }
0x99: {  	[sflag:s30] =	ssyncset.done $0x0  }
0x9a: {  	[sflag:s30] =	ssyncadd.s32 $0xFFFFD800  }
0x9b: {  	[spmem:s1] =	stream.indirect.scatter.add.f32 [tilespmem:s28], [sflag:$0x3], $0x80, s26, s22, $0xb8;
	[tilespmem:$0x1B280] =	vst v63  }
0x9c: {  	_ =	swait.ge [sflag:s20], $0x2800  }
0x9d: {  	[sflag:s20] =	ssyncset.done $0x0  }
0x9e: {  	[sflag:s20] =	ssyncadd.s32 $0xFFFFD800  }
0x9f: {  	[tilespmem:s24], [sflag:$0x3] =	stream.linear.gather [hbm4b:s14+s2], $0x50, $0x38;
	[tilespmem:$0x1B280] =	vst v63  }
0xa0: {  	_ =	swait.ge [sflag:s20], $0x50  }
0xa1: {  	[sflag:s20] =	ssyncset.done $0x0  }
0xa2: {  	[sflag:s20] =	ssyncadd.s32 $0xFFFFFFB0  }
0xa3: {  	[tilespmem:s26], [sflag:$0x3] =	stream.linear.gather [hbm4b:s15+s2], $0x50, $0x38;
	[tilespmem:$0x1B280] =	vst v63  }
0xa4: {  	_ =	swait.ge [sflag:s20], $0x50  }
0xa5: {  	[sflag:s20] =	ssyncset.done $0x0  }
0xa6: {  	[sflag:s20] =	ssyncadd.s32 $0xFFFFFFB0  }
0xa7: {  	[tilespmem:s28], [sflag:$0x2] =	stream.indirect.gather [hbm4b:s4+s22], $0x80, s24, s22, $0xb8;
	[tilespmem:$0x1B280] =	vst v63  }
0xa8: {  	_ =	swait.ge [sflag:s29], $0x2800  }
0xa9: {  	[sflag:s29] =	ssyncset.done $0x0  }
0xaa: {  	[sflag:s29] =	ssyncadd.s32 $0xFFFFD800  }
0xab: {  	[spmem:s1] =	stream.indirect.scatter.add.f32 [tilespmem:s23], [sflag:$0x3], $0x80, s21, s22, $0xb8;
	[tilespmem:$0x1B280] =	vst v63  }
0xac: {  	_ =	swait.ge [sflag:s20], $0x2800  }
0xad: {  	[sflag:s20] =	ssyncset.done $0x0  }
0xae: {  	[sflag:s20] =	ssyncadd.s32 $0xFFFFD800  }
0xaf: {  	_ =	swait.ge [sflag:s30], $0x2800  }
0xb0: {  	[sflag:s30] =	ssyncset.done $0x0  }
0xb1: {  	[sflag:s30] =	ssyncadd.s32 $0xFFFFD800  }
0xb2: {  	[spmem:s1] =	stream.indirect.scatter.add.f32 [tilespmem:s28], [sflag:$0x3], $0x80, s26, s22, $0xb8;
	[tilespmem:$0x1B280] =	vst v63  }
0xb3: {  	_ =	swait.ge [sflag:s20], $0x2800  }
0xb4: {  	[sflag:s20] =	ssyncset.done $0x0  }
0xb5: {  	[sflag:s20] =	ssyncadd.s32 $0xFFFFD800  }
0xb6: {  	[bflag:$0x0] =	sbarrier.arrive $0xFFFF  }
0xb7: {  	s0 =	simm.s32 @p0 $0x1FC3;
	s3 =	rddreg [dreg:$0x6]  }
0xb8: {  	[hbm:s3], [sflag:s0] =	dma.local @p0 [spmem:s25], $0x1900  }
0xb9: {  	s31 =	sadd.s32 $0x1, s31;
	s0 =	simm.s32 @p0 $0x3  }
0xba: {  	p1 =	sne.s32 s31, s13;
	s3 =	stileid.u32;
	_ =	swait.ge @p0 [sflag:s0], $0x1900  }
0xbb: {  	s3 =	sshll.u32 @!p0 s3, $0x6;
	[sflag:s0] =	ssyncset.done @p0 $0x0;
	s8 =	rddreg [dreg:$0x5]  }
0xbc: {  	[sflag:s0] =	ssyncadd.s32 @p0 $0xFFFFE700;
	s0 =	sor.u32 @!p0 $0x1C03, s3;
	s3 =	sshrl.u32 @!p0 s11, $0x3  }
0xbd: {  	[hbm:s8], [sflag:s0] =	dma.local @!p0 [spmem:s3], $0x2800  }
.Ltmp4:
0xbe: {  	_ = 	snop;
	(pc) =	sbr.rel @p1 .LBB2_1-.Ltmp4, $4  }
0xbf: {  	s0 =	simm.s32 @!p0 $0x3  }
0xc0: {  	_ =	swait.ge @!p0 [sflag:s0], $0x2800  }
0xc1: {  	[sflag:s0] =	ssyncset.done @!p0 $0x0  }
0xc2: {  	[sflag:s0] =	ssyncadd.s32 @!p0 $0xFFFFD800  }
0xc3: {  	_ =	sfence.sel $0x180000  }
0xc4: {  	[bflag:$0x0] =	sbarrier.arrive $0xFFFF  }
0xc5: {  	_ =	strace $0x90000047  }
0xc6: {  	s0 =	stileid.u32;
	[bflag:$0x2] =	sbarrier.arrive $0xFFFF  }
0xc7: {  	p0 =	sne.s32 s0, $0x0;
	s0 =	rddreg [dreg:$0x2]  }
0xc8: {  	s0 =	sadd.s32 @!p0 $0x100000, s0  }
0xc9: {  	[sflag:s0] =	ssyncadd.tile.s32 @!p0 $0x1;
	_ =	shalt  }
.Lfunc_end2:
_tile_overlayer_lowered:
.L_overlay_start_2:
0xca: {  	(tag) =	ssettag $0x2  }
0xcb: {  	s0 =	rddreg [dreg:$0x0];
	s2 =	stileid.u32  }
0xcc: {  	s1 =	rddreg [dreg:$0x1];
	p0 =	sne.s32 s2, $0x0  }
0xcd: {  	s3 =	rddreg [dreg:$0x2];
	[bflag:$0x3] =	sbarrier.arrive $0xFFFF;
	s2 =	simm.s32 @!p0 $0x1C03  }
0xce: {  	[timem:s3], [sflag:s2] =	dma.local @!p0 [hbm:s0], s1  }
0xcf: {  	s0 =	simm.s32 @!p0 $0x3  }
0xd0: {  	_ =	swait.ge @!p0 [sflag:s0], s1  }
0xd1: {  	s1 =	ssub.s32 @!p0 $0x0, s1;
	[sflag:s0] =	ssyncset.done @!p0 $0x0  }
0xd2: {  	[sflag:s0] =	ssyncadd.s32 @!p0 s1  }
0xd3: {  	[bflag:$0x3] =	sbarrier.arrive $0xFFFF  }
0xd4: {  	_ =	shalt  }

// kernel: kernel.14.cloned.1.call-start
scs
__scs_entry_jumppad:
0x0: {  	(pc) =	sbr.rel $0x88, $3  }
0x1: {  	(tag) =	ssettag $0x0;
	lr =	simm.s32 $0x1  }
0x2: {  	[smem:$0x3F70] =	sst lr;
	_ =	strace $0xD0000000  }
0x3: {  	_ = 	snop  }
0x4: {  	_ = 	snop  }
0x5: {  	_ = 	snop  }
0x6: {  	_ = 	snop  }
0x7: {  	_ = 	snop  }
__scs_overlays_trampoline_lowered:
0x8: {  	[smem:$0x3F7F] =	sst s0  }
0x9: {  	[smem:$0x3F80] =	sst s1  }
0xa: {  	[smem:$0x3F81] =	sst s2  }
0xb: {  	[smem:$0x3F82] =	sst s3  }
0xc: {  	[smem:$0x3F83] =	sst s4  }
0xd: {  	[smem:$0x3F84] =	sst s5  }
0xe: {  	[smem:$0x3F85] =	sst s6  }
0xf: {  	[smem:$0x3F86] =	sst s7  }
0x10: {  	[smem:$0x3F87] =	sst s8  }
0x11: {  	[smem:$0x3F88] =	sst s9;
	s0 =	simm.s32 @!p0 $0x0  }
0x12: {  	s1 =	sld [smem:$0x3F6E];
	s0 =	simm.s32 @p0 $0x1  }
0x13: {  	[smem:$0x3F89] =	sst s0;
	s0 =	simm.s32 @!p1 $0x0  }
0x14: {  	s2 =	sld [smem:$0x3F6D];
	s0 =	simm.s32 @p1 $0x1  }
0x15: {  	[smem:$0x3F8A] =	sst s0;
	s0 =	simm.s32 @!p2 $0x0  }
0x16: {  	s3 =	sld [smem:$0x3FDB];
	s0 =	simm.s32 @p2 $0x1  }
0x17: {  	s4 =	simm.s32 $0x1BF5;
	[smem:$0x3F8C] =	sst s0  }
0x18: {  	s0 =	sld [smem:$0x3F6F];
	_ =	swait.ge [sflag:s4], $0x0  }
0x19: {  	s7 =	sld [smem:$0x3F70]  }
0x1a: {  	s8 =	sadd.s32 $0xFFFFE003, lr  }
0x1b: {  	s9 =	sadd.s32 $0xFFFFFEF7, lr;
	s5 =	simm.s32 $0xFFFFFFFF;
	p2 =	slt.u32 s8, $0xFFFFF086  }
0x1c: {  	p1 =	slt.u32 s9, $0xF7A;
	s5 =	simm.s32 @!p2 $0x0  }
0x1d: {  	s5 =	simm.s32 @p1 $0x1;
	p0 =	seq.s32 s7, s2  }
0x1e: {  	s7 =	smul.u32 @!p0 $0xF7A, s2;
	p2 =	seq.s32 @!p0 s5, $0x0  }
0x1f: {  	s9 =	smul.u32 $0xF7A, s1;
	s8 =	simm.s32 @!p0 $0x1BF5;
	p2 =	por !p2, p0  }
0x20: {  	[sflag:s8] =	ssyncset.s32 @!p0 $0xFFFFF086;
	s6 =	sadd.s32 @!p0 s3, s7;
	s7 =	simm.s32 @!p0 $0x108  }
0x21: {  	s3 =	sadd.s32 s3, s9;
	s6 =	sadd.s32 @!p0 $0x88, s6;
	s7 =	simm.s32 @p2 $0x1082  }
0x22: {  	[simem:s7], [sflag:s8] =	dma.local @!p0 [hbm:s6], $0xF7A  }
0x23: {  	s9 =	sor.u32 $0xD0000000, s2;
	s6 =	simm.s32 $0x108;
	_ =	swait.ge @!p0 [sflag:s8], $0x0  }
0x24: {  	s3 =	sadd.s32 $0x88, s3;
	s6 =	simm.s32 @!p1 $0x1082;
	[sflag:s4] =	ssyncset.s32 $0xFFFFF086  }
0x25: {  	[simem:s6], [sflag:s4] =	dma.local [hbm:s3], $0xF7A  }
0x26: {  	[smem:$0x3F70] =	sst s1;
	(tag) =	ssettag s2;
	_ =	strace s9  }
0x27: {  	s1 =	sld [smem:$0x3F80]  }
0x28: {  	s2 =	sld [smem:$0x3F81]  }
0x29: {  	s4 =	sld [smem:$0x3F83]  }
0x2a: {  	p0 =	seq.s32 s5, $0x0;
	s5 =	sld [smem:$0x3F84]  }
0x2b: {  	s6 =	sld [smem:$0x3F85]  }
0x2c: {  	s7 =	sld [smem:$0x3F86]  }
0x2d: {  	s3 =	simm.s32 $0x108;
	s8 =	sld [smem:$0x3F87]  }
0x2e: {  	s3 =	simm.s32 @!p0 $0x1082;
	s9 =	sld [smem:$0x3F88]  }
0x2f: {  	lr =	sadd.s32 s0, s3;
	s0 =	sld [smem:$0x3F7F]  }
0x30: {  	s3 =	sld [smem:$0x3F82]  }
0x31: {  	[smem:$0x3F8B] =	sst s10  }
0x32: {  	s10 =	sld [smem:$0x3F89];
	_ =	sdelay $0x3  }
0x33: {  	p0 =	seq.s32 s10, $0x1;
	s10 =	sld [smem:$0x3F8B];
	_ =	sdelay $0x3  }
0x34: {  	[smem:$0x3F8B] =	sst s10  }
0x35: {  	s10 =	sld [smem:$0x3F8A];
	_ =	sdelay $0x3  }
0x36: {  	p1 =	seq.s32 s10, $0x1;
	s10 =	sld [smem:$0x3F8B];
	_ =	sdelay $0x3  }
0x37: {  	[smem:$0x3F8B] =	sst s10  }
0x38: {  	s10 =	sld [smem:$0x3F8C]  }
0x39: {  	_ = 	snop;
	(pc) =	sbr.ind lr, $3  }
0x3a: {  	_ = 	snop  }
0x3b: {  	_ = 	snop  }
0x3c: {  	p2 =	seq.s32 s10, $0x1;
	s10 =	sld [smem:$0x3F8B]  }
0x3d: {  	_ =	shalt  }
0x3e: {  	_ =	shalt  }
0x3f: {  	_ =	shalt  }
0x40: {  	_ =	shalt  }
0x41: {  	_ =	shalt  }
0x42: {  	_ =	shalt  }
0x43: {  	_ =	shalt  }
0x44: {  	_ =	shalt  }
0x45: {  	_ =	shalt  }
0x46: {  	_ =	shalt  }
0x47: {  	_ =	shalt  }
0x48: {  	_ =	shalt  }
0x49: {  	_ =	shalt  }
0x4a: {  	_ =	shalt  }
0x4b: {  	_ =	shalt  }
0x4c: {  	_ =	shalt  }
0x4d: {  	_ =	shalt  }
0x4e: {  	_ =	shalt  }
0x4f: {  	_ =	shalt  }
0x50: {  	_ =	shalt  }
0x51: {  	_ =	shalt  }
0x52: {  	_ =	shalt  }
0x53: {  	_ =	shalt  }
0x54: {  	_ =	shalt  }
0x55: {  	_ =	shalt  }
0x56: {  	_ =	shalt  }
0x57: {  	_ =	shalt  }
0x58: {  	_ =	shalt  }
0x59: {  	_ =	shalt  }
0x5a: {  	_ =	shalt  }
0x5b: {  	_ =	shalt  }
0x5c: {  	_ =	shalt  }
0x5d: {  	_ =	shalt  }
0x5e: {  	_ =	shalt  }
0x5f: {  	_ =	shalt  }
0x60: {  	_ =	shalt  }
0x61: {  	_ =	shalt  }
0x62: {  	_ =	shalt  }
0x63: {  	_ =	shalt  }
0x64: {  	_ =	shalt  }
0x65: {  	_ =	shalt  }
0x66: {  	_ =	shalt  }
0x67: {  	_ =	shalt  }
0x68: {  	_ =	shalt  }
0x69: {  	_ =	shalt  }
0x6a: {  	_ =	shalt  }
0x6b: {  	_ =	shalt  }
0x6c: {  	_ =	shalt  }
0x6d: {  	_ =	shalt  }
0x6e: {  	_ =	shalt  }
0x6f: {  	_ =	shalt  }
0x70: {  	_ =	shalt  }
0x71: {  	_ =	shalt  }
0x72: {  	_ =	shalt  }
0x73: {  	_ =	shalt  }
0x74: {  	_ =	shalt  }
0x75: {  	_ =	shalt  }
0x76: {  	_ =	shalt  }
0x77: {  	_ =	shalt  }
0x78: {  	_ =	shalt  }
0x79: {  	_ =	shalt  }
0x7a: {  	_ =	shalt  }
0x7b: {  	_ =	shalt  }
0x7c: {  	_ =	shalt  }
0x7d: {  	_ =	shalt  }
0x7e: {  	_ =	shalt  }
0x7f: {  	_ =	shalt  }
0x80: {  	_ =	shalt  }
0x81: {  	_ =	shalt  }
0x82: {  	_ =	shalt  }
0x83: {  	_ =	shalt  }
0x84: {  	_ =	shalt  }
0x85: {  	_ =	shalt  }
0x86: {  	_ =	shalt  }
0x87: {  	_ =	shalt  }
.Lfunc_end0:
.L_simem_size_0:
called_computation.1_lowered:
.L_overlay_start_0:
0x88: {  	s2 =	sld [smem:$0x3FD9]  }
0x89: {  	s3 =	sld [smem:$0x3FFE];
	_ =	sdelay $0x1  }
0x8a: {  	s1 =	srdreg.scid  }
0x8b: {  	s0 =	sand.u32 $0x1, s1  }
0x8c: {  	s16 =	sshll.u32 s0, $0xA;
	s2 =	sadd.s32 s3, s2  }
0x8d: {  	s2 =	sadd.s32 s2, s16  }
0x8e: {  	[smem:$0x3F97] =	sst s2  }
0x8f: {  	_ = 	snop  }
0x90: {  	(tm) =	ssettm $0x1  }
0x91: {  	s17 =	sld [smem:$0x3FFB];
	_ =	sdelay $0x3  }
0x92: {  	_ =	strace s17  }
0x93: {  	s2 =	sld [smem:$0x3FFC];
	_ =	sdelay $0x3  }
0x94: {  	_ =	strace s2  }
0x95: {  	s2 =	sld [smem:$0x3FFD];
	_ =	sdelay $0x3  }
0x96: {  	_ =	strace s2  }
0x97: {  	_ =	strace $0x8FFFFFFF  }
0x98: {  	s18 =	sld [smem:$0x3FDB];
	_ =	sdelay $0x1  }
0x99: {  	s19 =	simm.s32 $_scs_section_size  }
0x9a: {  	s4 =	simm.s32 $_size__tile_overlayer_lowered;
	s5 =	simm.s32 $_tile_overlayer_lowered  }
0x9b: {  	s22 =	simm.s32 $0x1BFF;
	s21 =	sshll.u32 s5, $0x1;
	s2 =	sadd.s32 s19, s18  }
0x9c: {  	s6 =	simm.s32 $0x0;
	s20 =	sshll.u32 s4, $0x1;
	s4 =	sadd.s32 s21, s2  }
0x9d: {  	[timem:s6], [sflag:s22] =	dma.local [hbm:s4], s20  }
0x9e: {  	_ =	swait.ge [sflag:s22], s20  }
0x9f: {  	s3 =	ssub.s32 $0x0, s20;
	[sflag:s22] =	ssyncset.done $0x0  }
0xa0: {  	[sflag:s22] =	ssyncadd.s32 s3;
	_ =	sdelay $0x1  }
0xa1: {  	s23 =	simm.s32 $0x1B8B  }
0xa2: {  	_ =	swait.ge [sflag:s23], $0x1  }
0xa3: {  	[sflag:s23] =	ssyncset.done $0x0  }
0xa4: {  	s25 =	simm.s32 $0x1B8E;
	s24 =	sld [smem:$0x3FFE];
	[sflag:s23] =	ssyncadd.s32 $0xFFFFFFFF  }
0xa5: {  	s26 =	simm.s32 $execute0_lowered;
	[smem:$0x3FD2] =	sst s25  }
0xa6: {  	s4 =	sshll.u32 s26, $0x1;
	_ =	strace $0x80000049;
	[dreg:$0x1] =	wrdreg $0xFFFFFFFF  }
0xa7: {  	s28 =	simm.s32 $_size_execute0_lowered;
	s2 =	sadd.s32 s2, s4;
	[dreg:$0x0] =	wrdreg $0x0  }
0xa8: {  	s4 =	sshll.u32 s28, $0x1;
	[dreg:$0x2] =	wrdreg s2  }
0xa9: {  	[dreg:$0x3] =	wrdreg s4  }
0xaa: {  	[dreg:$0x4] =	wrdreg $0xC0  }
0xab: {  	_ =	task [dreg:s6], $0x5FFFF  }
0xac: {  	[dreg:$0x1] =	wrdreg $0xFFFFFFFF  }
0xad: {  	[dreg:$0x0] =	wrdreg $0x60  }
0xae: {  	[dreg:$0x2] =	wrdreg s24  }
0xaf: {  	[dreg:$0x3] =	wrdreg $0x7A000  }
0xb0: {  	[dreg:$0x4] =	wrdreg $0x9  }
0xb1: {  	_ =	task.clear_ibuf [dreg:s6], $0x5FFFF;
	_ =	strace $0x90000049  }
0xb2: {  	s29 =	simm.s32 $0x9;
	_ =	strace $0x8000004B  }
0xb3: {  	_ =	swait.ge [sflag:s29], $0x1  }
0xb4: {  	[sflag:s29] =	ssyncadd.s32 $0xFFFFFFFF  }
0xb5: {  	_ =	strace $0x9000004B  }
0xb6: {  	_ =	sfence  }
0xb7: {  	s30 =	sld [smem:$0x0];
	_ =	sdelay $0x2  }
0xb8: {  	s31 =	sshll.u32 s1, $0xD;
	s1 =	sshrl.u32 s1, $0x2  }
0xb9: {  	s3 =	sand.u32 $0x4000, s31;
	s1 =	sadd.s32 s1, s30  }
0xba: {  	s0 =	sor.u32 s3, s0;
	s1 =	sshll.u32 s1, $0x11  }
0xbb: {  	s0 =	sor.u32 s1, s0  }
0xbc: {  	s0 =	sadd.s32 $0x8F2B, s0  }
0xbd: {  	[sflag:s0] =	ssyncadd.remote.s32 $0x1  }
0xbe: {  	_ =	sfence.sel $0xFFFF  }
0xbf: {  	[dreg:$0x0] =	wrdreg $0xFFFFFFFF;
	(pc) =	sbr.abs _section_cstart, $3  }
0xc0: {  	[dreg:$0x1] =	wrdreg $0xFFFFFFFF  }
0xc1: {  	_ =	task.clear_ibuf [dreg:s6], $0x2FFFF;
	_ =	strace $0x9FFFFFFF  }
0xc2: {  	(tm) =	ssettm $0x7FFFFFFF  }
0xc3: {  	_ =	shalt  }
tec
execute0_lowered:
.L_overlay_start_1:
0x0: {  	(tag) =	ssettag $0x1  }
0x1: {  	s0 =	rddreg [dreg:$0x0]  }
0x2: {  	s1 =	rddreg [dreg:$0x1];
	s2 =	simm.s32 $0x0;
	s3 =	srdreg.scid  }
0x3: {  	s14 =	stileid.u32;
	s19 =	simm.s32 $0x5200;
	s28 =	simm.s32 $0x2A00  }
0x4: {  	s29 =	simm.s32 $0x1;
	s30 =	simm.s32 $0x2;
	[smem:$0x7FF] =	sst s2  }
0x5: {  	s3 =	sand.u32 $0x1, s3;
	s4 =	sadd.s32 $0x31000, s0;
	s12 =	smul.u32 $0x14000, s14  }
0x6: {  	s5 =	sadd.s32 $0x1D600, s0;
	p0 =	seq.s32 s14, $0xF;
	s22 =	smul.u32 $0x50000, s14  }
0x7: {  	s31 =	simm.s32 $0x0;
	_ =	strace $0x8000004A;
	s11 =	smul.u32 $0x138800, s3  }
0x8: {  	s6 =	sshll.u32 s3, $0x4;
	s8 =	ssub.s32 $0x2, s3;
	s3 =	smul.u32 $0x4E200, s3  }
0x9: {  	s7 =	sor.u32 s14, s6;
	s6 =	sadd.s32 $0x9C00, s0;
	s14 =	smul.u32 $0x4E20, s14  }
0xa: {  	s0 =	sadd.s32 $0x7F400, s0;
	s10 =	sshrl.u32 s8, $0x1;
	s9 =	smul.u32 $0x4E20, s7  }
0xb: {  	s7 =	simm.s32 $0x5;
	s8 =	ssub.s32 s8, s10;
	s21 =	sadd.s32 s12, s11  }
0xc: {  	s12 =	sshrl.u32 s22, $0x2;
	s23 =	sshrl.u32 s11, $0x3;
	s22 =	simm.s32 $0x50  }
0xd: {  	s7 =	simm.s32 @!p0 $0x8;
	s10 =	sshrl.u32 s21, $0x3;
	s11 =	sadd.s32 s12, s1  }
0xe: {  	s3 =	sadd.s32 s14, s3;
	s21 =	simm.s32 $0x80;
	s9 =	sshrl.u32 s9, $0x3  }
0xf: {  	s10 =	sadd.s32 s0, s10;
	s0 =	sadd.s32 s0, s23;
	s25 =	sadd.s32 $0x50, s3  }
0x10: {  	s16 =	sadd.s32 $0xA0, s3;
	s20 =	sadd.s32 s5, s9;
	[dreg:$0x5] =	wrdreg s10  }
0x11: {  	s23 =	simm.s32 $0x200;
	s13 =	sadd.s32 s6, s9;
	[dreg:$0x3] =	wrdreg s20  }
0x12: {  	s0 =	sadd.s32 $0x25800, s0;
	s24 =	sadd.s32 $0x9BA, s9;
	[dreg:$0x4] =	wrdreg s13  }
0x13: {  	s26 =	sshrl.u32 s25, $0x3;
	[dreg:$0x6] =	wrdreg s0;
	s0 =	sadd.s32 $0x12C000, s1  }
0x14: {  	s13 =	smax.u32 s8, $0x1;
	s14 =	sadd.s32 s5, s24;
	s15 =	sadd.s32 s6, s24  }
0x15: {  	s17 =	sadd.s32 s26, s6;
	s18 =	sadd.s32 s26, s5;
	s20 =	simm.s32 $0x3  }
0x16: {  	v0 =	vimm.f32 $0.0e+00;
	s24 =	simm.s32 $0x100;
	s26 =	simm.s32 $0x180;
	s25 =	sshrl.u32 @p0 s0, $0x3  }
.LBB2_1:
0x17: {  	s0 =	simm.s32 $0x0;
	s3 =	simm.s32 $0x200  }
.LBB2_2:
0x18: {  	p1 =	sne.s32 s3, $0x9E00;
	[tilespmem:s0+$0x5270] =	vst v0  }
0x19: {  	[tilespmem:s0+$0x5200] =	vst v0  }
0x1a: {  	[tilespmem:s0+$0x5210] =	vst v0  }
.Ltmp0:
0x1b: {  	[tilespmem:s0+$0x5220] =	vst v0;
	(pc) =	sbr.rel @p1 .LBB2_2-.Ltmp0, $4  }
0x1c: {  	[tilespmem:s0+$0x5230] =	vst v0  }
0x1d: {  	[tilespmem:s0+$0x5240] =	vst v0  }
0x1e: {  	[tilespmem:s0+$0x5250] =	vst v0  }
0x1f: {  	[tilespmem:s0+$0x5260] =	vst v0;
	s0 =	sshra.s32 s3, $0x2;
	s3 =	sadd.s32 $0x200, s3  }
0x20: {  	[tilespmem:s0+$0x5270] =	vst v0  }
0x21: {  	[tilespmem:s0+$0x5200] =	vst v0  }
0x22: {  	[tilespmem:s0+$0x5210] =	vst v0  }
0x23: {  	[tilespmem:s0+$0x5220] =	vst v0  }
0x24: {  	[tilespmem:s0+$0x5230] =	vst v0  }
0x25: {  	[tilespmem:s0+$0x5240] =	vst v0;
	p1 =	sne.s32 s7, $0x1  }
.Ltmp1:
0x26: {  	[tilespmem:s0+$0x5250] =	vst v0;
	(pc) =	sbr.rel @!p1 .LBB2_5-.Ltmp1, $4  }
0x27: {  	[tilespmem:s0+$0x5260] =	vst v0  }
0x28: {  	[spmem:s11] =	stream.linear.scatter [tilespmem:s19], [sflag:$0x3], $0x2800, $0x38;
	[tilespmem:$0x1B280] =	vst v63  }
0x29: {  	_ =	swait.ge [sflag:s20], $0x2800  }
0x2a: {  	s0 =	sadd.s32 $0xFFFFFFFF, s7;
	s3 =	smov.u32 s11;
	[sflag:s20] =	ssyncset.done $0x0  }
.LBB2_4:
0x2b: {  	p1 =	sne.s32 s0, $0x1;
	[sflag:s20] =	ssyncadd.s32 $0xFFFFD800;
	s3 =	sadd.s32 $0x2800, s3  }
.Ltmp2:
0x2c: {  	s0 =	sadd.s32 $0xFFFFFFFF, s0;
	(pc) =	sbr.rel @p1 .LBB2_4-.Ltmp2, $4  }
0x2d: {  	_ = 	snop  }
0x2e: {  	[spmem:s3] =	stream.linear.scatter [tilespmem:s19], [sflag:$0x3], $0x2800, $0x38;
	[tilespmem:$0x1B280] =	vst v63  }
0x2f: {  	_ =	swait.ge [sflag:s20], $0x2800  }
0x30: {  	[sflag:s20] =	ssyncset.done $0x0  }
.LBB2_5:
0x31: {  	[sflag:s20] =	ssyncadd.s32 $0xFFFFD800  }
0x32: {  	[bflag:$0x0] =	sbarrier.arrive $0xFFFF  }
0x33: {  	s0 =	simm.s32 $0x0;
	s3 =	rddreg [dreg:$0x3]  }
0x34: {  	[tilespmem:s0], [sflag:$0x3] =	stream.linear.gather [hbm4b:s3+s0], $0x50, $0x38;
	[tilespmem:$0x1B280] =	vst v63  }
0x35: {  	_ =	swait.ge [sflag:s20], $0x50  }
0x36: {  	[sflag:s20] =	ssyncset.done $0x0  }
0x37: {  	s12 =	rddreg [dreg:$0x4];
	[sflag:s20] =	ssyncadd.s32 $0xFFFFFFB0  }
0x38: {  	[tilespmem:s21], [sflag:$0x3] =	stream.linear.gather [hbm4b:s12+s0], $0x50, $0x38;
	[tilespmem:$0x1B280] =	vst v63  }
0x39: {  	_ =	swait.ge [sflag:s20], $0x50  }
0x3a: {  	[sflag:s20] =	ssyncset.done $0x0  }
0x3b: {  	[sflag:s20] =	ssyncadd.s32 $0xFFFFFFB0  }
0x3c: {  	[tilespmem:s23], [sflag:$0x1] =	stream.indirect.gather [hbm4b:s4+s22], $0x80, s0, s22, $0xb8;
	[tilespmem:$0x1B280] =	vst v63  }
0x3d: {  	s8 =	sadd.s32 $0x0, s18  }
0x3e: {  	[tilespmem:s24], [sflag:$0x3] =	stream.linear.gather [hbm4b:s8+s2], $0x50, $0x38;
	[tilespmem:$0x1B280] =	vst v63  }
0x3f: {  	_ =	swait.ge [sflag:s20], $0x50  }
0x40: {  	[sflag:s20] =	ssyncset.done $0x0  }
0x41: {  	s9 =	sadd.s32 $0x0, s17;
	[sflag:s20] =	ssyncadd.s32 $0xFFFFFFB0  }
0x42: {  	[tilespmem:s26], [sflag:$0x3] =	stream.linear.gather [hbm4b:s9+s2], $0x50, $0x38;
	[tilespmem:$0x1B280] =	vst v63  }
0x43: {  	_ =	swait.ge [sflag:s20], $0x50  }
0x44: {  	[sflag:s20] =	ssyncset.done $0x0  }
0x45: {  	[sflag:s20] =	ssyncadd.s32 $0xFFFFFFB0  }
0x46: {  	[tilespmem:s28], [sflag:$0x2] =	stream.indirect.gather [hbm4b:s4+s22], $0x80, s24, s22, $0xb8;
	[tilespmem:$0x1B280] =	vst v63  }
0x47: {  	_ =	swait.ge [sflag:s29], $0x2800  }
0x48: {  	[sflag:s29] =	ssyncset.done $0x0  }
0x49: {  	[sflag:s29] =	ssyncadd.s32 $0xFFFFD800  }
0x4a: {  	[spmem:s1] =	stream.indirect.scatter.add.f32 [tilespmem:s23], [sflag:$0x3], $0x80, s21, s22, $0xb8;
	[tilespmem:$0x1B280] =	vst v63  }
0x4b: {  	_ =	swait.ge [sflag:s20], $0x2800  }
0x4c: {  	s10 =	sshrl.u32 s16, $0x3;
	[sflag:s20] =	ssyncset.done $0x0  }
0x4d: {  	s12 =	sadd.s32 s5, s10;
	[sflag:s20] =	ssyncadd.s32 $0xFFFFD800  }
0x4e: {  	[tilespmem:s2], [sflag:$0x3] =	stream.linear.gather [hbm4b:s12+s2], $0x50, $0x38;
	[tilespmem:$0x1B280] =	vst v63  }
0x4f: {  	_ =	swait.ge [sflag:s20], $0x50  }
0x50: {  	[sflag:s20] =	ssyncset.done $0x0  }
0x51: {  	s0 =	sadd.s32 s6, s10;
	[sflag:s20] =	ssyncadd.s32 $0xFFFFFFB0  }
0x52: {  	[tilespmem:s21], [sflag:$0x3] =	stream.linear.gather [hbm4b:s0+s2], $0x50, $0x38;
	[tilespmem:$0x1B280] =	vst v63  }
0x53: {  	_ =	swait.ge [sflag:s20], $0x50  }
0x54: {  	[sflag:s20] =	ssyncset.done $0x0  }
0x55: {  	[sflag:s20] =	ssyncadd.s32 $0xFFFFFFB0  }
0x56: {  	[tilespmem:s23], [sflag:$0x1] =	stream.indirect.gather [hbm4b:s4+s22], $0x80, s2, s22, $0xb8;
	[tilespmem:$0x1B280] =	vst v63  }
0x57: {  	_ =	swait.ge [sflag:s30], $0x2800  }
0x58: {  	[sflag:s30] =	ssyncset.done $0x0  }
0x59: {  	[sflag:s30] =	ssyncadd.s32 $0xFFFFD800  }
0x5a: {  	[spmem:s1] =	stream.indirect.scatter.add.f32 [tilespmem:s28], [sflag:$0x3], $0x80, s26, s22, $0xb8;
	[tilespmem:$0x1B280] =	vst v63  }
0x5b: {  	s3 =	simm.s32 $0x14;
	_ =	swait.ge [sflag:s20], $0x2800  }
0x5c: {  	s8 =	simm.s32 $0x28;
	s0 =	sadd.s32 $0xA0, s16;
	[sflag:s20] =	ssyncset.done $0x0  }
.LBB2_6:
0x5d: {  	s10 =	sadd.s32 s3, s18  }
0x5e: {  	[sflag:s20] =	ssyncadd.s32 $0xFFFFD800;
	s12 =	smov.u32 s8;
	s9 =	sadd.s32 $0x14, s8  }
0x5f: {  	[tilespmem:s24], [sflag:$0x3] =	stream.linear.gather [hbm4b:s10+s2], $0x50, $0x38;
	[tilespmem:$0x1B280] =	vst v63  }
0x60: {  	p1 =	sne.s32 s8, $0x99C;
	_ =	swait.ge [sflag:s20], $0x50  }
0x61: {  	[sflag:s20] =	ssyncset.done $0x0  }
0x62: {  	s8 =	sadd.s32 s3, s17;
	s3 =	smov.u32 s12;
	[sflag:s20] =	ssyncadd.s32 $0xFFFFFFB0  }
0x63: {  	[tilespmem:s26], [sflag:$0x3] =	stream.linear.gather [hbm4b:s8+s2], $0x50, $0x38;
	[tilespmem:$0x1B280] =	vst v63  }
0x64: {  	_ =	swait.ge [sflag:s20], $0x50  }
0x65: {  	[sflag:s20] =	ssyncset.done $0x0  }
0x66: {  	[sflag:s20] =	ssyncadd.s32 $0xFFFFFFB0  }
0x67: {  	[tilespmem:s28], [sflag:$0x2] =	stream.indirect.gather [hbm4b:s4+s22], $0x80, s24, s22, $0xb8;
	[tilespmem:$0x1B280] =	vst v63  }
0x68: {  	_ =	swait.ge [sflag:s29], $0x2800  }
0x69: {  	[sflag:s29] =	ssyncset.done $0x0  }
0x6a: {  	[sflag:s29] =	ssyncadd.s32 $0xFFFFD800  }
0x6b: {  	[spmem:s1] =	stream.indirect.scatter.add.f32 [tilespmem:s23], [sflag:$0x3], $0x80, s21, s22, $0xb8;
	[tilespmem:$0x1B280] =	vst v63  }
0x6c: {  	_ =	swait.ge [sflag:s20], $0x2800  }
0x6d: {  	s8 =	sshrl.u32 s0, $0x3;
	[sflag:s20] =	ssyncset.done $0x0  }
0x6e: {  	s10 =	sadd.s32 s5, s8;
	[sflag:s20] =	ssyncadd.s32 $0xFFFFD800  }
0x6f: {  	[tilespmem:s2], [sflag:$0x3] =	stream.linear.gather [hbm4b:s10+s2], $0x50, $0x38;
	[tilespmem:$0x1B280] =	vst v63  }
0x70: {  	_ =	swait.ge [sflag:s20], $0x50  }
0x71: {  	[sflag:s20] =	ssyncset.done $0x0  }
0x72: {  	s8 =	sadd.s32 s6, s8;
	[sflag:s20] =	ssyncadd.s32 $0xFFFFFFB0  }
0x73: {  	[tilespmem:s21], [sflag:$0x3] =	stream.linear.gather [hbm4b:s8+s2], $0x50, $0x38;
	[tilespmem:$0x1B280] =	vst v63  }
0x74: {  	_ =	swait.ge [sflag:s20], $0x50  }
0x75: {  	[sflag:s20] =	ssyncset.done $0x0  }
0x76: {  	[sflag:s20] =	ssyncadd.s32 $0xFFFFFFB0  }
0x77: {  	[tilespmem:s23], [sflag:$0x1] =	stream.indirect.gather [hbm4b:s4+s22], $0x80, s2, s22, $0xb8;
	[tilespmem:$0x1B280] =	vst v63  }
0x78: {  	_ =	swait.ge [sflag:s30], $0x2800  }
.Ltmp3:
0x79: {  	[sflag:s30] =	ssyncset.done $0x0;
	(pc) =	sbr.rel @p1 .LBB2_6-.Ltmp3, $4  }
0x7a: {  	[sflag:s30] =	ssyncadd.s32 $0xFFFFD800  }
0x7b: {  	[spmem:s1] =	stream.indirect.scatter.add.f32 [tilespmem:s28], [sflag:$0x3], $0x80, s26, s22, $0xb8;
	[tilespmem:$0x1B280] =	vst v63  }
0x7c: {  	_ =	swait.ge [sflag:s20], $0x2800  }
0x7d: {  	s0 =	sadd.s32 $0xA0, s0;
	s8 =	smov.u32 s9;
	[sflag:s20] =	ssyncset.done $0x0  }
0x7e: {  	s8 =	sadd.s32 s3, s18;
	[sflag:s20] =	ssyncadd.s32 $0xFFFFD800  }
0x7f: {  	[tilespmem:s24], [sflag:$0x3] =	stream.linear.gather [hbm4b:s8+s2], $0x50, $0x38;
	[tilespmem:$0x1B280] =	vst v63  }
0x80: {  	_ =	swait.ge [sflag:s20], $0x50  }
0x81: {  	[sflag:s20] =	ssyncset.done $0x0  }
0x82: {  	s10 =	sadd.s32 s3, s17;
	[sflag:s20] =	ssyncadd.s32 $0xFFFFFFB0  }
0x83: {  	[tilespmem:s26], [sflag:$0x3] =	stream.linear.gather [hbm4b:s10+s2], $0x50, $0x38;
	[tilespmem:$0x1B280] =	vst v63  }
0x84: {  	_ =	swait.ge [sflag:s20], $0x50  }
0x85: {  	[sflag:s20] =	ssyncset.done $0x0  }
0x86: {  	[sflag:s20] =	ssyncadd.s32 $0xFFFFFFB0  }
0x87: {  	[tilespmem:s28], [sflag:$0x2] =	stream.indirect.gather [hbm4b:s4+s22], $0x80, s24, s22, $0xb8;
	[tilespmem:$0x1B280] =	vst v63  }
0x88: {  	_ =	swait.ge [sflag:s29], $0x2800  }
0x89: {  	[sflag:s29] =	ssyncset.done $0x0  }
0x8a: {  	[sflag:s29] =	ssyncadd.s32 $0xFFFFD800  }
0x8b: {  	[spmem:s1] =	stream.indirect.scatter.add.f32 [tilespmem:s23], [sflag:$0x3], $0x80, s21, s22, $0xb8;
	[tilespmem:$0x1B280] =	vst v63  }
0x8c: {  	_ =	swait.ge [sflag:s20], $0x2800  }
0x8d: {  	s0 =	sshrl.u32 s0, $0x3;
	[sflag:s20] =	ssyncset.done $0x0  }
0x8e: {  	s12 =	sadd.s32 s5, s0;
	[sflag:s20] =	ssyncadd.s32 $0xFFFFD800  }
0x8f: {  	[tilespmem:s2], [sflag:$0x3] =	stream.linear.gather [hbm4b:s12+s2], $0x50, $0x38;
	[tilespmem:$0x1B280] =	vst v63  }
0x90: {  	_ =	swait.ge [sflag:s20], $0x50  }
0x91: {  	[sflag:s20] =	ssyncset.done $0x0  }
0x92: {  	s0 =	sadd.s32 s6, s0;
	[sflag:s20] =	ssyncadd.s32 $0xFFFFFFB0  }
0x93: {  	[tilespmem:s21], [sflag:$0x3] =	stream.linear.gather [hbm4b:s0+s2], $0x50, $0x38;
	[tilespmem:$0x1B280] =	vst v63  }
0x94: {  	_ =	swait.ge [sflag:s20], $0x50  }
0x95: {  	[sflag:s20] =	ssyncset.done $0x0  }
0x96: {  	[sflag:s20] =	ssyncadd.s32 $0xFFFFFFB0  }
0x97: {  	[tilespmem:s23], [sflag:$0x1] =	stream.indirect.gather [hbm4b:s4+s22], $0x80, s2, s22, $0xb8;
	[tilespmem:$0x1B280] =	vst v63  }
0x98: {  	_ =	swait.ge [sflag:s30], $0x2800  }
0x99: {  	[sflag:s30] =	ssyncset.done $0x0  }
0x9a: {  	[sflag:s30] =	ssyncadd.s32 $0xFFFFD800  }
0x9b: {  	[spmem:s1] =	stream.indirect.scatter.add.f32 [tilespmem:s28], [sflag:$0x3], $0x80, s26, s22, $0xb8;
	[tilespmem:$0x1B280] =	vst v63  }
0x9c: {  	_ =	swait.ge [sflag:s20], $0x2800  }
0x9d: {  	[sflag:s20] =	ssyncset.done $0x0  }
0x9e: {  	[sflag:s20] =	ssyncadd.s32 $0xFFFFD800  }
0x9f: {  	[tilespmem:s24], [sflag:$0x3] =	stream.linear.gather [hbm4b:s14+s2], $0x50, $0x38;
	[tilespmem:$0x1B280] =	vst v63  }
0xa0: {  	_ =	swait.ge [sflag:s20], $0x50  }
0xa1: {  	[sflag:s20] =	ssyncset.done $0x0  }
0xa2: {  	[sflag:s20] =	ssyncadd.s32 $0xFFFFFFB0  }
0xa3: {  	[tilespmem:s26], [sflag:$0x3] =	stream.linear.gather [hbm4b:s15+s2], $0x50, $0x38;
	[tilespmem:$0x1B280] =	vst v63  }
0xa4: {  	_ =	swait.ge [sflag:s20], $0x50  }
0xa5: {  	[sflag:s20] =	ssyncset.done $0x0  }
0xa6: {  	[sflag:s20] =	ssyncadd.s32 $0xFFFFFFB0  }
0xa7: {  	[tilespmem:s28], [sflag:$0x2] =	stream.indirect.gather [hbm4b:s4+s22], $0x80, s24, s22, $0xb8;
	[tilespmem:$0x1B280] =	vst v63  }
0xa8: {  	_ =	swait.ge [sflag:s29], $0x2800  }
0xa9: {  	[sflag:s29] =	ssyncset.done $0x0  }
0xaa: {  	[sflag:s29] =	ssyncadd.s32 $0xFFFFD800  }
0xab: {  	[spmem:s1] =	stream.indirect.scatter.add.f32 [tilespmem:s23], [sflag:$0x3], $0x80, s21, s22, $0xb8;
	[tilespmem:$0x1B280] =	vst v63  }
0xac: {  	_ =	swait.ge [sflag:s20], $0x2800  }
0xad: {  	[sflag:s20] =	ssyncset.done $0x0  }
0xae: {  	[sflag:s20] =	ssyncadd.s32 $0xFFFFD800  }
0xaf: {  	_ =	swait.ge [sflag:s30], $0x2800  }
0xb0: {  	[sflag:s30] =	ssyncset.done $0x0  }
0xb1: {  	[sflag:s30] =	ssyncadd.s32 $0xFFFFD800  }
0xb2: {  	[spmem:s1] =	stream.indirect.scatter.add.f32 [tilespmem:s28], [sflag:$0x3], $0x80, s26, s22, $0xb8;
	[tilespmem:$0x1B280] =	vst v63  }
0xb3: {  	_ =	swait.ge [sflag:s20], $0x2800  }
0xb4: {  	[sflag:s20] =	ssyncset.done $0x0  }
0xb5: {  	[sflag:s20] =	ssyncadd.s32 $0xFFFFD800  }
0xb6: {  	[bflag:$0x0] =	sbarrier.arrive $0xFFFF  }
0xb7: {  	s0 =	simm.s32 @p0 $0x1FC3;
	s3 =	rddreg [dreg:$0x6]  }
0xb8: {  	[hbm:s3], [sflag:s0] =	dma.local @p0 [spmem:s25], $0x1900  }
0xb9: {  	s31 =	sadd.s32 $0x1, s31;
	s0 =	simm.s32 @p0 $0x3  }
0xba: {  	p1 =	sne.s32 s31, s13;
	s3 =	stileid.u32;
	_ =	swait.ge @p0 [sflag:s0], $0x1900  }
0xbb: {  	s3 =	sshll.u32 @!p0 s3, $0x6;
	[sflag:s0] =	ssyncset.done @p0 $0x0;
	s8 =	rddreg [dreg:$0x5]  }
0xbc: {  	[sflag:s0] =	ssyncadd.s32 @p0 $0xFFFFE700;
	s0 =	sor.u32 @!p0 $0x1C03, s3;
	s3 =	sshrl.u32 @!p0 s11, $0x3  }
0xbd: {  	[hbm:s8], [sflag:s0] =	dma.local @!p0 [spmem:s3], $0x2800  }
.Ltmp4:
0xbe: {  	_ = 	snop;
	(pc) =	sbr.rel @p1 .LBB2_1-.Ltmp4, $4  }
0xbf: {  	s0 =	simm.s32 @!p0 $0x3  }
0xc0: {  	_ =	swait.ge @!p0 [sflag:s0], $0x2800  }
0xc1: {  	[sflag:s0] =	ssyncset.done @!p0 $0x0  }
0xc2: {  	[sflag:s0] =	ssyncadd.s32 @!p0 $0xFFFFD800  }
0xc3: {  	_ =	sfence.sel $0x180000  }
0xc4: {  	[bflag:$0x0] =	sbarrier.arrive $0xFFFF  }
0xc5: {  	_ =	strace $0x9000004A  }
0xc6: {  	s0 =	stileid.u32;
	[bflag:$0x2] =	sbarrier.arrive $0xFFFF  }
0xc7: {  	p0 =	sne.s32 s0, $0x0;
	s0 =	rddreg [dreg:$0x2]  }
0xc8: {  	s0 =	sadd.s32 @!p0 $0x100000, s0  }
0xc9: {  	[sflag:s0] =	ssyncadd.tile.s32 @!p0 $0x1;
	_ =	shalt  }
.Lfunc_end2:
_tile_overlayer_lowered:
.L_overlay_start_2:
0xca: {  	(tag) =	ssettag $0x2  }
0xcb: {  	s0 =	rddreg [dreg:$0x0];
	s2 =	stileid.u32  }
0xcc: {  	s1 =	rddreg [dreg:$0x1];
	p0 =	sne.s32 s2, $0x0  }
0xcd: {  	s3 =	rddreg [dreg:$0x2];
	[bflag:$0x3] =	sbarrier.arrive $0xFFFF;
	s2 =	simm.s32 @!p0 $0x1C03  }
0xce: {  	[timem:s3], [sflag:s2] =	dma.local @!p0 [hbm:s0], s1  }
0xcf: {  	s0 =	simm.s32 @!p0 $0x3  }
0xd0: {  	_ =	swait.ge @!p0 [sflag:s0], s1  }
0xd1: {  	s1 =	ssub.s32 @!p0 $0x0, s1;
	[sflag:s0] =	ssyncset.done @!p0 $0x0  }
0xd2: {  	[sflag:s0] =	ssyncadd.s32 @!p0 s1  }
0xd3: {  	[bflag:$0x3] =	sbarrier.arrive $0xFFFF  }
0xd4: {  	_ =	shalt  }

// kernel: kernel.17.cloned.1.call-start
scs
__scs_entry_jumppad:
0x0: {  	(pc) =	sbr.rel $0x88, $3  }
0x1: {  	(tag) =	ssettag $0x0;
	lr =	simm.s32 $0x1  }
0x2: {  	[smem:$0x3F70] =	sst lr;
	_ =	strace $0xD0000000  }
0x3: {  	_ = 	snop  }
0x4: {  	_ = 	snop  }
0x5: {  	_ = 	snop  }
0x6: {  	_ = 	snop  }
0x7: {  	_ = 	snop  }
__scs_overlays_trampoline_lowered:
0x8: {  	[smem:$0x3F7F] =	sst s0  }
0x9: {  	[smem:$0x3F80] =	sst s1  }
0xa: {  	[smem:$0x3F81] =	sst s2  }
0xb: {  	[smem:$0x3F82] =	sst s3  }
0xc: {  	[smem:$0x3F83] =	sst s4  }
0xd: {  	[smem:$0x3F84] =	sst s5  }
0xe: {  	[smem:$0x3F85] =	sst s6  }
0xf: {  	[smem:$0x3F86] =	sst s7  }
0x10: {  	[smem:$0x3F87] =	sst s8  }
0x11: {  	[smem:$0x3F88] =	sst s9;
	s0 =	simm.s32 @!p0 $0x0  }
0x12: {  	s1 =	sld [smem:$0x3F6E];
	s0 =	simm.s32 @p0 $0x1  }
0x13: {  	[smem:$0x3F89] =	sst s0;
	s0 =	simm.s32 @!p1 $0x0  }
0x14: {  	s2 =	sld [smem:$0x3F6D];
	s0 =	simm.s32 @p1 $0x1  }
0x15: {  	[smem:$0x3F8A] =	sst s0;
	s0 =	simm.s32 @!p2 $0x0  }
0x16: {  	s3 =	sld [smem:$0x3FDB];
	s0 =	simm.s32 @p2 $0x1  }
0x17: {  	s4 =	simm.s32 $0x1BF5;
	[smem:$0x3F8C] =	sst s0  }
0x18: {  	s0 =	sld [smem:$0x3F6F];
	_ =	swait.ge [sflag:s4], $0x0  }
0x19: {  	s7 =	sld [smem:$0x3F70]  }
0x1a: {  	s8 =	sadd.s32 $0xFFFFE003, lr  }
0x1b: {  	s9 =	sadd.s32 $0xFFFFFEF7, lr;
	s5 =	simm.s32 $0xFFFFFFFF;
	p2 =	slt.u32 s8, $0xFFFFF086  }
0x1c: {  	p1 =	slt.u32 s9, $0xF7A;
	s5 =	simm.s32 @!p2 $0x0  }
0x1d: {  	s5 =	simm.s32 @p1 $0x1;
	p0 =	seq.s32 s7, s2  }
0x1e: {  	s7 =	smul.u32 @!p0 $0xF7A, s2;
	p2 =	seq.s32 @!p0 s5, $0x0  }
0x1f: {  	s9 =	smul.u32 $0xF7A, s1;
	s8 =	simm.s32 @!p0 $0x1BF5;
	p2 =	por !p2, p0  }
0x20: {  	[sflag:s8] =	ssyncset.s32 @!p0 $0xFFFFF086;
	s6 =	sadd.s32 @!p0 s3, s7;
	s7 =	simm.s32 @!p0 $0x108  }
0x21: {  	s3 =	sadd.s32 s3, s9;
	s6 =	sadd.s32 @!p0 $0x88, s6;
	s7 =	simm.s32 @p2 $0x1082  }
0x22: {  	[simem:s7], [sflag:s8] =	dma.local @!p0 [hbm:s6], $0xF7A  }
0x23: {  	s9 =	sor.u32 $0xD0000000, s2;
	s6 =	simm.s32 $0x108;
	_ =	swait.ge @!p0 [sflag:s8], $0x0  }
0x24: {  	s3 =	sadd.s32 $0x88, s3;
	s6 =	simm.s32 @!p1 $0x1082;
	[sflag:s4] =	ssyncset.s32 $0xFFFFF086  }
0x25: {  	[simem:s6], [sflag:s4] =	dma.local [hbm:s3], $0xF7A  }
0x26: {  	[smem:$0x3F70] =	sst s1;
	(tag) =	ssettag s2;
	_ =	strace s9  }
0x27: {  	s1 =	sld [smem:$0x3F80]  }
0x28: {  	s2 =	sld [smem:$0x3F81]  }
0x29: {  	s4 =	sld [smem:$0x3F83]  }
0x2a: {  	p0 =	seq.s32 s5, $0x0;
	s5 =	sld [smem:$0x3F84]  }
0x2b: {  	s6 =	sld [smem:$0x3F85]  }
0x2c: {  	s7 =	sld [smem:$0x3F86]  }
0x2d: {  	s3 =	simm.s32 $0x108;
	s8 =	sld [smem:$0x3F87]  }
0x2e: {  	s3 =	simm.s32 @!p0 $0x1082;
	s9 =	sld [smem:$0x3F88]  }
0x2f: {  	lr =	sadd.s32 s0, s3;
	s0 =	sld [smem:$0x3F7F]  }
0x30: {  	s3 =	sld [smem:$0x3F82]  }
0x31: {  	[smem:$0x3F8B] =	sst s10  }
0x32: {  	s10 =	sld [smem:$0x3F89];
	_ =	sdelay $0x3  }
0x33: {  	p0 =	seq.s32 s10, $0x1;
	s10 =	sld [smem:$0x3F8B];
	_ =	sdelay $0x3  }
0x34: {  	[smem:$0x3F8B] =	sst s10  }
0x35: {  	s10 =	sld [smem:$0x3F8A];
	_ =	sdelay $0x3  }
0x36: {  	p1 =	seq.s32 s10, $0x1;
	s10 =	sld [smem:$0x3F8B];
	_ =	sdelay $0x3  }
0x37: {  	[smem:$0x3F8B] =	sst s10  }
0x38: {  	s10 =	sld [smem:$0x3F8C]  }
0x39: {  	_ = 	snop;
	(pc) =	sbr.ind lr, $3  }
0x3a: {  	_ = 	snop  }
0x3b: {  	_ = 	snop  }
0x3c: {  	p2 =	seq.s32 s10, $0x1;
	s10 =	sld [smem:$0x3F8B]  }
0x3d: {  	_ =	shalt  }
0x3e: {  	_ =	shalt  }
0x3f: {  	_ =	shalt  }
0x40: {  	_ =	shalt  }
0x41: {  	_ =	shalt  }
0x42: {  	_ =	shalt  }
0x43: {  	_ =	shalt  }
0x44: {  	_ =	shalt  }
0x45: {  	_ =	shalt  }
0x46: {  	_ =	shalt  }
0x47: {  	_ =	shalt  }
0x48: {  	_ =	shalt  }
0x49: {  	_ =	shalt  }
0x4a: {  	_ =	shalt  }
0x4b: {  	_ =	shalt  }
0x4c: {  	_ =	shalt  }
0x4d: {  	_ =	shalt  }
0x4e: {  	_ =	shalt  }
0x4f: {  	_ =	shalt  }
0x50: {  	_ =	shalt  }
0x51: {  	_ =	shalt  }
0x52: {  	_ =	shalt  }
0x53: {  	_ =	shalt  }
0x54: {  	_ =	shalt  }
0x55: {  	_ =	shalt  }
0x56: {  	_ =	shalt  }
0x57: {  	_ =	shalt  }
0x58: {  	_ =	shalt  }
0x59: {  	_ =	shalt  }
0x5a: {  	_ =	shalt  }
0x5b: {  	_ =	shalt  }
0x5c: {  	_ =	shalt  }
0x5d: {  	_ =	shalt  }
0x5e: {  	_ =	shalt  }
0x5f: {  	_ =	shalt  }
0x60: {  	_ =	shalt  }
0x61: {  	_ =	shalt  }
0x62: {  	_ =	shalt  }
0x63: {  	_ =	shalt  }
0x64: {  	_ =	shalt  }
0x65: {  	_ =	shalt  }
0x66: {  	_ =	shalt  }
0x67: {  	_ =	shalt  }
0x68: {  	_ =	shalt  }
0x69: {  	_ =	shalt  }
0x6a: {  	_ =	shalt  }
0x6b: {  	_ =	shalt  }
0x6c: {  	_ =	shalt  }
0x6d: {  	_ =	shalt  }
0x6e: {  	_ =	shalt  }
0x6f: {  	_ =	shalt  }
0x70: {  	_ =	shalt  }
0x71: {  	_ =	shalt  }
0x72: {  	_ =	shalt  }
0x73: {  	_ =	shalt  }
0x74: {  	_ =	shalt  }
0x75: {  	_ =	shalt  }
0x76: {  	_ =	shalt  }
0x77: {  	_ =	shalt  }
0x78: {  	_ =	shalt  }
0x79: {  	_ =	shalt  }
0x7a: {  	_ =	shalt  }
0x7b: {  	_ =	shalt  }
0x7c: {  	_ =	shalt  }
0x7d: {  	_ =	shalt  }
0x7e: {  	_ =	shalt  }
0x7f: {  	_ =	shalt  }
0x80: {  	_ =	shalt  }
0x81: {  	_ =	shalt  }
0x82: {  	_ =	shalt  }
0x83: {  	_ =	shalt  }
0x84: {  	_ =	shalt  }
0x85: {  	_ =	shalt  }
0x86: {  	_ =	shalt  }
0x87: {  	_ =	shalt  }
.Lfunc_end0:
.L_simem_size_0:
called_computation.2_lowered:
.L_overlay_start_0:
0x88: {  	s2 =	sld [smem:$0x3FD9]  }
0x89: {  	s3 =	sld [smem:$0x3FFE];
	_ =	sdelay $0x1  }
0x8a: {  	s1 =	srdreg.scid  }
0x8b: {  	s0 =	sand.u32 $0x1, s1  }
0x8c: {  	s16 =	sshll.u32 s0, $0xA;
	s2 =	sadd.s32 s3, s2  }
0x8d: {  	s2 =	sadd.s32 s2, s16  }
0x8e: {  	[smem:$0x3F97] =	sst s2  }
0x8f: {  	_ = 	snop  }
0x90: {  	(tm) =	ssettm $0x1  }
0x91: {  	s17 =	sld [smem:$0x3FFB];
	_ =	sdelay $0x3  }
0x92: {  	_ =	strace s17  }
0x93: {  	s2 =	sld [smem:$0x3FFC];
	_ =	sdelay $0x3  }
0x94: {  	_ =	strace s2  }
0x95: {  	s2 =	sld [smem:$0x3FFD];
	_ =	sdelay $0x3  }
0x96: {  	_ =	strace s2  }
0x97: {  	_ =	strace $0x8FFFFFFF  }
0x98: {  	s18 =	sld [smem:$0x3FDB];
	_ =	sdelay $0x1  }
0x99: {  	s19 =	simm.s32 $_scs_section_size  }
0x9a: {  	s4 =	simm.s32 $_size__tile_overlayer_lowered;
	s5 =	simm.s32 $_tile_overlayer_lowered  }
0x9b: {  	s22 =	simm.s32 $0x1BFF;
	s21 =	sshll.u32 s5, $0x1;
	s2 =	sadd.s32 s19, s18  }
0x9c: {  	s6 =	simm.s32 $0x0;
	s20 =	sshll.u32 s4, $0x1;
	s4 =	sadd.s32 s21, s2  }
0x9d: {  	[timem:s6], [sflag:s22] =	dma.local [hbm:s4], s20  }
0x9e: {  	_ =	swait.ge [sflag:s22], s20  }
0x9f: {  	s3 =	ssub.s32 $0x0, s20;
	[sflag:s22] =	ssyncset.done $0x0  }
0xa0: {  	[sflag:s22] =	ssyncadd.s32 s3;
	_ =	sdelay $0x1  }
0xa1: {  	s23 =	simm.s32 $0x1B8B  }
0xa2: {  	_ =	swait.ge [sflag:s23], $0x1  }
0xa3: {  	[sflag:s23] =	ssyncset.done $0x0  }
0xa4: {  	s25 =	simm.s32 $0x1B8E;
	s24 =	sld [smem:$0x3FFE];
	[sflag:s23] =	ssyncadd.s32 $0xFFFFFFFF  }
0xa5: {  	s26 =	simm.s32 $execute0_lowered;
	[smem:$0x3FD2] =	sst s25  }
0xa6: {  	s4 =	sshll.u32 s26, $0x1;
	_ =	strace $0x8000004C;
	[dreg:$0x1] =	wrdreg $0xFFFFFFFF  }
0xa7: {  	s28 =	simm.s32 $_size_execute0_lowered;
	s2 =	sadd.s32 s2, s4;
	[dreg:$0x0] =	wrdreg $0x0  }
0xa8: {  	s4 =	sshll.u32 s28, $0x1;
	[dreg:$0x2] =	wrdreg s2  }
0xa9: {  	[dreg:$0x3] =	wrdreg s4  }
0xaa: {  	[dreg:$0x4] =	wrdreg $0xC0  }
0xab: {  	_ =	task [dreg:s6], $0x5FFFF  }
0xac: {  	[dreg:$0x1] =	wrdreg $0xFFFFFFFF  }
0xad: {  	[dreg:$0x0] =	wrdreg $0x60  }
0xae: {  	[dreg:$0x2] =	wrdreg s24  }
0xaf: {  	[dreg:$0x3] =	wrdreg $0x7A000  }
0xb0: {  	[dreg:$0x4] =	wrdreg $0x9  }
0xb1: {  	_ =	task.clear_ibuf [dreg:s6], $0x5FFFF;
	_ =	strace $0x9000004C  }
0xb2: {  	s29 =	simm.s32 $0x9;
	_ =	strace $0x8000004E  }
0xb3: {  	_ =	swait.ge [sflag:s29], $0x1  }
0xb4: {  	[sflag:s29] =	ssyncadd.s32 $0xFFFFFFFF  }
0xb5: {  	_ =	strace $0x9000004E  }
0xb6: {  	_ =	sfence  }
0xb7: {  	s30 =	sld [smem:$0x0];
	_ =	sdelay $0x2  }
0xb8: {  	s31 =	sshll.u32 s1, $0xD;
	s1 =	sshrl.u32 s1, $0x2  }
0xb9: {  	s3 =	sand.u32 $0x4000, s31;
	s1 =	sadd.s32 s1, s30  }
0xba: {  	s0 =	sor.u32 s3, s0;
	s1 =	sshll.u32 s1, $0x11  }
0xbb: {  	s0 =	sor.u32 s1, s0  }
0xbc: {  	s0 =	sadd.s32 $0x8F2B, s0  }
0xbd: {  	[sflag:s0] =	ssyncadd.remote.s32 $0x1  }
0xbe: {  	_ =	sfence.sel $0xFFFF  }
0xbf: {  	[dreg:$0x0] =	wrdreg $0xFFFFFFFF;
	(pc) =	sbr.abs _section_cstart, $3  }
0xc0: {  	[dreg:$0x1] =	wrdreg $0xFFFFFFFF  }
0xc1: {  	_ =	task.clear_ibuf [dreg:s6], $0x2FFFF;
	_ =	strace $0x9FFFFFFF  }
0xc2: {  	(tm) =	ssettm $0x7FFFFFFF  }
0xc3: {  	_ =	shalt  }
tec
execute0_lowered:
.L_overlay_start_1:
0x0: {  	(tag) =	ssettag $0x1  }
0x1: {  	s0 =	rddreg [dreg:$0x0]  }
0x2: {  	s1 =	rddreg [dreg:$0x1];
	s2 =	simm.s32 $0x0;
	s3 =	srdreg.scid  }
0x3: {  	s14 =	stileid.u32;
	s19 =	simm.s32 $0x5200;
	s28 =	simm.s32 $0x2A00  }
0x4: {  	s29 =	simm.s32 $0x1;
	s30 =	simm.s32 $0x2;
	[smem:$0x7FF] =	sst s2  }
0x5: {  	s3 =	sand.u32 $0x1, s3;
	s4 =	sadd.s32 $0x31000, s0;
	s12 =	smul.u32 $0x14000, s14  }
0x6: {  	s5 =	sadd.s32 $0x1D600, s0;
	p0 =	seq.s32 s14, $0xF;
	s22 =	smul.u32 $0x50000, s14  }
0x7: {  	s31 =	simm.s32 $0x0;
	_ =	strace $0x8000004D;
	s11 =	smul.u32 $0x138800, s3  }
0x8: {  	s6 =	sshll.u32 s3, $0x4;
	s8 =	ssub.s32 $0x2, s3;
	s3 =	smul.u32 $0x4E200, s3  }
0x9: {  	s7 =	sor.u32 s14, s6;
	s6 =	sadd.s32 $0x9C00, s0;
	s14 =	smul.u32 $0x4E20, s14  }
0xa: {  	s0 =	sadd.s32 $0x7F400, s0;
	s10 =	sshrl.u32 s8, $0x1;
	s9 =	smul.u32 $0x4E20, s7  }
0xb: {  	s7 =	simm.s32 $0x5;
	s8 =	ssub.s32 s8, s10;
	s21 =	sadd.s32 s12, s11  }
0xc: {  	s12 =	sshrl.u32 s22, $0x2;
	s23 =	sshrl.u32 s11, $0x3;
	s22 =	simm.s32 $0x50  }
0xd: {  	s7 =	simm.s32 @!p0 $0x8;
	s10 =	sshrl.u32 s21, $0x3;
	s11 =	sadd.s32 s12, s1  }
0xe: {  	s3 =	sadd.s32 s14, s3;
	s21 =	simm.s32 $0x80;
	s9 =	sshrl.u32 s9, $0x3  }
0xf: {  	s10 =	sadd.s32 s0, s10;
	s0 =	sadd.s32 s0, s23;
	s25 =	sadd.s32 $0x50, s3  }
0x10: {  	s16 =	sadd.s32 $0xA0, s3;
	s20 =	sadd.s32 s5, s9;
	[dreg:$0x5] =	wrdreg s10  }
0x11: {  	s23 =	simm.s32 $0x200;
	s13 =	sadd.s32 s6, s9;
	[dreg:$0x3] =	wrdreg s20  }
0x12: {  	s0 =	sadd.s32 $0x25800, s0;
	s24 =	sadd.s32 $0x9BA, s9;
	[dreg:$0x4] =	wrdreg s13  }
0x13: {  	s26 =	sshrl.u32 s25, $0x3;
	[dreg:$0x6] =	wrdreg s0;
	s0 =	sadd.s32 $0x12C000, s1  }
0x14: {  	s13 =	smax.u32 s8, $0x1;
	s14 =	sadd.s32 s5, s24;
	s15 =	sadd.s32 s6, s24  }
0x15: {  	s17 =	sadd.s32 s26, s6;
	s18 =	sadd.s32 s26, s5;
	s20 =	simm.s32 $0x3  }
0x16: {  	v0 =	vimm.f32 $0.0e+00;
	s24 =	simm.s32 $0x100;
	s26 =	simm.s32 $0x180;
	s25 =	sshrl.u32 @p0 s0, $0x3  }
.LBB2_1:
0x17: {  	s0 =	simm.s32 $0x0;
	s3 =	simm.s32 $0x200  }
.LBB2_2:
0x18: {  	p1 =	sne.s32 s3, $0x9E00;
	[tilespmem:s0+$0x5270] =	vst v0  }
0x19: {  	[tilespmem:s0+$0x5200] =	vst v0  }
0x1a: {  	[tilespmem:s0+$0x5210] =	vst v0  }
.Ltmp0:
0x1b: {  	[tilespmem:s0+$0x5220] =	vst v0;
	(pc) =	sbr.rel @p1 .LBB2_2-.Ltmp0, $4  }
0x1c: {  	[tilespmem:s0+$0x5230] =	vst v0  }
0x1d: {  	[tilespmem:s0+$0x5240] =	vst v0  }
0x1e: {  	[tilespmem:s0+$0x5250] =	vst v0  }
0x1f: {  	[tilespmem:s0+$0x5260] =	vst v0;
	s0 =	sshra.s32 s3, $0x2;
	s3 =	sadd.s32 $0x200, s3  }
0x20: {  	[tilespmem:s0+$0x5270] =	vst v0  }
0x21: {  	[tilespmem:s0+$0x5200] =	vst v0  }
0x22: {  	[tilespmem:s0+$0x5210] =	vst v0  }
0x23: {  	[tilespmem:s0+$0x5220] =	vst v0  }
0x24: {  	[tilespmem:s0+$0x5230] =	vst v0  }
0x25: {  	[tilespmem:s0+$0x5240] =	vst v0;
	p1 =	sne.s32 s7, $0x1  }
.Ltmp1:
0x26: {  	[tilespmem:s0+$0x5250] =	vst v0;
	(pc) =	sbr.rel @!p1 .LBB2_5-.Ltmp1, $4  }
0x27: {  	[tilespmem:s0+$0x5260] =	vst v0  }
0x28: {  	[spmem:s11] =	stream.linear.scatter [tilespmem:s19], [sflag:$0x3], $0x2800, $0x38;
	[tilespmem:$0x1B280] =	vst v63  }
0x29: {  	_ =	swait.ge [sflag:s20], $0x2800  }
0x2a: {  	s0 =	sadd.s32 $0xFFFFFFFF, s7;
	s3 =	smov.u32 s11;
	[sflag:s20] =	ssyncset.done $0x0  }
.LBB2_4:
0x2b: {  	p1 =	sne.s32 s0, $0x1;
	[sflag:s20] =	ssyncadd.s32 $0xFFFFD800;
	s3 =	sadd.s32 $0x2800, s3  }
.Ltmp2:
0x2c: {  	s0 =	sadd.s32 $0xFFFFFFFF, s0;
	(pc) =	sbr.rel @p1 .LBB2_4-.Ltmp2, $4  }
0x2d: {  	_ = 	snop  }
0x2e: {  	[spmem:s3] =	stream.linear.scatter [tilespmem:s19], [sflag:$0x3], $0x2800, $0x38;
	[tilespmem:$0x1B280] =	vst v63  }
0x2f: {  	_ =	swait.ge [sflag:s20], $0x2800  }
0x30: {  	[sflag:s20] =	ssyncset.done $0x0  }
.LBB2_5:
0x31: {  	[sflag:s20] =	ssyncadd.s32 $0xFFFFD800  }
0x32: {  	[bflag:$0x0] =	sbarrier.arrive $0xFFFF  }
0x33: {  	s0 =	simm.s32 $0x0;
	s3 =	rddreg [dreg:$0x3]  }
0x34: {  	[tilespmem:s0], [sflag:$0x3] =	stream.linear.gather [hbm4b:s3+s0], $0x50, $0x38;
	[tilespmem:$0x1B280] =	vst v63  }
0x35: {  	_ =	swait.ge [sflag:s20], $0x50  }
0x36: {  	[sflag:s20] =	ssyncset.done $0x0  }
0x37: {  	s12 =	rddreg [dreg:$0x4];
	[sflag:s20] =	ssyncadd.s32 $0xFFFFFFB0  }
0x38: {  	[tilespmem:s21], [sflag:$0x3] =	stream.linear.gather [hbm4b:s12+s0], $0x50, $0x38;
	[tilespmem:$0x1B280] =	vst v63  }
0x39: {  	_ =	swait.ge [sflag:s20], $0x50  }
0x3a: {  	[sflag:s20] =	ssyncset.done $0x0  }
0x3b: {  	[sflag:s20] =	ssyncadd.s32 $0xFFFFFFB0  }
0x3c: {  	[tilespmem:s23], [sflag:$0x1] =	stream.indirect.gather [hbm4b:s4+s22], $0x80, s0, s22, $0xb8;
	[tilespmem:$0x1B280] =	vst v63  }
0x3d: {  	s8 =	sadd.s32 $0x0, s18  }
0x3e: {  	[tilespmem:s24], [sflag:$0x3] =	stream.linear.gather [hbm4b:s8+s2], $0x50, $0x38;
	[tilespmem:$0x1B280] =	vst v63  }
0x3f: {  	_ =	swait.ge [sflag:s20], $0x50  }
0x40: {  	[sflag:s20] =	ssyncset.done $0x0  }
0x41: {  	s9 =	sadd.s32 $0x0, s17;
	[sflag:s20] =	ssyncadd.s32 $0xFFFFFFB0  }
0x42: {  	[tilespmem:s26], [sflag:$0x3] =	stream.linear.gather [hbm4b:s9+s2], $0x50, $0x38;
	[tilespmem:$0x1B280] =	vst v63  }
0x43: {  	_ =	swait.ge [sflag:s20], $0x50  }
0x44: {  	[sflag:s20] =	ssyncset.done $0x0  }
0x45: {  	[sflag:s20] =	ssyncadd.s32 $0xFFFFFFB0  }
0x46: {  	[tilespmem:s28], [sflag:$0x2] =	stream.indirect.gather [hbm4b:s4+s22], $0x80, s24, s22, $0xb8;
	[tilespmem:$0x1B280] =	vst v63  }
0x47: {  	_ =	swait.ge [sflag:s29], $0x2800  }
0x48: {  	[sflag:s29] =	ssyncset.done $0x0  }
0x49: {  	[sflag:s29] =	ssyncadd.s32 $0xFFFFD800  }
0x4a: {  	[spmem:s1] =	stream.indirect.scatter.add.f32 [tilespmem:s23], [sflag:$0x3], $0x80, s21, s22, $0xb8;
	[tilespmem:$0x1B280] =	vst v63  }
0x4b: {  	_ =	swait.ge [sflag:s20], $0x2800  }
0x4c: {  	s10 =	sshrl.u32 s16, $0x3;
	[sflag:s20] =	ssyncset.done $0x0  }
0x4d: {  	s12 =	sadd.s32 s5, s10;
	[sflag:s20] =	ssyncadd.s32 $0xFFFFD800  }
0x4e: {  	[tilespmem:s2], [sflag:$0x3] =	stream.linear.gather [hbm4b:s12+s2], $0x50, $0x38;
	[tilespmem:$0x1B280] =	vst v63  }
0x4f: {  	_ =	swait.ge [sflag:s20], $0x50  }
0x50: {  	[sflag:s20] =	ssyncset.done $0x0  }
0x51: {  	s0 =	sadd.s32 s6, s10;
	[sflag:s20] =	ssyncadd.s32 $0xFFFFFFB0  }
0x52: {  	[tilespmem:s21], [sflag:$0x3] =	stream.linear.gather [hbm4b:s0+s2], $0x50, $0x38;
	[tilespmem:$0x1B280] =	vst v63  }
0x53: {  	_ =	swait.ge [sflag:s20], $0x50  }
0x54: {  	[sflag:s20] =	ssyncset.done $0x0  }
0x55: {  	[sflag:s20] =	ssyncadd.s32 $0xFFFFFFB0  }
0x56: {  	[tilespmem:s23], [sflag:$0x1] =	stream.indirect.gather [hbm4b:s4+s22], $0x80, s2, s22, $0xb8;
	[tilespmem:$0x1B280] =	vst v63  }
0x57: {  	_ =	swait.ge [sflag:s30], $0x2800  }
0x58: {  	[sflag:s30] =	ssyncset.done $0x0  }
0x59: {  	[sflag:s30] =	ssyncadd.s32 $0xFFFFD800  }
0x5a: {  	[spmem:s1] =	stream.indirect.scatter.add.f32 [tilespmem:s28], [sflag:$0x3], $0x80, s26, s22, $0xb8;
	[tilespmem:$0x1B280] =	vst v63  }
0x5b: {  	s3 =	simm.s32 $0x14;
	_ =	swait.ge [sflag:s20], $0x2800  }
0x5c: {  	s8 =	simm.s32 $0x28;
	s0 =	sadd.s32 $0xA0, s16;
	[sflag:s20] =	ssyncset.done $0x0  }
.LBB2_6:
0x5d: {  	s10 =	sadd.s32 s3, s18  }
0x5e: {  	[sflag:s20] =	ssyncadd.s32 $0xFFFFD800;
	s12 =	smov.u32 s8;
	s9 =	sadd.s32 $0x14, s8  }
0x5f: {  	[tilespmem:s24], [sflag:$0x3] =	stream.linear.gather [hbm4b:s10+s2], $0x50, $0x38;
	[tilespmem:$0x1B280] =	vst v63  }
0x60: {  	p1 =	sne.s32 s8, $0x99C;
	_ =	swait.ge [sflag:s20], $0x50  }
0x61: {  	[sflag:s20] =	ssyncset.done $0x0  }
0x62: {  	s8 =	sadd.s32 s3, s17;
	s3 =	smov.u32 s12;
	[sflag:s20] =	ssyncadd.s32 $0xFFFFFFB0  }
0x63: {  	[tilespmem:s26], [sflag:$0x3] =	stream.linear.gather [hbm4b:s8+s2], $0x50, $0x38;
	[tilespmem:$0x1B280] =	vst v63  }
0x64: {  	_ =	swait.ge [sflag:s20], $0x50  }
0x65: {  	[sflag:s20] =	ssyncset.done $0x0  }
0x66: {  	[sflag:s20] =	ssyncadd.s32 $0xFFFFFFB0  }
0x67: {  	[tilespmem:s28], [sflag:$0x2] =	stream.indirect.gather [hbm4b:s4+s22], $0x80, s24, s22, $0xb8;
	[tilespmem:$0x1B280] =	vst v63  }
0x68: {  	_ =	swait.ge [sflag:s29], $0x2800  }
0x69: {  	[sflag:s29] =	ssyncset.done $0x0  }
0x6a: {  	[sflag:s29] =	ssyncadd.s32 $0xFFFFD800  }
0x6b: {  	[spmem:s1] =	stream.indirect.scatter.add.f32 [tilespmem:s23], [sflag:$0x3], $0x80, s21, s22, $0xb8;
	[tilespmem:$0x1B280] =	vst v63  }
0x6c: {  	_ =	swait.ge [sflag:s20], $0x2800  }
0x6d: {  	s8 =	sshrl.u32 s0, $0x3;
	[sflag:s20] =	ssyncset.done $0x0  }
0x6e: {  	s10 =	sadd.s32 s5, s8;
	[sflag:s20] =	ssyncadd.s32 $0xFFFFD800  }
0x6f: {  	[tilespmem:s2], [sflag:$0x3] =	stream.linear.gather [hbm4b:s10+s2], $0x50, $0x38;
	[tilespmem:$0x1B280] =	vst v63  }
0x70: {  	_ =	swait.ge [sflag:s20], $0x50  }
0x71: {  	[sflag:s20] =	ssyncset.done $0x0  }
0x72: {  	s8 =	sadd.s32 s6, s8;
	[sflag:s20] =	ssyncadd.s32 $0xFFFFFFB0  }
0x73: {  	[tilespmem:s21], [sflag:$0x3] =	stream.linear.gather [hbm4b:s8+s2], $0x50, $0x38;
	[tilespmem:$0x1B280] =	vst v63  }
0x74: {  	_ =	swait.ge [sflag:s20], $0x50  }
0x75: {  	[sflag:s20] =	ssyncset.done $0x0  }
0x76: {  	[sflag:s20] =	ssyncadd.s32 $0xFFFFFFB0  }
0x77: {  	[tilespmem:s23], [sflag:$0x1] =	stream.indirect.gather [hbm4b:s4+s22], $0x80, s2, s22, $0xb8;
	[tilespmem:$0x1B280] =	vst v63  }
0x78: {  	_ =	swait.ge [sflag:s30], $0x2800  }
.Ltmp3:
0x79: {  	[sflag:s30] =	ssyncset.done $0x0;
	(pc) =	sbr.rel @p1 .LBB2_6-.Ltmp3, $4  }
0x7a: {  	[sflag:s30] =	ssyncadd.s32 $0xFFFFD800  }
0x7b: {  	[spmem:s1] =	stream.indirect.scatter.add.f32 [tilespmem:s28], [sflag:$0x3], $0x80, s26, s22, $0xb8;
	[tilespmem:$0x1B280] =	vst v63  }
0x7c: {  	_ =	swait.ge [sflag:s20], $0x2800  }
0x7d: {  	s0 =	sadd.s32 $0xA0, s0;
	s8 =	smov.u32 s9;
	[sflag:s20] =	ssyncset.done $0x0  }
0x7e: {  	s8 =	sadd.s32 s3, s18;
	[sflag:s20] =	ssyncadd.s32 $0xFFFFD800  }
0x7f: {  	[tilespmem:s24], [sflag:$0x3] =	stream.linear.gather [hbm4b:s8+s2], $0x50, $0x38;
	[tilespmem:$0x1B280] =	vst v63  }
0x80: {  	_ =	swait.ge [sflag:s20], $0x50  }
0x81: {  	[sflag:s20] =	ssyncset.done $0x0  }
0x82: {  	s10 =	sadd.s32 s3, s17;
	[sflag:s20] =	ssyncadd.s32 $0xFFFFFFB0  }
0x83: {  	[tilespmem:s26], [sflag:$0x3] =	stream.linear.gather [hbm4b:s10+s2], $0x50, $0x38;
	[tilespmem:$0x1B280] =	vst v63  }
0x84: {  	_ =	swait.ge [sflag:s20], $0x50  }
0x85: {  	[sflag:s20] =	ssyncset.done $0x0  }
0x86: {  	[sflag:s20] =	ssyncadd.s32 $0xFFFFFFB0  }
0x87: {  	[tilespmem:s28], [sflag:$0x2] =	stream.indirect.gather [hbm4b:s4+s22], $0x80, s24, s22, $0xb8;
	[tilespmem:$0x1B280] =	vst v63  }
0x88: {  	_ =	swait.ge [sflag:s29], $0x2800  }
0x89: {  	[sflag:s29] =	ssyncset.done $0x0  }
0x8a: {  	[sflag:s29] =	ssyncadd.s32 $0xFFFFD800  }
0x8b: {  	[spmem:s1] =	stream.indirect.scatter.add.f32 [tilespmem:s23], [sflag:$0x3], $0x80, s21, s22, $0xb8;
	[tilespmem:$0x1B280] =	vst v63  }
0x8c: {  	_ =	swait.ge [sflag:s20], $0x2800  }
0x8d: {  	s0 =	sshrl.u32 s0, $0x3;
	[sflag:s20] =	ssyncset.done $0x0  }
0x8e: {  	s12 =	sadd.s32 s5, s0;
	[sflag:s20] =	ssyncadd.s32 $0xFFFFD800  }
0x8f: {  	[tilespmem:s2], [sflag:$0x3] =	stream.linear.gather [hbm4b:s12+s2], $0x50, $0x38;
	[tilespmem:$0x1B280] =	vst v63  }
0x90: {  	_ =	swait.ge [sflag:s20], $0x50  }
0x91: {  	[sflag:s20] =	ssyncset.done $0x0  }
0x92: {  	s0 =	sadd.s32 s6, s0;
	[sflag:s20] =	ssyncadd.s32 $0xFFFFFFB0  }
0x93: {  	[tilespmem:s21], [sflag:$0x3] =	stream.linear.gather [hbm4b:s0+s2], $0x50, $0x38;
	[tilespmem:$0x1B280] =	vst v63  }
0x94: {  	_ =	swait.ge [sflag:s20], $0x50  }
0x95: {  	[sflag:s20] =	ssyncset.done $0x0  }
0x96: {  	[sflag:s20] =	ssyncadd.s32 $0xFFFFFFB0  }
0x97: {  	[tilespmem:s23], [sflag:$0x1] =	stream.indirect.gather [hbm4b:s4+s22], $0x80, s2, s22, $0xb8;
	[tilespmem:$0x1B280] =	vst v63  }
0x98: {  	_ =	swait.ge [sflag:s30], $0x2800  }
0x99: {  	[sflag:s30] =	ssyncset.done $0x0  }
0x9a: {  	[sflag:s30] =	ssyncadd.s32 $0xFFFFD800  }
0x9b: {  	[spmem:s1] =	stream.indirect.scatter.add.f32 [tilespmem:s28], [sflag:$0x3], $0x80, s26, s22, $0xb8;
	[tilespmem:$0x1B280] =	vst v63  }
0x9c: {  	_ =	swait.ge [sflag:s20], $0x2800  }
0x9d: {  	[sflag:s20] =	ssyncset.done $0x0  }
0x9e: {  	[sflag:s20] =	ssyncadd.s32 $0xFFFFD800  }
0x9f: {  	[tilespmem:s24], [sflag:$0x3] =	stream.linear.gather [hbm4b:s14+s2], $0x50, $0x38;
	[tilespmem:$0x1B280] =	vst v63  }
0xa0: {  	_ =	swait.ge [sflag:s20], $0x50  }
0xa1: {  	[sflag:s20] =	ssyncset.done $0x0  }
0xa2: {  	[sflag:s20] =	ssyncadd.s32 $0xFFFFFFB0  }
0xa3: {  	[tilespmem:s26], [sflag:$0x3] =	stream.linear.gather [hbm4b:s15+s2], $0x50, $0x38;
	[tilespmem:$0x1B280] =	vst v63  }
0xa4: {  	_ =	swait.ge [sflag:s20], $0x50  }
0xa5: {  	[sflag:s20] =	ssyncset.done $0x0  }
0xa6: {  	[sflag:s20] =	ssyncadd.s32 $0xFFFFFFB0  }
0xa7: {  	[tilespmem:s28], [sflag:$0x2] =	stream.indirect.gather [hbm4b:s4+s22], $0x80, s24, s22, $0xb8;
	[tilespmem:$0x1B280] =	vst v63  }
0xa8: {  	_ =	swait.ge [sflag:s29], $0x2800  }
0xa9: {  	[sflag:s29] =	ssyncset.done $0x0  }
0xaa: {  	[sflag:s29] =	ssyncadd.s32 $0xFFFFD800  }
0xab: {  	[spmem:s1] =	stream.indirect.scatter.add.f32 [tilespmem:s23], [sflag:$0x3], $0x80, s21, s22, $0xb8;
	[tilespmem:$0x1B280] =	vst v63  }
0xac: {  	_ =	swait.ge [sflag:s20], $0x2800  }
0xad: {  	[sflag:s20] =	ssyncset.done $0x0  }
0xae: {  	[sflag:s20] =	ssyncadd.s32 $0xFFFFD800  }
0xaf: {  	_ =	swait.ge [sflag:s30], $0x2800  }
0xb0: {  	[sflag:s30] =	ssyncset.done $0x0  }
0xb1: {  	[sflag:s30] =	ssyncadd.s32 $0xFFFFD800  }
0xb2: {  	[spmem:s1] =	stream.indirect.scatter.add.f32 [tilespmem:s28], [sflag:$0x3], $0x80, s26, s22, $0xb8;
	[tilespmem:$0x1B280] =	vst v63  }
0xb3: {  	_ =	swait.ge [sflag:s20], $0x2800  }
0xb4: {  	[sflag:s20] =	ssyncset.done $0x0  }
0xb5: {  	[sflag:s20] =	ssyncadd.s32 $0xFFFFD800  }
0xb6: {  	[bflag:$0x0] =	sbarrier.arrive $0xFFFF  }
0xb7: {  	s0 =	simm.s32 @p0 $0x1FC3;
	s3 =	rddreg [dreg:$0x6]  }
0xb8: {  	[hbm:s3], [sflag:s0] =	dma.local @p0 [spmem:s25], $0x1900  }
0xb9: {  	s31 =	sadd.s32 $0x1, s31;
	s0 =	simm.s32 @p0 $0x3  }
0xba: {  	p1 =	sne.s32 s31, s13;
	s3 =	stileid.u32;
	_ =	swait.ge @p0 [sflag:s0], $0x1900  }
0xbb: {  	s3 =	sshll.u32 @!p0 s3, $0x6;
	[sflag:s0] =	ssyncset.done @p0 $0x0;
	s8 =	rddreg [dreg:$0x5]  }
0xbc: {  	[sflag:s0] =	ssyncadd.s32 @p0 $0xFFFFE700;
	s0 =	sor.u32 @!p0 $0x1C03, s3;
	s3 =	sshrl.u32 @!p0 s11, $0x3  }
0xbd: {  	[hbm:s8], [sflag:s0] =	dma.local @!p0 [spmem:s3], $0x2800  }
.Ltmp4:
0xbe: {  	_ = 	snop;
	(pc) =	sbr.rel @p1 .LBB2_1-.Ltmp4, $4  }
0xbf: {  	s0 =	simm.s32 @!p0 $0x3  }
0xc0: {  	_ =	swait.ge @!p0 [sflag:s0], $0x2800  }
0xc1: {  	[sflag:s0] =	ssyncset.done @!p0 $0x0  }
0xc2: {  	[sflag:s0] =	ssyncadd.s32 @!p0 $0xFFFFD800  }
0xc3: {  	_ =	sfence.sel $0x180000  }
0xc4: {  	[bflag:$0x0] =	sbarrier.arrive $0xFFFF  }
0xc5: {  	_ =	strace $0x9000004D  }
0xc6: {  	s0 =	stileid.u32;
	[bflag:$0x2] =	sbarrier.arrive $0xFFFF  }
0xc7: {  	p0 =	sne.s32 s0, $0x0;
	s0 =	rddreg [dreg:$0x2]  }
0xc8: {  	s0 =	sadd.s32 @!p0 $0x100000, s0  }
0xc9: {  	[sflag:s0] =	ssyncadd.tile.s32 @!p0 $0x1;
	_ =	shalt  }
.Lfunc_end2:
_tile_overlayer_lowered:
.L_overlay_start_2:
0xca: {  	(tag) =	ssettag $0x2  }
0xcb: {  	s0 =	rddreg [dreg:$0x0];
	s2 =	stileid.u32  }
0xcc: {  	s1 =	rddreg [dreg:$0x1];
	p0 =	sne.s32 s2, $0x0  }
0xcd: {  	s3 =	rddreg [dreg:$0x2];
	[bflag:$0x3] =	sbarrier.arrive $0xFFFF;
	s2 =	simm.s32 @!p0 $0x1C03  }
0xce: {  	[timem:s3], [sflag:s2] =	dma.local @!p0 [hbm:s0], s1  }
0xcf: {  	s0 =	simm.s32 @!p0 $0x3  }
0xd0: {  	_ =	swait.ge @!p0 [sflag:s0], s1  }
0xd1: {  	s1 =	ssub.s32 @!p0 $0x0, s1;
	[sflag:s0] =	ssyncset.done @!p0 $0x0  }
0xd2: {  	[sflag:s0] =	ssyncadd.s32 @!p0 s1  }
0xd3: {  	[bflag:$0x3] =	sbarrier.arrive $0xFFFF  }
0xd4: {  	_ =	shalt  }

// kernel: kernel.20.cloned.1.call-start
scs
__scs_entry_jumppad:
0x0: {  	(pc) =	sbr.rel $0x88, $3  }
0x1: {  	(tag) =	ssettag $0x0;
	lr =	simm.s32 $0x1  }
0x2: {  	[smem:$0x3F70] =	sst lr;
	_ =	strace $0xD0000000  }
0x3: {  	_ = 	snop  }
0x4: {  	_ = 	snop  }
0x5: {  	_ = 	snop  }
0x6: {  	_ = 	snop  }
0x7: {  	_ = 	snop  }
__scs_overlays_trampoline_lowered:
0x8: {  	[smem:$0x3F7F] =	sst s0  }
0x9: {  	[smem:$0x3F80] =	sst s1  }
0xa: {  	[smem:$0x3F81] =	sst s2  }
0xb: {  	[smem:$0x3F82] =	sst s3  }
0xc: {  	[smem:$0x3F83] =	sst s4  }
0xd: {  	[smem:$0x3F84] =	sst s5  }
0xe: {  	[smem:$0x3F85] =	sst s6  }
0xf: {  	[smem:$0x3F86] =	sst s7  }
0x10: {  	[smem:$0x3F87] =	sst s8  }
0x11: {  	[smem:$0x3F88] =	sst s9;
	s0 =	simm.s32 @!p0 $0x0  }
0x12: {  	s1 =	sld [smem:$0x3F6E];
	s0 =	simm.s32 @p0 $0x1  }
0x13: {  	[smem:$0x3F89] =	sst s0;
	s0 =	simm.s32 @!p1 $0x0  }
0x14: {  	s2 =	sld [smem:$0x3F6D];
	s0 =	simm.s32 @p1 $0x1  }
0x15: {  	[smem:$0x3F8A] =	sst s0;
	s0 =	simm.s32 @!p2 $0x0  }
0x16: {  	s3 =	sld [smem:$0x3FDB];
	s0 =	simm.s32 @p2 $0x1  }
0x17: {  	s4 =	simm.s32 $0x1BF5;
	[smem:$0x3F8C] =	sst s0  }
0x18: {  	s0 =	sld [smem:$0x3F6F];
	_ =	swait.ge [sflag:s4], $0x0  }
0x19: {  	s7 =	sld [smem:$0x3F70]  }
0x1a: {  	s8 =	sadd.s32 $0xFFFFE003, lr  }
0x1b: {  	s9 =	sadd.s32 $0xFFFFFEF7, lr;
	s5 =	simm.s32 $0xFFFFFFFF;
	p2 =	slt.u32 s8, $0xFFFFF086  }
0x1c: {  	p1 =	slt.u32 s9, $0xF7A;
	s5 =	simm.s32 @!p2 $0x0  }
0x1d: {  	s5 =	simm.s32 @p1 $0x1;
	p0 =	seq.s32 s7, s2  }
0x1e: {  	s7 =	smul.u32 @!p0 $0xF7A, s2;
	p2 =	seq.s32 @!p0 s5, $0x0  }
0x1f: {  	s9 =	smul.u32 $0xF7A, s1;
	s8 =	simm.s32 @!p0 $0x1BF5;
	p2 =	por !p2, p0  }
0x20: {  	[sflag:s8] =	ssyncset.s32 @!p0 $0xFFFFF086;
	s6 =	sadd.s32 @!p0 s3, s7;
	s7 =	simm.s32 @!p0 $0x108  }
0x21: {  	s3 =	sadd.s32 s3, s9;
	s6 =	sadd.s32 @!p0 $0x88, s6;
	s7 =	simm.s32 @p2 $0x1082  }
0x22: {  	[simem:s7], [sflag:s8] =	dma.local @!p0 [hbm:s6], $0xF7A  }
0x23: {  	s9 =	sor.u32 $0xD0000000, s2;
	s6 =	simm.s32 $0x108;
	_ =	swait.ge @!p0 [sflag:s8], $0x0  }
0x24: {  	s3 =	sadd.s32 $0x88, s3;
	s6 =	simm.s32 @!p1 $0x1082;
	[sflag:s4] =	ssyncset.s32 $0xFFFFF086  }
0x25: {  	[simem:s6], [sflag:s4] =	dma.local [hbm:s3], $0xF7A  }
0x26: {  	[smem:$0x3F70] =	sst s1;
	(tag) =	ssettag s2;
	_ =	strace s9  }
0x27: {  	s1 =	sld [smem:$0x3F80]  }
0x28: {  	s2 =	sld [smem:$0x3F81]  }
0x29: {  	s4 =	sld [smem:$0x3F83]  }
0x2a: {  	p0 =	seq.s32 s5, $0x0;
	s5 =	sld [smem:$0x3F84]  }
0x2b: {  	s6 =	sld [smem:$0x3F85]  }
0x2c: {  	s7 =	sld [smem:$0x3F86]  }
0x2d: {  	s3 =	simm.s32 $0x108;
	s8 =	sld [smem:$0x3F87]  }
0x2e: {  	s3 =	simm.s32 @!p0 $0x1082;
	s9 =	sld [smem:$0x3F88]  }
0x2f: {  	lr =	sadd.s32 s0, s3;
	s0 =	sld [smem:$0x3F7F]  }
0x30: {  	s3 =	sld [smem:$0x3F82]  }
0x31: {  	[smem:$0x3F8B] =	sst s10  }
0x32: {  	s10 =	sld [smem:$0x3F89];
	_ =	sdelay $0x3  }
0x33: {  	p0 =	seq.s32 s10, $0x1;
	s10 =	sld [smem:$0x3F8B];
	_ =	sdelay $0x3  }
0x34: {  	[smem:$0x3F8B] =	sst s10  }
0x35: {  	s10 =	sld [smem:$0x3F8A];
	_ =	sdelay $0x3  }
0x36: {  	p1 =	seq.s32 s10, $0x1;
	s10 =	sld [smem:$0x3F8B];
	_ =	sdelay $0x3  }
0x37: {  	[smem:$0x3F8B] =	sst s10  }
0x38: {  	s10 =	sld [smem:$0x3F8C]  }
0x39: {  	_ = 	snop;
	(pc) =	sbr.ind lr, $3  }
0x3a: {  	_ = 	snop  }
0x3b: {  	_ = 	snop  }
0x3c: {  	p2 =	seq.s32 s10, $0x1;
	s10 =	sld [smem:$0x3F8B]  }
0x3d: {  	_ =	shalt  }
0x3e: {  	_ =	shalt  }
0x3f: {  	_ =	shalt  }
0x40: {  	_ =	shalt  }
0x41: {  	_ =	shalt  }
0x42: {  	_ =	shalt  }
0x43: {  	_ =	shalt  }
0x44: {  	_ =	shalt  }
0x45: {  	_ =	shalt  }
0x46: {  	_ =	shalt  }
0x47: {  	_ =	shalt  }
0x48: {  	_ =	shalt  }
0x49: {  	_ =	shalt  }
0x4a: {  	_ =	shalt  }
0x4b: {  	_ =	shalt  }
0x4c: {  	_ =	shalt  }
0x4d: {  	_ =	shalt  }
0x4e: {  	_ =	shalt  }
0x4f: {  	_ =	shalt  }
0x50: {  	_ =	shalt  }
0x51: {  	_ =	shalt  }
0x52: {  	_ =	shalt  }
0x53: {  	_ =	shalt  }
0x54: {  	_ =	shalt  }
0x55: {  	_ =	shalt  }
0x56: {  	_ =	shalt  }
0x57: {  	_ =	shalt  }
0x58: {  	_ =	shalt  }
0x59: {  	_ =	shalt  }
0x5a: {  	_ =	shalt  }
0x5b: {  	_ =	shalt  }
0x5c: {  	_ =	shalt  }
0x5d: {  	_ =	shalt  }
0x5e: {  	_ =	shalt  }
0x5f: {  	_ =	shalt  }
0x60: {  	_ =	shalt  }
0x61: {  	_ =	shalt  }
0x62: {  	_ =	shalt  }
0x63: {  	_ =	shalt  }
0x64: {  	_ =	shalt  }
0x65: {  	_ =	shalt  }
0x66: {  	_ =	shalt  }
0x67: {  	_ =	shalt  }
0x68: {  	_ =	shalt  }
0x69: {  	_ =	shalt  }
0x6a: {  	_ =	shalt  }
0x6b: {  	_ =	shalt  }
0x6c: {  	_ =	shalt  }
0x6d: {  	_ =	shalt  }
0x6e: {  	_ =	shalt  }
0x6f: {  	_ =	shalt  }
0x70: {  	_ =	shalt  }
0x71: {  	_ =	shalt  }
0x72: {  	_ =	shalt  }
0x73: {  	_ =	shalt  }
0x74: {  	_ =	shalt  }
0x75: {  	_ =	shalt  }
0x76: {  	_ =	shalt  }
0x77: {  	_ =	shalt  }
0x78: {  	_ =	shalt  }
0x79: {  	_ =	shalt  }
0x7a: {  	_ =	shalt  }
0x7b: {  	_ =	shalt  }
0x7c: {  	_ =	shalt  }
0x7d: {  	_ =	shalt  }
0x7e: {  	_ =	shalt  }
0x7f: {  	_ =	shalt  }
0x80: {  	_ =	shalt  }
0x81: {  	_ =	shalt  }
0x82: {  	_ =	shalt  }
0x83: {  	_ =	shalt  }
0x84: {  	_ =	shalt  }
0x85: {  	_ =	shalt  }
0x86: {  	_ =	shalt  }
0x87: {  	_ =	shalt  }
.Lfunc_end0:
.L_simem_size_0:
called_computation.3_lowered:
.L_overlay_start_0:
0x88: {  	s2 =	sld [smem:$0x3FD9]  }
0x89: {  	s3 =	sld [smem:$0x3FFE];
	_ =	sdelay $0x1  }
0x8a: {  	s1 =	srdreg.scid  }
0x8b: {  	s0 =	sand.u32 $0x1, s1  }
0x8c: {  	s16 =	sshll.u32 s0, $0xA;
	s2 =	sadd.s32 s3, s2  }
0x8d: {  	s2 =	sadd.s32 s2, s16  }
0x8e: {  	[smem:$0x3F97] =	sst s2  }
0x8f: {  	_ = 	snop  }
0x90: {  	(tm) =	ssettm $0x1  }
0x91: {  	s17 =	sld [smem:$0x3FFB];
	_ =	sdelay $0x3  }
0x92: {  	_ =	strace s17  }
0x93: {  	s2 =	sld [smem:$0x3FFC];
	_ =	sdelay $0x3  }
0x94: {  	_ =	strace s2  }
0x95: {  	s2 =	sld [smem:$0x3FFD];
	_ =	sdelay $0x3  }
0x96: {  	_ =	strace s2  }
0x97: {  	_ =	strace $0x8FFFFFFF  }
0x98: {  	s18 =	sld [smem:$0x3FDB];
	_ =	sdelay $0x1  }
0x99: {  	s19 =	simm.s32 $_scs_section_size  }
0x9a: {  	s4 =	simm.s32 $_size__tile_overlayer_lowered;
	s5 =	simm.s32 $_tile_overlayer_lowered  }
0x9b: {  	s22 =	simm.s32 $0x1BFF;
	s21 =	sshll.u32 s5, $0x1;
	s2 =	sadd.s32 s19, s18  }
0x9c: {  	s6 =	simm.s32 $0x0;
	s20 =	sshll.u32 s4, $0x1;
	s4 =	sadd.s32 s21, s2  }
0x9d: {  	[timem:s6], [sflag:s22] =	dma.local [hbm:s4], s20  }
0x9e: {  	_ =	swait.ge [sflag:s22], s20  }
0x9f: {  	s3 =	ssub.s32 $0x0, s20;
	[sflag:s22] =	ssyncset.done $0x0  }
0xa0: {  	[sflag:s22] =	ssyncadd.s32 s3;
	_ =	sdelay $0x1  }
0xa1: {  	s23 =	simm.s32 $0x1B8B  }
0xa2: {  	_ =	swait.ge [sflag:s23], $0x1  }
0xa3: {  	[sflag:s23] =	ssyncset.done $0x0  }
0xa4: {  	s25 =	simm.s32 $0x1B8E;
	s24 =	sld [smem:$0x3FFE];
	[sflag:s23] =	ssyncadd.s32 $0xFFFFFFFF  }
0xa5: {  	s26 =	simm.s32 $execute0_lowered;
	[smem:$0x3FD2] =	sst s25  }
0xa6: {  	s4 =	sshll.u32 s26, $0x1;
	_ =	strace $0x8000004F;
	[dreg:$0x1] =	wrdreg $0xFFFFFFFF  }
0xa7: {  	s28 =	simm.s32 $_size_execute0_lowered;
	s2 =	sadd.s32 s2, s4;
	[dreg:$0x0] =	wrdreg $0x0  }
0xa8: {  	s4 =	sshll.u32 s28, $0x1;
	[dreg:$0x2] =	wrdreg s2  }
0xa9: {  	[dreg:$0x3] =	wrdreg s4  }
0xaa: {  	[dreg:$0x4] =	wrdreg $0xC0  }
0xab: {  	_ =	task [dreg:s6], $0x5FFFF  }
0xac: {  	[dreg:$0x1] =	wrdreg $0xFFFFFFFF  }
0xad: {  	[dreg:$0x0] =	wrdreg $0x60  }
0xae: {  	[dreg:$0x2] =	wrdreg s24  }
0xaf: {  	[dreg:$0x3] =	wrdreg $0x7A000  }
0xb0: {  	[dreg:$0x4] =	wrdreg $0x9  }
0xb1: {  	_ =	task.clear_ibuf [dreg:s6], $0x5FFFF;
	_ =	strace $0x9000004F  }
0xb2: {  	s29 =	simm.s32 $0x9;
	_ =	strace $0x80000051  }
0xb3: {  	_ =	swait.ge [sflag:s29], $0x1  }
0xb4: {  	[sflag:s29] =	ssyncadd.s32 $0xFFFFFFFF  }
0xb5: {  	_ =	strace $0x90000051  }
0xb6: {  	_ =	sfence  }
0xb7: {  	s30 =	sld [smem:$0x0];
	_ =	sdelay $0x2  }
0xb8: {  	s31 =	sshll.u32 s1, $0xD;
	s1 =	sshrl.u32 s1, $0x2  }
0xb9: {  	s3 =	sand.u32 $0x4000, s31;
	s1 =	sadd.s32 s1, s30  }
0xba: {  	s0 =	sor.u32 s3, s0;
	s1 =	sshll.u32 s1, $0x11  }
0xbb: {  	s0 =	sor.u32 s1, s0  }
0xbc: {  	s0 =	sadd.s32 $0x8F2B, s0  }
0xbd: {  	[sflag:s0] =	ssyncadd.remote.s32 $0x1  }
0xbe: {  	_ =	sfence.sel $0xFFFF  }
0xbf: {  	[dreg:$0x0] =	wrdreg $0xFFFFFFFF;
	(pc) =	sbr.abs _section_cstart, $3  }
0xc0: {  	[dreg:$0x1] =	wrdreg $0xFFFFFFFF  }
0xc1: {  	_ =	task.clear_ibuf [dreg:s6], $0x2FFFF;
	_ =	strace $0x9FFFFFFF  }
0xc2: {  	(tm) =	ssettm $0x7FFFFFFF  }
0xc3: {  	_ =	shalt  }
tec
execute0_lowered:
.L_overlay_start_1:
0x0: {  	(tag) =	ssettag $0x1  }
0x1: {  	s0 =	rddreg [dreg:$0x0]  }
0x2: {  	s1 =	rddreg [dreg:$0x1];
	s2 =	simm.s32 $0x0;
	s3 =	srdreg.scid  }
0x3: {  	s14 =	stileid.u32;
	s19 =	simm.s32 $0x5200;
	s28 =	simm.s32 $0x2A00  }
0x4: {  	s29 =	simm.s32 $0x1;
	s30 =	simm.s32 $0x2;
	[smem:$0x7FF] =	sst s2  }
0x5: {  	s3 =	sand.u32 $0x1, s3;
	s4 =	sadd.s32 $0x31000, s0;
	s12 =	smul.u32 $0x14000, s14  }
0x6: {  	s5 =	sadd.s32 $0x1D600, s0;
	p0 =	seq.s32 s14, $0xF;
	s22 =	smul.u32 $0x50000, s14  }
0x7: {  	s31 =	simm.s32 $0x0;
	_ =	strace $0x80000050;
	s11 =	smul.u32 $0x138800, s3  }
0x8: {  	s6 =	sshll.u32 s3, $0x4;
	s8 =	ssub.s32 $0x2, s3;
	s3 =	smul.u32 $0x4E200, s3  }
0x9: {  	s7 =	sor.u32 s14, s6;
	s6 =	sadd.s32 $0x9C00, s0;
	s14 =	smul.u32 $0x4E20, s14  }
0xa: {  	s0 =	sadd.s32 $0x7F400, s0;
	s10 =	sshrl.u32 s8, $0x1;
	s9 =	smul.u32 $0x4E20, s7  }
0xb: {  	s7 =	simm.s32 $0x5;
	s8 =	ssub.s32 s8, s10;
	s21 =	sadd.s32 s12, s11  }
0xc: {  	s12 =	sshrl.u32 s22, $0x2;
	s23 =	sshrl.u32 s11, $0x3;
	s22 =	simm.s32 $0x50  }
0xd: {  	s7 =	simm.s32 @!p0 $0x8;
	s10 =	sshrl.u32 s21, $0x3;
	s11 =	sadd.s32 s12, s1  }
0xe: {  	s3 =	sadd.s32 s14, s3;
	s21 =	simm.s32 $0x80;
	s9 =	sshrl.u32 s9, $0x3  }
0xf: {  	s10 =	sadd.s32 s0, s10;
	s0 =	sadd.s32 s0, s23;
	s25 =	sadd.s32 $0x50, s3  }
0x10: {  	s16 =	sadd.s32 $0xA0, s3;
	s20 =	sadd.s32 s5, s9;
	[dreg:$0x5] =	wrdreg s10  }
0x11: {  	s23 =	simm.s32 $0x200;
	s13 =	sadd.s32 s6, s9;
	[dreg:$0x3] =	wrdreg s20  }
0x12: {  	s0 =	sadd.s32 $0x25800, s0;
	s24 =	sadd.s32 $0x9BA, s9;
	[dreg:$0x4] =	wrdreg s13  }
0x13: {  	s26 =	sshrl.u32 s25, $0x3;
	[dreg:$0x6] =	wrdreg s0;
	s0 =	sadd.s32 $0x12C000, s1  }
0x14: {  	s13 =	smax.u32 s8, $0x1;
	s14 =	sadd.s32 s5, s24;
	s15 =	sadd.s32 s6, s24  }
0x15: {  	s17 =	sadd.s32 s26, s6;
	s18 =	sadd.s32 s26, s5;
	s20 =	simm.s32 $0x3  }
0x16: {  	v0 =	vimm.f32 $0.0e+00;
	s24 =	simm.s32 $0x100;
	s26 =	simm.s32 $0x180;
	s25 =	sshrl.u32 @p0 s0, $0x3  }
.LBB2_1:
0x17: {  	s0 =	simm.s32 $0x0;
	s3 =	simm.s32 $0x200  }
.LBB2_2:
0x18: {  	p1 =	sne.s32 s3, $0x9E00;
	[tilespmem:s0+$0x5270] =	vst v0  }
0x19: {  	[tilespmem:s0+$0x5200] =	vst v0  }
0x1a: {  	[tilespmem:s0+$0x5210] =	vst v0  }
.Ltmp0:
0x1b: {  	[tilespmem:s0+$0x5220] =	vst v0;
	(pc) =	sbr.rel @p1 .LBB2_2-.Ltmp0, $4  }
0x1c: {  	[tilespmem:s0+$0x5230] =	vst v0  }
0x1d: {  	[tilespmem:s0+$0x5240] =	vst v0  }
0x1e: {  	[tilespmem:s0+$0x5250] =	vst v0  }
0x1f: {  	[tilespmem:s0+$0x5260] =	vst v0;
	s0 =	sshra.s32 s3, $0x2;
	s3 =	sadd.s32 $0x200, s3  }
0x20: {  	[tilespmem:s0+$0x5270] =	vst v0  }
0x21: {  	[tilespmem:s0+$0x5200] =	vst v0  }
0x22: {  	[tilespmem:s0+$0x5210] =	vst v0  }
0x23: {  	[tilespmem:s0+$0x5220] =	vst v0  }
0x24: {  	[tilespmem:s0+$0x5230] =	vst v0  }
0x25: {  	[tilespmem:s0+$0x5240] =	vst v0;
	p1 =	sne.s32 s7, $0x1  }
.Ltmp1:
0x26: {  	[tilespmem:s0+$0x5250] =	vst v0;
	(pc) =	sbr.rel @!p1 .LBB2_5-.Ltmp1, $4  }
0x27: {  	[tilespmem:s0+$0x5260] =	vst v0  }
0x28: {  	[spmem:s11] =	stream.linear.scatter [tilespmem:s19], [sflag:$0x3], $0x2800, $0x38;
	[tilespmem:$0x1B280] =	vst v63  }
0x29: {  	_ =	swait.ge [sflag:s20], $0x2800  }
0x2a: {  	s0 =	sadd.s32 $0xFFFFFFFF, s7;
	s3 =	smov.u32 s11;
	[sflag:s20] =	ssyncset.done $0x0  }
.LBB2_4:
0x2b: {  	p1 =	sne.s32 s0, $0x1;
	[sflag:s20] =	ssyncadd.s32 $0xFFFFD800;
	s3 =	sadd.s32 $0x2800, s3  }
.Ltmp2:
0x2c: {  	s0 =	sadd.s32 $0xFFFFFFFF, s0;
	(pc) =	sbr.rel @p1 .LBB2_4-.Ltmp2, $4  }
0x2d: {  	_ = 	snop  }
0x2e: {  	[spmem:s3] =	stream.linear.scatter [tilespmem:s19], [sflag:$0x3], $0x2800, $0x38;
	[tilespmem:$0x1B280] =	vst v63  }
0x2f: {  	_ =	swait.ge [sflag:s20], $0x2800  }
0x30: {  	[sflag:s20] =	ssyncset.done $0x0  }
.LBB2_5:
0x31: {  	[sflag:s20] =	ssyncadd.s32 $0xFFFFD800  }
0x32: {  	[bflag:$0x0] =	sbarrier.arrive $0xFFFF  }
0x33: {  	s0 =	simm.s32 $0x0;
	s3 =	rddreg [dreg:$0x3]  }
0x34: {  	[tilespmem:s0], [sflag:$0x3] =	stream.linear.gather [hbm4b:s3+s0], $0x50, $0x38;
	[tilespmem:$0x1B280] =	vst v63  }
0x35: {  	_ =	swait.ge [sflag:s20], $0x50  }
0x36: {  	[sflag:s20] =	ssyncset.done $0x0  }
0x37: {  	s12 =	rddreg [dreg:$0x4];
	[sflag:s20] =	ssyncadd.s32 $0xFFFFFFB0  }
0x38: {  	[tilespmem:s21], [sflag:$0x3] =	stream.linear.gather [hbm4b:s12+s0], $0x50, $0x38;
	[tilespmem:$0x1B280] =	vst v63  }
0x39: {  	_ =	swait.ge [sflag:s20], $0x50  }
0x3a: {  	[sflag:s20] =	ssyncset.done $0x0  }
0x3b: {  	[sflag:s20] =	ssyncadd.s32 $0xFFFFFFB0  }
0x3c: {  	[tilespmem:s23], [sflag:$0x1] =	stream.indirect.gather [hbm4b:s4+s22], $0x80, s0, s22, $0xb8;
	[tilespmem:$0x1B280] =	vst v63  }
0x3d: {  	s8 =	sadd.s32 $0x0, s18  }
0x3e: {  	[tilespmem:s24], [sflag:$0x3] =	stream.linear.gather [hbm4b:s8+s2], $0x50, $0x38;
	[tilespmem:$0x1B280] =	vst v63  }
0x3f: {  	_ =	swait.ge [sflag:s20], $0x50  }
0x40: {  	[sflag:s20] =	ssyncset.done $0x0  }
0x41: {  	s9 =	sadd.s32 $0x0, s17;
	[sflag:s20] =	ssyncadd.s32 $0xFFFFFFB0  }
0x42: {  	[tilespmem:s26], [sflag:$0x3] =	stream.linear.gather [hbm4b:s9+s2], $0x50, $0x38;
	[tilespmem:$0x1B280] =	vst v63  }
0x43: {  	_ =	swait.ge [sflag:s20], $0x50  }
0x44: {  	[sflag:s20] =	ssyncset.done $0x0  }
0x45: {  	[sflag:s20] =	ssyncadd.s32 $0xFFFFFFB0  }
0x46: {  	[tilespmem:s28], [sflag:$0x2] =	stream.indirect.gather [hbm4b:s4+s22], $0x80, s24, s22, $0xb8;
	[tilespmem:$0x1B280] =	vst v63  }
0x47: {  	_ =	swait.ge [sflag:s29], $0x2800  }
0x48: {  	[sflag:s29] =	ssyncset.done $0x0  }
0x49: {  	[sflag:s29] =	ssyncadd.s32 $0xFFFFD800  }
0x4a: {  	[spmem:s1] =	stream.indirect.scatter.add.f32 [tilespmem:s23], [sflag:$0x3], $0x80, s21, s22, $0xb8;
	[tilespmem:$0x1B280] =	vst v63  }
0x4b: {  	_ =	swait.ge [sflag:s20], $0x2800  }
0x4c: {  	s10 =	sshrl.u32 s16, $0x3;
	[sflag:s20] =	ssyncset.done $0x0  }
0x4d: {  	s12 =	sadd.s32 s5, s10;
	[sflag:s20] =	ssyncadd.s32 $0xFFFFD800  }
0x4e: {  	[tilespmem:s2], [sflag:$0x3] =	stream.linear.gather [hbm4b:s12+s2], $0x50, $0x38;
	[tilespmem:$0x1B280] =	vst v63  }
0x4f: {  	_ =	swait.ge [sflag:s20], $0x50  }
0x50: {  	[sflag:s20] =	ssyncset.done $0x0  }
0x51: {  	s0 =	sadd.s32 s6, s10;
	[sflag:s20] =	ssyncadd.s32 $0xFFFFFFB0  }
0x52: {  	[tilespmem:s21], [sflag:$0x3] =	stream.linear.gather [hbm4b:s0+s2], $0x50, $0x38;
	[tilespmem:$0x1B280] =	vst v63  }
0x53: {  	_ =	swait.ge [sflag:s20], $0x50  }
0x54: {  	[sflag:s20] =	ssyncset.done $0x0  }
0x55: {  	[sflag:s20] =	ssyncadd.s32 $0xFFFFFFB0  }
0x56: {  	[tilespmem:s23], [sflag:$0x1] =	stream.indirect.gather [hbm4b:s4+s22], $0x80, s2, s22, $0xb8;
	[tilespmem:$0x1B280] =	vst v63  }
0x57: {  	_ =	swait.ge [sflag:s30], $0x2800  }
0x58: {  	[sflag:s30] =	ssyncset.done $0x0  }
0x59: {  	[sflag:s30] =	ssyncadd.s32 $0xFFFFD800  }
0x5a: {  	[spmem:s1] =	stream.indirect.scatter.add.f32 [tilespmem:s28], [sflag:$0x3], $0x80, s26, s22, $0xb8;
	[tilespmem:$0x1B280] =	vst v63  }
0x5b: {  	s3 =	simm.s32 $0x14;
	_ =	swait.ge [sflag:s20], $0x2800  }
0x5c: {  	s8 =	simm.s32 $0x28;
	s0 =	sadd.s32 $0xA0, s16;
	[sflag:s20] =	ssyncset.done $0x0  }
.LBB2_6:
0x5d: {  	s10 =	sadd.s32 s3, s18  }
0x5e: {  	[sflag:s20] =	ssyncadd.s32 $0xFFFFD800;
	s12 =	smov.u32 s8;
	s9 =	sadd.s32 $0x14, s8  }
0x5f: {  	[tilespmem:s24], [sflag:$0x3] =	stream.linear.gather [hbm4b:s10+s2], $0x50, $0x38;
	[tilespmem:$0x1B280] =	vst v63  }
0x60: {  	p1 =	sne.s32 s8, $0x99C;
	_ =	swait.ge [sflag:s20], $0x50  }
0x61: {  	[sflag:s20] =	ssyncset.done $0x0  }
0x62: {  	s8 =	sadd.s32 s3, s17;
	s3 =	smov.u32 s12;
	[sflag:s20] =	ssyncadd.s32 $0xFFFFFFB0  }
0x63: {  	[tilespmem:s26], [sflag:$0x3] =	stream.linear.gather [hbm4b:s8+s2], $0x50, $0x38;
	[tilespmem:$0x1B280] =	vst v63  }
0x64: {  	_ =	swait.ge [sflag:s20], $0x50  }
0x65: {  	[sflag:s20] =	ssyncset.done $0x0  }
0x66: {  	[sflag:s20] =	ssyncadd.s32 $0xFFFFFFB0  }
0x67: {  	[tilespmem:s28], [sflag:$0x2] =	stream.indirect.gather [hbm4b:s4+s22], $0x80, s24, s22, $0xb8;
	[tilespmem:$0x1B280] =	vst v63  }
0x68: {  	_ =	swait.ge [sflag:s29], $0x2800  }
0x69: {  	[sflag:s29] =	ssyncset.done $0x0  }
0x6a: {  	[sflag:s29] =	ssyncadd.s32 $0xFFFFD800  }
0x6b: {  	[spmem:s1] =	stream.indirect.scatter.add.f32 [tilespmem:s23], [sflag:$0x3], $0x80, s21, s22, $0xb8;
	[tilespmem:$0x1B280] =	vst v63  }
0x6c: {  	_ =	swait.ge [sflag:s20], $0x2800  }
0x6d: {  	s8 =	sshrl.u32 s0, $0x3;
	[sflag:s20] =	ssyncset.done $0x0  }
0x6e: {  	s10 =	sadd.s32 s5, s8;
	[sflag:s20] =	ssyncadd.s32 $0xFFFFD800  }
0x6f: {  	[tilespmem:s2], [sflag:$0x3] =	stream.linear.gather [hbm4b:s10+s2], $0x50, $0x38;
	[tilespmem:$0x1B280] =	vst v63  }
0x70: {  	_ =	swait.ge [sflag:s20], $0x50  }
0x71: {  	[sflag:s20] =	ssyncset.done $0x0  }
0x72: {  	s8 =	sadd.s32 s6, s8;
	[sflag:s20] =	ssyncadd.s32 $0xFFFFFFB0  }
0x73: {  	[tilespmem:s21], [sflag:$0x3] =	stream.linear.gather [hbm4b:s8+s2], $0x50, $0x38;
	[tilespmem:$0x1B280] =	vst v63  }
0x74: {  	_ =	swait.ge [sflag:s20], $0x50  }
0x75: {  	[sflag:s20] =	ssyncset.done $0x0  }
0x76: {  	[sflag:s20] =	ssyncadd.s32 $0xFFFFFFB0  }
0x77: {  	[tilespmem:s23], [sflag:$0x1] =	stream.indirect.gather [hbm4b:s4+s22], $0x80, s2, s22, $0xb8;
	[tilespmem:$0x1B280] =	vst v63  }
0x78: {  	_ =	swait.ge [sflag:s30], $0x2800  }
.Ltmp3:
0x79: {  	[sflag:s30] =	ssyncset.done $0x0;
	(pc) =	sbr.rel @p1 .LBB2_6-.Ltmp3, $4  }
0x7a: {  	[sflag:s30] =	ssyncadd.s32 $0xFFFFD800  }
0x7b: {  	[spmem:s1] =	stream.indirect.scatter.add.f32 [tilespmem:s28], [sflag:$0x3], $0x80, s26, s22, $0xb8;
	[tilespmem:$0x1B280] =	vst v63  }
0x7c: {  	_ =	swait.ge [sflag:s20], $0x2800  }
0x7d: {  	s0 =	sadd.s32 $0xA0, s0;
	s8 =	smov.u32 s9;
	[sflag:s20] =	ssyncset.done $0x0  }
0x7e: {  	s8 =	sadd.s32 s3, s18;
	[sflag:s20] =	ssyncadd.s32 $0xFFFFD800  }
0x7f: {  	[tilespmem:s24], [sflag:$0x3] =	stream.linear.gather [hbm4b:s8+s2], $0x50, $0x38;
	[tilespmem:$0x1B280] =	vst v63  }
0x80: {  	_ =	swait.ge [sflag:s20], $0x50  }
0x81: {  	[sflag:s20] =	ssyncset.done $0x0  }
0x82: {  	s10 =	sadd.s32 s3, s17;
	[sflag:s20] =	ssyncadd.s32 $0xFFFFFFB0  }
0x83: {  	[tilespmem:s26], [sflag:$0x3] =	stream.linear.gather [hbm4b:s10+s2], $0x50, $0x38;
	[tilespmem:$0x1B280] =	vst v63  }
0x84: {  	_ =	swait.ge [sflag:s20], $0x50  }
0x85: {  	[sflag:s20] =	ssyncset.done $0x0  }
0x86: {  	[sflag:s20] =	ssyncadd.s32 $0xFFFFFFB0  }
0x87: {  	[tilespmem:s28], [sflag:$0x2] =	stream.indirect.gather [hbm4b:s4+s22], $0x80, s24, s22, $0xb8;
	[tilespmem:$0x1B280] =	vst v63  }
0x88: {  	_ =	swait.ge [sflag:s29], $0x2800  }
0x89: {  	[sflag:s29] =	ssyncset.done $0x0  }
0x8a: {  	[sflag:s29] =	ssyncadd.s32 $0xFFFFD800  }
0x8b: {  	[spmem:s1] =	stream.indirect.scatter.add.f32 [tilespmem:s23], [sflag:$0x3], $0x80, s21, s22, $0xb8;
	[tilespmem:$0x1B280] =	vst v63  }
0x8c: {  	_ =	swait.ge [sflag:s20], $0x2800  }
0x8d: {  	s0 =	sshrl.u32 s0, $0x3;
	[sflag:s20] =	ssyncset.done $0x0  }
0x8e: {  	s12 =	sadd.s32 s5, s0;
	[sflag:s20] =	ssyncadd.s32 $0xFFFFD800  }
0x8f: {  	[tilespmem:s2], [sflag:$0x3] =	stream.linear.gather [hbm4b:s12+s2], $0x50, $0x38;
	[tilespmem:$0x1B280] =	vst v63  }
0x90: {  	_ =	swait.ge [sflag:s20], $0x50  }
0x91: {  	[sflag:s20] =	ssyncset.done $0x0  }
0x92: {  	s0 =	sadd.s32 s6, s0;
	[sflag:s20] =	ssyncadd.s32 $0xFFFFFFB0  }
0x93: {  	[tilespmem:s21], [sflag:$0x3] =	stream.linear.gather [hbm4b:s0+s2], $0x50, $0x38;
	[tilespmem:$0x1B280] =	vst v63  }
0x94: {  	_ =	swait.ge [sflag:s20], $0x50  }
0x95: {  	[sflag:s20] =	ssyncset.done $0x0  }
0x96: {  	[sflag:s20] =	ssyncadd.s32 $0xFFFFFFB0  }
0x97: {  	[tilespmem:s23], [sflag:$0x1] =	stream.indirect.gather [hbm4b:s4+s22], $0x80, s2, s22, $0xb8;
	[tilespmem:$0x1B280] =	vst v63  }
0x98: {  	_ =	swait.ge [sflag:s30], $0x2800  }
0x99: {  	[sflag:s30] =	ssyncset.done $0x0  }
0x9a: {  	[sflag:s30] =	ssyncadd.s32 $0xFFFFD800  }
0x9b: {  	[spmem:s1] =	stream.indirect.scatter.add.f32 [tilespmem:s28], [sflag:$0x3], $0x80, s26, s22, $0xb8;
	[tilespmem:$0x1B280] =	vst v63  }
0x9c: {  	_ =	swait.ge [sflag:s20], $0x2800  }
0x9d: {  	[sflag:s20] =	ssyncset.done $0x0  }
0x9e: {  	[sflag:s20] =	ssyncadd.s32 $0xFFFFD800  }
0x9f: {  	[tilespmem:s24], [sflag:$0x3] =	stream.linear.gather [hbm4b:s14+s2], $0x50, $0x38;
	[tilespmem:$0x1B280] =	vst v63  }
0xa0: {  	_ =	swait.ge [sflag:s20], $0x50  }
0xa1: {  	[sflag:s20] =	ssyncset.done $0x0  }
0xa2: {  	[sflag:s20] =	ssyncadd.s32 $0xFFFFFFB0  }
0xa3: {  	[tilespmem:s26], [sflag:$0x3] =	stream.linear.gather [hbm4b:s15+s2], $0x50, $0x38;
	[tilespmem:$0x1B280] =	vst v63  }
0xa4: {  	_ =	swait.ge [sflag:s20], $0x50  }
0xa5: {  	[sflag:s20] =	ssyncset.done $0x0  }
0xa6: {  	[sflag:s20] =	ssyncadd.s32 $0xFFFFFFB0  }
0xa7: {  	[tilespmem:s28], [sflag:$0x2] =	stream.indirect.gather [hbm4b:s4+s22], $0x80, s24, s22, $0xb8;
	[tilespmem:$0x1B280] =	vst v63  }
0xa8: {  	_ =	swait.ge [sflag:s29], $0x2800  }
0xa9: {  	[sflag:s29] =	ssyncset.done $0x0  }
0xaa: {  	[sflag:s29] =	ssyncadd.s32 $0xFFFFD800  }
0xab: {  	[spmem:s1] =	stream.indirect.scatter.add.f32 [tilespmem:s23], [sflag:$0x3], $0x80, s21, s22, $0xb8;
	[tilespmem:$0x1B280] =	vst v63  }
0xac: {  	_ =	swait.ge [sflag:s20], $0x2800  }
0xad: {  	[sflag:s20] =	ssyncset.done $0x0  }
0xae: {  	[sflag:s20] =	ssyncadd.s32 $0xFFFFD800  }
0xaf: {  	_ =	swait.ge [sflag:s30], $0x2800  }
0xb0: {  	[sflag:s30] =	ssyncset.done $0x0  }
0xb1: {  	[sflag:s30] =	ssyncadd.s32 $0xFFFFD800  }
0xb2: {  	[spmem:s1] =	stream.indirect.scatter.add.f32 [tilespmem:s28], [sflag:$0x3], $0x80, s26, s22, $0xb8;
	[tilespmem:$0x1B280] =	vst v63  }
0xb3: {  	_ =	swait.ge [sflag:s20], $0x2800  }
0xb4: {  	[sflag:s20] =	ssyncset.done $0x0  }
0xb5: {  	[sflag:s20] =	ssyncadd.s32 $0xFFFFD800  }
0xb6: {  	[bflag:$0x0] =	sbarrier.arrive $0xFFFF  }
0xb7: {  	s0 =	simm.s32 @p0 $0x1FC3;
	s3 =	rddreg [dreg:$0x6]  }
0xb8: {  	[hbm:s3], [sflag:s0] =	dma.local @p0 [spmem:s25], $0x1900  }
0xb9: {  	s31 =	sadd.s32 $0x1, s31;
	s0 =	simm.s32 @p0 $0x3  }
0xba: {  	p1 =	sne.s32 s31, s13;
	s3 =	stileid.u32;
	_ =	swait.ge @p0 [sflag:s0], $0x1900  }
0xbb: {  	s3 =	sshll.u32 @!p0 s3, $0x6;
	[sflag:s0] =	ssyncset.done @p0 $0x0;
	s8 =	rddreg [dreg:$0x5]  }
0xbc: {  	[sflag:s0] =	ssyncadd.s32 @p0 $0xFFFFE700;
	s0 =	sor.u32 @!p0 $0x1C03, s3;
	s3 =	sshrl.u32 @!p0 s11, $0x3  }
0xbd: {  	[hbm:s8], [sflag:s0] =	dma.local @!p0 [spmem:s3], $0x2800  }
.Ltmp4:
0xbe: {  	_ = 	snop;
	(pc) =	sbr.rel @p1 .LBB2_1-.Ltmp4, $4  }
0xbf: {  	s0 =	simm.s32 @!p0 $0x3  }
0xc0: {  	_ =	swait.ge @!p0 [sflag:s0], $0x2800  }
0xc1: {  	[sflag:s0] =	ssyncset.done @!p0 $0x0  }
0xc2: {  	[sflag:s0] =	ssyncadd.s32 @!p0 $0xFFFFD800  }
0xc3: {  	_ =	sfence.sel $0x180000  }
0xc4: {  	[bflag:$0x0] =	sbarrier.arrive $0xFFFF  }
0xc5: {  	_ =	strace $0x90000050  }
0xc6: {  	s0 =	stileid.u32;
	[bflag:$0x2] =	sbarrier.arrive $0xFFFF  }
0xc7: {  	p0 =	sne.s32 s0, $0x0;
	s0 =	rddreg [dreg:$0x2]  }
0xc8: {  	s0 =	sadd.s32 @!p0 $0x100000, s0  }
0xc9: {  	[sflag:s0] =	ssyncadd.tile.s32 @!p0 $0x1;
	_ =	shalt  }
.Lfunc_end2:
_tile_overlayer_lowered:
.L_overlay_start_2:
0xca: {  	(tag) =	ssettag $0x2  }
0xcb: {  	s0 =	rddreg [dreg:$0x0];
	s2 =	stileid.u32  }
0xcc: {  	s1 =	rddreg [dreg:$0x1];
	p0 =	sne.s32 s2, $0x0  }
0xcd: {  	s3 =	rddreg [dreg:$0x2];
	[bflag:$0x3] =	sbarrier.arrive $0xFFFF;
	s2 =	simm.s32 @!p0 $0x1C03  }
0xce: {  	[timem:s3], [sflag:s2] =	dma.local @!p0 [hbm:s0], s1  }
0xcf: {  	s0 =	simm.s32 @!p0 $0x3  }
0xd0: {  	_ =	swait.ge @!p0 [sflag:s0], s1  }
0xd1: {  	s1 =	ssub.s32 @!p0 $0x0, s1;
	[sflag:s0] =	ssyncset.done @!p0 $0x0  }
0xd2: {  	[sflag:s0] =	ssyncadd.s32 @!p0 s1  }
0xd3: {  	[bflag:$0x3] =	sbarrier.arrive $0xFFFF  }
0xd4: {  	_ =	shalt  }

</sc_bundles>
